<compile_context>
chip_gen: v7x
topology: tpu7x:2x2x1
jax: 0.10.2.dev20260603
libtpu: 0.0.44.dev20260713+nightly
codegen_flags: <defaults>
</compile_context>

<pallas_src>
import functools

import jax
import jax.numpy as jnp
from jax import lax
from jax.experimental import pallas as pl
from jax.experimental.pallas import tpu as pltpu
from jax.experimental.pallas import tpu_sc as plsc

N_AGT = 4096
N_CTX = 8192
D = 128
K = 128
AB = 64
EPS = 1e-5
SENT = 1e9


def _gn_rows(x, g, b):
    m = jnp.mean(x, axis=-1, keepdims=True)
    v = jnp.mean((x - m) ** 2, axis=-1, keepdims=True)
    return (x - m) * lax.rsqrt(v + EPS) * g + b



def _qpart_body(agts_ref, qW_ref, qg_ref, qb_ref, W1q_ref, o_ref):
    x = agts_ref[...]
    q = lax.dot_general(x, qW_ref[...], (((1,), (1,)), ((), ())))
    q = jnp.maximum(_gn_rows(q, qg_ref[...], qb_ref[...]), 0.0)
    o_ref[...] = lax.dot_general(q, W1q_ref[...], (((1,), (1,)), ((), ())))


def _cpart_body(ctx_ref, W1c_ref, o_ref):
    o_ref[...] = lax.dot_general(ctx_ref[...], W1c_ref[...],
                                 (((1,), (1,)), ((), ())))


def _run_prework(agts, q_W, q_g, q_b, W1q, ctx, W1c):
    rb = min(1024, N_AGT, N_CTX)
    full = lambda i: (0, 0)
    qpart = pl.pallas_call(
        _qpart_body,
        grid=(N_AGT // rb,),
        in_specs=[
            pl.BlockSpec((rb, D), lambda i: (i, 0)),
            pl.BlockSpec((D, D), full),
            pl.BlockSpec((1, D), full),
            pl.BlockSpec((1, D), full),
            pl.BlockSpec((D, D), full),
        ],
        out_specs=pl.BlockSpec((rb, D), lambda i: (i, 0)),
        out_shape=jax.ShapeDtypeStruct((N_AGT, D), jnp.float32),
    )(agts, q_W, q_g.reshape(1, D), q_b.reshape(1, D), W1q)
    cpart = pl.pallas_call(
        _cpart_body,
        grid=(N_CTX // rb,),
        in_specs=[
            pl.BlockSpec((rb, D), lambda i: (i, 0)),
            pl.BlockSpec((D, D), full),
        ],
        out_specs=pl.BlockSpec((rb, D), lambda i: (i, 0)),
        out_shape=jax.ShapeDtypeStruct((N_CTX, D), jnp.float32),
    )(ctx, W1c)
    return qpart, cpart



def _sc_search_gather(ctx_x, ctx_y, agt_x, agt_y, th2v, cpart):
    info = plsc.get_sparse_core_info()
    NC, NS = info.num_cores, info.num_subcores
    NW = NC * NS
    A_PER = N_AGT // NW

    mesh = plsc.VectorSubcoreMesh(core_axis_name="c", subcore_axis_name="s")

    @functools.partial(
        pl.kernel,
        out_type=(
            jax.ShapeDtypeStruct((N_AGT, K), jnp.float32),
            jax.ShapeDtypeStruct((N_AGT, K), jnp.float32),
            jax.ShapeDtypeStruct((N_AGT, K, D), jnp.float32),
        ),
        mesh=mesh,
        compiler_params=pltpu.CompilerParams(needs_layout_passes=False),
        scratch_types=[
            pltpu.VMEM((N_CTX,), jnp.float32),
            pltpu.VMEM((N_CTX,), jnp.float32),
            pltpu.VMEM((A_PER,), jnp.float32),
            pltpu.VMEM((A_PER,), jnp.float32),
            pltpu.VMEM((16,), jnp.float32),
            pltpu.VMEM((K,), jnp.int32),
            pltpu.VMEM((K,), jnp.int32),
            pltpu.VMEM((K,), jnp.float32),
            pltpu.VMEM((K,), jnp.float32),
            pltpu.VMEM((K, D), jnp.float32),
            pltpu.VMEM((K, D), jnp.float32),
            pltpu.VMEM_SHARED((N_CTX, D), jnp.float32),
            pltpu.SemaphoreType.DMA,
            pltpu.SemaphoreType.DMA,
            pltpu.SemaphoreType.DMA,
            pltpu.SemaphoreType.DMA,
        ],
    )
    def body(ctx_x_h, ctx_y_h, agt_x_h, agt_y_h, th2_h, cpart_h,
             dvx_h, dvy_h, ef_h,
             cx, cy, ax, ay, th2s, idx0, idx1, dvxb, dvyb, rows0, rows1,
             shared, g0, g1, w0, w1):
        sid = lax.axis_index("s")
        wid = sid * NC + lax.axis_index("c")
        base = wid * A_PER
        sl = N_CTX // NS
        pltpu.sync_copy(cpart_h.at[pl.ds(sid * sl, sl)],
                        shared.at[pl.ds(sid * sl, sl)])
        pltpu.sync_copy(ctx_x_h, cx)
        pltpu.sync_copy(ctx_y_h, cy)
        pltpu.sync_copy(agt_x_h.at[pl.ds(base, A_PER)], ax)
        pltpu.sync_copy(agt_y_h.at[pl.ds(base, A_PER)], ay)
        pltpu.sync_copy(th2_h, th2s)
        plsc.subcore_barrier()
        th2 = th2s[...]
        lanes = lax.iota(jnp.int32, 16)
        zf = jnp.zeros((16,), jnp.float32)
        zi = jnp.zeros((16,), jnp.int32)
        sentinel = jnp.full((16,), SENT, jnp.float32)

        def search(a, idxp):
            for t in range(K // 16):
                idxp[pl.ds(t * 16, 16)] = zi
                dvxb[pl.ds(t * 16, 16)] = sentinel
            a0 = (a // 16) * 16
            lane = a - a0
            axs = jnp.sum(jnp.where(lanes == lane, ax[pl.ds(a0, 16)], zf))
            ays = jnp.sum(jnp.where(lanes == lane, ay[pl.ds(a0, 16)], zf))
            axb = jnp.full((16,), axs)
            ayb = jnp.full((16,), ays)

            @plsc.parallel_loop(0, N_CTX // 16, unroll=4, carry=zi)
            def _chunks(c, o):
                dx = axb - cx[pl.ds(c * 16, 16)]
                dy = ayb - cy[pl.ds(c * 16, 16)]
                m = dx * dx + dy * dy <= th2
                cum = plsc.cumsum(m.astype(jnp.int32))
                pos = jnp.clip(o + cum - 1, 0, K - 1)
                plsc.store_scatter(idxp, [pos], c * 16 + lanes, mask=m)
                plsc.store_scatter(dvxb, [pos], dx, mask=m)
                plsc.store_scatter(dvyb, [pos], dy, mask=m)
                return o + plsc.all_reduce_population_count(m)

            pltpu.sync_copy(dvxb, dvx_h.at[base + a])
            pltpu.sync_copy(dvyb, dvy_h.at[base + a])

        def fire_gather(idxp, rows, sem):
            return pltpu.async_copy(shared.at[idxp], rows, sem)

        def fire_wb(a, rows, sem):
            return pltpu.async_copy(rows, ef_h.at[base + a], sem)

        def wait_gather(rows, sem):
            pltpu.make_async_copy(cpart_h.at[pl.ds(0, K)], rows, sem).wait()

        def wait_wb(rows, sem):
            pltpu.make_async_copy(rows, ef_h.at[base], sem).wait()

        search(0, idx0)
        fire_gather(idx0, rows0, g0)
        search(1, idx1)
        fire_gather(idx1, rows1, g1)
        wait_gather(rows0, g0)
        fire_wb(0, rows0, w0)

        def pair(i, carry):
            a0 = 2 * i
            a1 = a0 + 1
            search(a0, idx0)
            wait_gather(rows1, g1)
            fire_wb(a1 - 2, rows1, w1)
            wait_wb(rows0, w0)
            fire_gather(idx0, rows0, g0)
            search(a1, idx1)
            wait_gather(rows0, g0)
            fire_wb(a0, rows0, w0)
            wait_wb(rows1, w1)
            fire_gather(idx1, rows1, g1)
            return carry

        lax.fori_loop(1, A_PER // 2, pair, 0)
        wait_gather(rows1, g1)
        fire_wb(A_PER - 1, rows1, w1)
        wait_wb(rows0, w0)
        wait_wb(rows1, w1)

    return body(ctx_x, ctx_y, agt_x, agt_y, th2v, cpart)



def _edge_body(ef_ref, dvx_ref, dvy_ref, qp_ref, agts_ref,
               w1x_ref, w1y_ref, b1d_ref, dW2_ref, dg2_ref, db2_ref,
               W1d_ref, cg1_ref, cb1_ref, cW2_ref,
               aW_ref, ng_ref, nb_ref, lW_ref, lg_ref, lb_ref, o_ref):
    R = AB * K
    dvx = dvx_ref[...]
    dvy = dvy_ref[...]
    d1 = jnp.maximum(dvx * w1x_ref[...] + dvy * w1y_ref[...] + b1d_ref[...],
                     0.0)
    d2 = lax.dot_general(d1, dW2_ref[...], (((1,), (1,)), ((), ())))
    d2 = jnp.maximum(_gn_rows(d2, dg2_ref[...], db2_ref[...]), 0.0)
    z = lax.dot_general(d2, W1d_ref[...], (((1,), (1,)), ((), ())))
    z = z + ef_ref[...].reshape(R, D)
    z = z + jnp.broadcast_to(qp_ref[...][:, None, :], (AB, K, D)).reshape(R, D)
    h = jnp.maximum(_gn_rows(z, cg1_ref[...], cb1_ref[...]), 0.0)
    e = lax.dot_general(h, cW2_ref[...], (((1,), (1,)), ((), ())))
    e = jnp.where(dvx < SENT * 0.5, e, 0.0)
    msgs = e.reshape(AB, K, D).sum(axis=1)
    res = agts_ref[...]
    a = lax.dot_general(res, aW_ref[...], (((1,), (1,)), ((), ()))) + msgs
    a = jnp.maximum(_gn_rows(a, ng_ref[...], nb_ref[...]), 0.0)
    a = lax.dot_general(a, lW_ref[...], (((1,), (1,)), ((), ())))
    a = _gn_rows(a, lg_ref[...], lb_ref[...])
    o_ref[...] = jnp.maximum(a + res, 0.0)


def _run_edge(ef, dvx, dvy, qpart, agts,
              w1x, w1y, b1d, dist_W2, dg2, db2,
              W1d, cg1, cb1, ctx_W2, agt_W, ng, nb, lin_W, lg, lb):
    full = lambda i: (0, 0)
    blk = lambda i: (i, 0)
    return pl.pallas_call(
        _edge_body,
        grid=(N_AGT // AB,),
        in_specs=[
            pl.BlockSpec((AB, K, D), lambda i: (i, 0, 0)),
            pl.BlockSpec((AB * K, 1), blk),
            pl.BlockSpec((AB * K, 1), blk),
            pl.BlockSpec((AB, D), blk),
            pl.BlockSpec((AB, D), blk),
            pl.BlockSpec((1, D), full),
            pl.BlockSpec((1, D), full),
            pl.BlockSpec((1, D), full),
            pl.BlockSpec((D, D), full),
            pl.BlockSpec((1, D), full),
            pl.BlockSpec((1, D), full),
            pl.BlockSpec((D, D), full),
            pl.BlockSpec((1, D), full),
            pl.BlockSpec((1, D), full),
            pl.BlockSpec((D, D), full),
            pl.BlockSpec((D, D), full),
            pl.BlockSpec((1, D), full),
            pl.BlockSpec((1, D), full),
            pl.BlockSpec((D, D), full),
            pl.BlockSpec((1, D), full),
            pl.BlockSpec((1, D), full),
        ],
        out_specs=pl.BlockSpec((AB, D), blk),
        out_shape=jax.ShapeDtypeStruct((N_AGT, D), jnp.float32),
    )(ef, dvx.reshape(N_AGT * K, 1), dvy.reshape(N_AGT * K, 1),
      qpart, agts,
      w1x, w1y, b1d, dist_W2, dg2, db2, W1d, cg1, cb1, ctx_W2,
      agt_W, ng, nb, lin_W, lg, lb)



def kernel(agts, agt_idcs, agt_ctrs, ctx, ctx_idcs, ctx_ctrs, dist_th,
           dist_W1, dist_b1, dist_W2, dist_g2, dist_b2,
           q_W, q_g, q_b, ctx_W1, ctx_g1, ctx_b1, ctx_W2,
           agt_W, norm_g, norm_b, lin_W, lin_g, lin_b):
    f32 = jnp.float32
    th = jnp.asarray(dist_th, f32)
    th2 = jnp.nextafter(th * th, jnp.asarray(jnp.inf, f32))
    th2v = jnp.broadcast_to(th2, (16,))

    ctx_x = ctx_ctrs[:, 0]
    ctx_y = ctx_ctrs[:, 1]
    agt_x = agt_ctrs[:, 0]
    agt_y = agt_ctrs[:, 1]

    W1d = ctx_W1[:, :D]
    W1q = ctx_W1[:, D:2 * D]
    W1c = ctx_W1[:, 2 * D:]
    w1x = dist_W1[:, 0].reshape(1, D)
    w1y = dist_W1[:, 1].reshape(1, D)

    qpart, cpart = _run_prework(agts, q_W, q_g, q_b, W1q, ctx, W1c)
    dvx, dvy, ef = _sc_search_gather(ctx_x, ctx_y, agt_x, agt_y,
                                     th2v, cpart)
    return _run_edge(
        ef, dvx, dvy, qpart, agts,
        w1x, w1y, dist_b1.reshape(1, D), dist_W2,
        dist_g2.reshape(1, D), dist_b2.reshape(1, D),
        W1d, ctx_g1.reshape(1, D), ctx_b1.reshape(1, D), ctx_W2,
        agt_W, norm_g.reshape(1, D), norm_b.reshape(1, D),
        lin_W, lin_g.reshape(1, D), lin_b.reshape(1, D))

# --- scband reference (transcript-rebuilt; emitter-appended) ---
"""Pipeline reference for scband-att-23313082483285 (READ-ONLY COPY).

The authoritative reference and input builder live on the scoring server;
editing this copy changes nothing except your own understanding.
"""

import jax, jax.numpy as jnp
import numpy as np

N_AGT = 4096
N_CTX = 8192
D_AGT = 128
D_CTX = 128


def _gn(x, g, b, eps=1e-5):
    # GroupNorm with num_groups=1 on [N, C]: normalize over channel dim per row
    m = jnp.mean(x, axis=1, keepdims=True)
    v = jnp.var(x, axis=1, keepdims=True)
    return (x - m) / jnp.sqrt(v + eps) * g + b


def setup_inputs(seed: int = 0) -> dict:
    key = jax.random.key(seed)
    ks = jax.random.split(key, 16)
    inp = {}
    inp["agts"] = jax.random.normal(ks[0], (N_AGT, D_AGT), dtype=jnp.float32)
    inp["agt_idcs"] = jnp.arange(N_AGT, dtype=jnp.int32)
    inp["agt_ctrs"] = jax.random.uniform(ks[1], (N_AGT, 2), dtype=jnp.float32) * 100.0
    inp["ctx"] = jax.random.normal(ks[2], (N_CTX, D_CTX), dtype=jnp.float32)
    inp["ctx_idcs"] = jnp.arange(N_CTX, dtype=jnp.int32)
    inp["ctx_ctrs"] = jax.random.uniform(ks[3], (N_CTX, 2), dtype=jnp.float32) * 100.0
    inp["dist_th"] = 5
    # learned parameters (torch nn.Linear stores W as [out, in]; y = x @ W.T + b)
    inp["dist_W1"] = jax.random.normal(ks[4], (D_CTX, 2), dtype=jnp.float32) / np.sqrt(2.0)
    inp["dist_b1"] = jnp.zeros((D_CTX,), dtype=jnp.float32)
    inp["dist_W2"] = jax.random.normal(ks[5], (D_CTX, D_CTX), dtype=jnp.float32) / np.sqrt(D_CTX)
    inp["dist_g2"] = jnp.ones((D_CTX,), dtype=jnp.float32)
    inp["dist_b2"] = jnp.zeros((D_CTX,), dtype=jnp.float32)
    inp["q_W"] = jax.random.normal(ks[6], (D_CTX, D_AGT), dtype=jnp.float32) / np.sqrt(D_AGT)
    inp["q_g"] = jnp.ones((D_CTX,), dtype=jnp.float32)
    inp["q_b"] = jnp.zeros((D_CTX,), dtype=jnp.float32)
    inp["ctx_W1"] = jax.random.normal(ks[7], (D_AGT, 3 * D_CTX), dtype=jnp.float32) / np.sqrt(3.0 * D_CTX)
    inp["ctx_g1"] = jnp.ones((D_AGT,), dtype=jnp.float32)
    inp["ctx_b1"] = jnp.zeros((D_AGT,), dtype=jnp.float32)
    inp["ctx_W2"] = jax.random.normal(ks[8], (D_AGT, D_AGT), dtype=jnp.float32) / np.sqrt(D_AGT)
    inp["agt_W"] = jax.random.normal(ks[9], (D_AGT, D_AGT), dtype=jnp.float32) / np.sqrt(D_AGT)
    inp["norm_g"] = jnp.ones((D_AGT,), dtype=jnp.float32)
    inp["norm_b"] = jnp.zeros((D_AGT,), dtype=jnp.float32)
    inp["lin_W"] = jax.random.normal(ks[10], (D_AGT, D_AGT), dtype=jnp.float32) / np.sqrt(D_AGT)
    inp["lin_g"] = jnp.ones((D_AGT,), dtype=jnp.float32)
    inp["lin_b"] = jnp.zeros((D_AGT,), dtype=jnp.float32)
    return inp


def reference(agts, agt_idcs, agt_ctrs, ctx, ctx_idcs, ctx_ctrs, dist_th,
              dist_W1, dist_b1, dist_W2, dist_g2, dist_b2,
              q_W, q_g, q_b, ctx_W1, ctx_g1, ctx_b1, ctx_W2,
              agt_W, norm_g, norm_b, lin_W, lin_g, lin_b):
    res = agts
    # batch_size == 1: single pairwise distance block
    diff = agt_ctrs[:, None, :] - ctx_ctrs[None, :, :]
    dist = jnp.sqrt((diff ** 2).sum(axis=2))
    mask = dist <= dist_th
    # query branch (row-wise; identical values to computing on gathered rows)
    q_all = jax.nn.relu(_gn(agts @ q_W.T, q_g, q_b))

    def step(carry, xs):
        ctr_i, q_i, mask_i = xs
        # dist branch: Linear(2,n_ctx)+ReLU, then Linear(n_ctx,n_ctx,no bias)+GN(1)+ReLU
        dvec = ctr_i[None, :] - ctx_ctrs
        d = jax.nn.relu(dvec @ dist_W1.T + dist_b1)
        d = jax.nn.relu(_gn(d @ dist_W2.T, dist_g2, dist_b2))
        # ctx gather + fused MLP
        qf = jnp.broadcast_to(q_i[None, :], (N_CTX, D_CTX))
        h = jnp.concatenate([d, qf, ctx], axis=1)
        h = jax.nn.relu(_gn(h @ ctx_W1.T, ctx_g1, ctx_b1))
        h = h @ ctx_W2.T
        msg = jnp.where(mask_i[:, None], h, 0.0).sum(axis=0)
        return carry, msg

    _, msgs = jax.lax.scan(step, 0, (agt_ctrs, q_all, mask))
    # scatter-add messages into agents
    a = agts @ agt_W.T
    a = a + msgs
    a = jax.nn.relu(_gn(a, norm_g, norm_b))
    a = _gn(a @ lin_W.T, lin_g, lin_b)
    a = a + res
    return jax.nn.relu(a)

if __name__ == "__main__":
    import jax
    _d = setup_inputs()
    print(jax.jit(kernel)(*tuple(_d.values())))

</pallas_src>

<mosaic_0001>
#map = affine_map<(d0, d1) -> (0)>
#map1 = affine_map<(d0, d1) -> (0, 0)>
#map2 = affine_map<(d0, d1) -> (0, 0, 0)>
module attributes {stable_mosaic.version = 14 : i64} {
  func.func @body(%arg0: i32, %arg1: i32, %arg2: memref<8192xf32, #tpu.memory_space<hbm>>, %arg3: memref<8192xf32, #tpu.memory_space<hbm>>, %arg4: memref<4096xf32, #tpu.memory_space<hbm>>, %arg5: memref<4096xf32, #tpu.memory_space<hbm>>, %arg6: memref<16xf32, #tpu.memory_space<hbm>>, %arg7: memref<8192x128xf32, #tpu.memory_space<hbm>>, %arg8: memref<4096x128xf32, #tpu.memory_space<hbm>>, %arg9: memref<4096x128xf32, #tpu.memory_space<hbm>>, %arg10: memref<4096x128x128xf32, #tpu.memory_space<hbm>>, %arg11: memref<8192xf32, #tpu.memory_space<vmem>>, %arg12: memref<8192xf32, #tpu.memory_space<vmem>>, %arg13: memref<128xf32, #tpu.memory_space<vmem>>, %arg14: memref<128xf32, #tpu.memory_space<vmem>>, %arg15: memref<16xf32, #tpu.memory_space<vmem>>, %arg16: memref<128xi32, #tpu.memory_space<vmem>>, %arg17: memref<128xi32, #tpu.memory_space<vmem>>, %arg18: memref<128xf32, #tpu.memory_space<vmem>>, %arg19: memref<128xf32, #tpu.memory_space<vmem>>, %arg20: memref<128x128xf32, #tpu.memory_space<vmem>>, %arg21: memref<128x128xf32, #tpu.memory_space<vmem>>, %arg22: memref<8192x128xf32, #tpu.memory_space<vmem_shared>>, %arg23: memref<!tpu.dma_semaphore, #tpu.memory_space<semaphore_mem>>, %arg24: memref<!tpu.dma_semaphore, #tpu.memory_space<semaphore_mem>>, %arg25: memref<!tpu.dma_semaphore, #tpu.memory_space<semaphore_mem>>, %arg26: memref<!tpu.dma_semaphore, #tpu.memory_space<semaphore_mem>>) attributes {dimension_semantics = [#tpu.dimension_semantics<core_parallel>, #tpu.dimension_semantics<subcore_parallel>], iteration_bounds = array<i64: 2, 16>, scalar_prefetch = 0 : i64, scratch_operands = 16 : i64, tpu.core_type = #tpu.core_type<sc_vector_subcore>, window_params = [{transform_indices = #map}, {transform_indices = #map}, {transform_indices = #map}, {transform_indices = #map}, {transform_indices = #map}, {transform_indices = #map1}, {transform_indices = #map1}, {transform_indices = #map1}, {transform_indices = #map2}]} {
    %mul3A = arith.constant 2 : i32
    %mul3A_0 = arith.muli %arg1, %mul3A : i32
    %add3A = arith.addi %mul3A_0, %arg0 : i32
    %mul3A_1 = arith.constant 128 : i32
    %mul3A_2 = arith.muli %add3A, %mul3A_1 : i32
    %mul3A_3 = arith.constant 512 : i32
    %mul3A_4 = arith.muli %arg1, %mul3A_3 : i32
    %mul3A_5 = arith.constant 512 : i32
    %mul3A_6 = arith.muli %arg1, %mul3A_5 : i32
    "tpu.region"() ({
      %run_scoped3A = tpu.sem_alloc : memref<!tpu.dma_semaphore, #tpu.memory_space<semaphore_mem>>
      %dma_start3A_189 = arith.constant 0 : i32
      %dma_start3A_190 = tpu.memref_slice %arg22[%mul3A_6, %dma_start3A_189] : memref<8192x128xf32, #tpu.memory_space<vmem_shared>> -> memref<512x128xf32, #tpu.memory_space<vmem_shared>>
      %dma_start3A_191 = arith.constant 0 : i32
      %dma_start3A_192 = tpu.memref_slice %arg7[%mul3A_4, %dma_start3A_191] : memref<8192x128xf32, #tpu.memory_space<hbm>> -> memref<512x128xf32, #tpu.memory_space<hbm>>
      tpu.enqueue_dma source(%dma_start3A_192 : memref<512x128xf32, #tpu.memory_space<hbm>>) target(%dma_start3A_190 : memref<512x128xf32, #tpu.memory_space<vmem_shared>>) target_semaphore(%run_scoped3A : memref<!tpu.dma_semaphore, #tpu.memory_space<semaphore_mem>>)
      %dma_wait3A_193 = arith.constant 0 : i32
      %dma_wait3A_194 = tpu.memref_slice %arg22[%mul3A_6, %dma_wait3A_193] : memref<8192x128xf32, #tpu.memory_space<vmem_shared>> -> memref<512x128xf32, #tpu.memory_space<vmem_shared>>
      %dma_wait3A_195 = arith.constant 0 : i32
      %dma_wait3A_196 = tpu.memref_slice %arg7[%mul3A_4, %dma_wait3A_195] : memref<8192x128xf32, #tpu.memory_space<hbm>> -> memref<512x128xf32, #tpu.memory_space<hbm>>
      tpu.wait_dma2 semaphore(%run_scoped3A : memref<!tpu.dma_semaphore, #tpu.memory_space<semaphore_mem>>) src(%dma_wait3A_196 : memref<512x128xf32, #tpu.memory_space<hbm>>) dst(%dma_wait3A_194 : memref<512x128xf32, #tpu.memory_space<vmem_shared>>)
      tpu.yield
    }) : () -> ()
    "tpu.region"() ({
      %run_scoped3A = tpu.sem_alloc : memref<!tpu.dma_semaphore, #tpu.memory_space<semaphore_mem>>
      tpu.enqueue_dma source(%arg2 : memref<8192xf32, #tpu.memory_space<hbm>>) target(%arg11 : memref<8192xf32, #tpu.memory_space<vmem>>) target_semaphore(%run_scoped3A : memref<!tpu.dma_semaphore, #tpu.memory_space<semaphore_mem>>)
      tpu.wait_dma2 semaphore(%run_scoped3A : memref<!tpu.dma_semaphore, #tpu.memory_space<semaphore_mem>>) src(%arg2 : memref<8192xf32, #tpu.memory_space<hbm>>) dst(%arg11 : memref<8192xf32, #tpu.memory_space<vmem>>)
      tpu.yield
    }) : () -> ()
    "tpu.region"() ({
      %run_scoped3A = tpu.sem_alloc : memref<!tpu.dma_semaphore, #tpu.memory_space<semaphore_mem>>
      tpu.enqueue_dma source(%arg3 : memref<8192xf32, #tpu.memory_space<hbm>>) target(%arg12 : memref<8192xf32, #tpu.memory_space<vmem>>) target_semaphore(%run_scoped3A : memref<!tpu.dma_semaphore, #tpu.memory_space<semaphore_mem>>)
      tpu.wait_dma2 semaphore(%run_scoped3A : memref<!tpu.dma_semaphore, #tpu.memory_space<semaphore_mem>>) src(%arg3 : memref<8192xf32, #tpu.memory_space<hbm>>) dst(%arg12 : memref<8192xf32, #tpu.memory_space<vmem>>)
      tpu.yield
    }) : () -> ()
    "tpu.region"() ({
      %run_scoped3A = tpu.sem_alloc : memref<!tpu.dma_semaphore, #tpu.memory_space<semaphore_mem>>
      %dma_start3A_189 = tpu.memref_slice %arg4[%mul3A_2] : memref<4096xf32, #tpu.memory_space<hbm>> -> memref<128xf32, #tpu.memory_space<hbm>>
      %dma_start3A_190 = tpu.memref_slice %arg4[%mul3A_2] : memref<4096xf32, #tpu.memory_space<hbm>> -> memref<128xf32, #tpu.memory_space<hbm>>
      tpu.enqueue_dma source(%dma_start3A_190 : memref<128xf32, #tpu.memory_space<hbm>>) target(%arg13 : memref<128xf32, #tpu.memory_space<vmem>>) target_semaphore(%run_scoped3A : memref<!tpu.dma_semaphore, #tpu.memory_space<semaphore_mem>>)
      %dma_wait3A_191 = tpu.memref_slice %arg4[%mul3A_2] : memref<4096xf32, #tpu.memory_space<hbm>> -> memref<128xf32, #tpu.memory_space<hbm>>
      %dma_wait3A_192 = tpu.memref_slice %arg4[%mul3A_2] : memref<4096xf32, #tpu.memory_space<hbm>> -> memref<128xf32, #tpu.memory_space<hbm>>
      tpu.wait_dma2 semaphore(%run_scoped3A : memref<!tpu.dma_semaphore, #tpu.memory_space<semaphore_mem>>) src(%dma_wait3A_192 : memref<128xf32, #tpu.memory_space<hbm>>) dst(%arg13 : memref<128xf32, #tpu.memory_space<vmem>>)
      tpu.yield
    }) : () -> ()
    "tpu.region"() ({
      %run_scoped3A = tpu.sem_alloc : memref<!tpu.dma_semaphore, #tpu.memory_space<semaphore_mem>>
      %dma_start3A_189 = tpu.memref_slice %arg5[%mul3A_2] : memref<4096xf32, #tpu.memory_space<hbm>> -> memref<128xf32, #tpu.memory_space<hbm>>
      %dma_start3A_190 = tpu.memref_slice %arg5[%mul3A_2] : memref<4096xf32, #tpu.memory_space<hbm>> -> memref<128xf32, #tpu.memory_space<hbm>>
      tpu.enqueue_dma source(%dma_start3A_190 : memref<128xf32, #tpu.memory_space<hbm>>) target(%arg14 : memref<128xf32, #tpu.memory_space<vmem>>) target_semaphore(%run_scoped3A : memref<!tpu.dma_semaphore, #tpu.memory_space<semaphore_mem>>)
      %dma_wait3A_191 = tpu.memref_slice %arg5[%mul3A_2] : memref<4096xf32, #tpu.memory_space<hbm>> -> memref<128xf32, #tpu.memory_space<hbm>>
      %dma_wait3A_192 = tpu.memref_slice %arg5[%mul3A_2] : memref<4096xf32, #tpu.memory_space<hbm>> -> memref<128xf32, #tpu.memory_space<hbm>>
      tpu.wait_dma2 semaphore(%run_scoped3A : memref<!tpu.dma_semaphore, #tpu.memory_space<semaphore_mem>>) src(%dma_wait3A_192 : memref<128xf32, #tpu.memory_space<hbm>>) dst(%arg14 : memref<128xf32, #tpu.memory_space<vmem>>)
      tpu.yield
    }) : () -> ()
    "tpu.region"() ({
      %run_scoped3A = tpu.sem_alloc : memref<!tpu.dma_semaphore, #tpu.memory_space<semaphore_mem>>
      tpu.enqueue_dma source(%arg6 : memref<16xf32, #tpu.memory_space<hbm>>) target(%arg15 : memref<16xf32, #tpu.memory_space<vmem>>) target_semaphore(%run_scoped3A : memref<!tpu.dma_semaphore, #tpu.memory_space<semaphore_mem>>)
      tpu.wait_dma2 semaphore(%run_scoped3A : memref<!tpu.dma_semaphore, #tpu.memory_space<semaphore_mem>>) src(%arg6 : memref<16xf32, #tpu.memory_space<hbm>>) dst(%arg15 : memref<16xf32, #tpu.memory_space<vmem>>)
      tpu.yield
    }) : () -> ()
    %barrier3A = arith.constant 0 : index
    tpu.barrier barrier_id(%barrier3A)
    %get3A = arith.constant 0 : index
    %get3A_7 = tpu.vector_load %arg15[%get3A] {strides = array<i32>} : memref<16xf32, #tpu.memory_space<vmem>>, vector<16xf32>,
    %iota3A = tpu.iota {dimensions = array<i32: 0>} : vector<16xi32>
    %broadcast_in_dim3A = arith.constant 0.000000e+00 : f32
    %broadcast_in_dim3A_8 = vector.broadcast %broadcast_in_dim3A : f32 to vector<16xf32>
    %broadcast_in_dim3A_9 = arith.constant 0 : i32
    %broadcast_in_dim3A_10 = vector.broadcast %broadcast_in_dim3A_9 : i32 to vector<16xi32>
    %broadcast_in_dim3A_11 = arith.constant 1.000000e+09 : f32
    %broadcast_in_dim3A_12 = vector.broadcast %broadcast_in_dim3A_11 : f32 to vector<16xf32>
    %swap3A = arith.constant 0 : index
    %swap3A_13 = tpu.vector_load %arg16[%swap3A] {strides = array<i32>} : memref<128xi32, #tpu.memory_space<vmem>>, vector<16xi32>,
    tpu.vector_store %arg16[%swap3A], %broadcast_in_dim3A_10 {strides = array<i32>} : memref<128xi32, #tpu.memory_space<vmem>>, vector<16xi32>,
    %swap3A_14 = arith.constant 0 : index
    %swap3A_15 = tpu.vector_load %arg18[%swap3A_14] {strides = array<i32>} : memref<128xf32, #tpu.memory_space<vmem>>, vector<16xf32>,
    tpu.vector_store %arg18[%swap3A_14], %broadcast_in_dim3A_12 {strides = array<i32>} : memref<128xf32, #tpu.memory_space<vmem>>, vector<16xf32>,
    %swap3A_16 = arith.constant 16 : index
    %swap3A_17 = tpu.vector_load %arg16[%swap3A_16] {strides = array<i32>} : memref<128xi32, #tpu.memory_space<vmem>>, vector<16xi32>,
    tpu.vector_store %arg16[%swap3A_16], %broadcast_in_dim3A_10 {strides = array<i32>} : memref<128xi32, #tpu.memory_space<vmem>>, vector<16xi32>,
    %swap3A_18 = arith.constant 16 : index
    %swap3A_19 = tpu.vector_load %arg18[%swap3A_18] {strides = array<i32>} : memref<128xf32, #tpu.memory_space<vmem>>, vector<16xf32>,
    tpu.vector_store %arg18[%swap3A_18], %broadcast_in_dim3A_12 {strides = array<i32>} : memref<128xf32, #tpu.memory_space<vmem>>, vector<16xf32>,
    %swap3A_20 = arith.constant 32 : index
    %swap3A_21 = tpu.vector_load %arg16[%swap3A_20] {strides = array<i32>} : memref<128xi32, #tpu.memory_space<vmem>>, vector<16xi32>,
    tpu.vector_store %arg16[%swap3A_20], %broadcast_in_dim3A_10 {strides = array<i32>} : memref<128xi32, #tpu.memory_space<vmem>>, vector<16xi32>,
    %swap3A_22 = arith.constant 32 : index
    %swap3A_23 = tpu.vector_load %arg18[%swap3A_22] {strides = array<i32>} : memref<128xf32, #tpu.memory_space<vmem>>, vector<16xf32>,
    tpu.vector_store %arg18[%swap3A_22], %broadcast_in_dim3A_12 {strides = array<i32>} : memref<128xf32, #tpu.memory_space<vmem>>, vector<16xf32>,
    %swap3A_24 = arith.constant 48 : index
    %swap3A_25 = tpu.vector_load %arg16[%swap3A_24] {strides = array<i32>} : memref<128xi32, #tpu.memory_space<vmem>>, vector<16xi32>,
    tpu.vector_store %arg16[%swap3A_24], %broadcast_in_dim3A_10 {strides = array<i32>} : memref<128xi32, #tpu.memory_space<vmem>>, vector<16xi32>,
    %swap3A_26 = arith.constant 48 : index
    %swap3A_27 = tpu.vector_load %arg18[%swap3A_26] {strides = array<i32>} : memref<128xf32, #tpu.memory_space<vmem>>, vector<16xf32>,
    tpu.vector_store %arg18[%swap3A_26], %broadcast_in_dim3A_12 {strides = array<i32>} : memref<128xf32, #tpu.memory_space<vmem>>, vector<16xf32>,
    %swap3A_28 = arith.constant 64 : index
    %swap3A_29 = tpu.vector_load %arg16[%swap3A_28] {strides = array<i32>} : memref<128xi32, #tpu.memory_space<vmem>>, vector<16xi32>,
    tpu.vector_store %arg16[%swap3A_28], %broadcast_in_dim3A_10 {strides = array<i32>} : memref<128xi32, #tpu.memory_space<vmem>>, vector<16xi32>,
    %swap3A_30 = arith.constant 64 : index
    %swap3A_31 = tpu.vector_load %arg18[%swap3A_30] {strides = array<i32>} : memref<128xf32, #tpu.memory_space<vmem>>, vector<16xf32>,
    tpu.vector_store %arg18[%swap3A_30], %broadcast_in_dim3A_12 {strides = array<i32>} : memref<128xf32, #tpu.memory_space<vmem>>, vector<16xf32>,
    %swap3A_32 = arith.constant 80 : index
    %swap3A_33 = tpu.vector_load %arg16[%swap3A_32] {strides = array<i32>} : memref<128xi32, #tpu.memory_space<vmem>>, vector<16xi32>,
    tpu.vector_store %arg16[%swap3A_32], %broadcast_in_dim3A_10 {strides = array<i32>} : memref<128xi32, #tpu.memory_space<vmem>>, vector<16xi32>,
    %swap3A_34 = arith.constant 80 : index
    %swap3A_35 = tpu.vector_load %arg18[%swap3A_34] {strides = array<i32>} : memref<128xf32, #tpu.memory_space<vmem>>, vector<16xf32>,
    tpu.vector_store %arg18[%swap3A_34], %broadcast_in_dim3A_12 {strides = array<i32>} : memref<128xf32, #tpu.memory_space<vmem>>, vector<16xf32>,
    %swap3A_36 = arith.constant 96 : index
    %swap3A_37 = tpu.vector_load %arg16[%swap3A_36] {strides = array<i32>} : memref<128xi32, #tpu.memory_space<vmem>>, vector<16xi32>,
    tpu.vector_store %arg16[%swap3A_36], %broadcast_in_dim3A_10 {strides = array<i32>} : memref<128xi32, #tpu.memory_space<vmem>>, vector<16xi32>,
    %swap3A_38 = arith.constant 96 : index
    %swap3A_39 = tpu.vector_load %arg18[%swap3A_38] {strides = array<i32>} : memref<128xf32, #tpu.memory_space<vmem>>, vector<16xf32>,
    tpu.vector_store %arg18[%swap3A_38], %broadcast_in_dim3A_12 {strides = array<i32>} : memref<128xf32, #tpu.memory_space<vmem>>, vector<16xf32>,
    %swap3A_40 = arith.constant 112 : index
    %swap3A_41 = tpu.vector_load %arg16[%swap3A_40] {strides = array<i32>} : memref<128xi32, #tpu.memory_space<vmem>>, vector<16xi32>,
    tpu.vector_store %arg16[%swap3A_40], %broadcast_in_dim3A_10 {strides = array<i32>} : memref<128xi32, #tpu.memory_space<vmem>>, vector<16xi32>,
    %swap3A_42 = arith.constant 112 : index
    %swap3A_43 = tpu.vector_load %arg18[%swap3A_42] {strides = array<i32>} : memref<128xf32, #tpu.memory_space<vmem>>, vector<16xf32>,
    tpu.vector_store %arg18[%swap3A_42], %broadcast_in_dim3A_12 {strides = array<i32>} : memref<128xf32, #tpu.memory_space<vmem>>, vector<16xf32>,
    %eq3A = arith.constant 0 : i32
    %eq3A_44 = vector.broadcast %eq3A : i32 to vector<16xi32>
    %eq3A_45 = arith.cmpi eq, %iota3A, %eq3A_44 : vector<16xi32>
    %get3A_46 = arith.constant 0 : index
    %get3A_47 = tpu.vector_load %arg13[%get3A_46] {strides = array<i32>} : memref<128xf32, #tpu.memory_space<vmem>>, vector<16xf32>,
    %select_n3A = arith.select %eq3A_45, %get3A_47, %broadcast_in_dim3A_8 : vector<16xi1>, vector<16xf32>
    %reduce_sum3A = arith.constant true
    %reduce_sum3A_48 = vector.broadcast %reduce_sum3A : i1 to vector<16xi1>
    %reduce_sum3A_49 = tpu.scan <sum>, %select_n3A masked %reduce_sum3A_48 : vector<16xf32>, vector<16xi1> -> vector<16xf32>
    %reduce_sum3A_50 = vector.extract %reduce_sum3A_49[15] : f32 from vector<16xf32>
    %eq3A_51 = arith.constant 0 : i32
    %eq3A_52 = vector.broadcast %eq3A_51 : i32 to vector<16xi32>
    %eq3A_53 = arith.cmpi eq, %iota3A, %eq3A_52 : vector<16xi32>
    %get3A_54 = arith.constant 0 : index
    %get3A_55 = tpu.vector_load %arg14[%get3A_54] {strides = array<i32>} : memref<128xf32, #tpu.memory_space<vmem>>, vector<16xf32>,
    %select_n3A_56 = arith.select %eq3A_53, %get3A_55, %broadcast_in_dim3A_8 : vector<16xi1>, vector<16xf32>
    %reduce_sum3A_57 = arith.constant true
    %reduce_sum3A_58 = vector.broadcast %reduce_sum3A_57 : i1 to vector<16xi1>
    %reduce_sum3A_59 = tpu.scan <sum>, %select_n3A_56 masked %reduce_sum3A_58 : vector<16xf32>, vector<16xi1> -> vector<16xf32>
    %reduce_sum3A_60 = vector.extract %reduce_sum3A_59[15] : f32 from vector<16xf32>
    %broadcast_in_dim3A_61 = vector.broadcast %reduce_sum3A_50 : f32 to vector<16xf32>
    %broadcast_in_dim3A_62 = vector.broadcast %reduce_sum3A_60 : f32 to vector<16xf32>
    %parallel_loop3A = arith.constant 0 : i32
    %parallel_loop3A_63 = arith.constant 512 : i32
    %parallel_loop3A_64 = arith.constant 1 : i32
    %parallel_loop3A_65 = scf.for %parallel_loop3A_189 = %parallel_loop3A to %parallel_loop3A_63 step %parallel_loop3A_64 iter_args(%parallel_loop3A_190 = %broadcast_in_dim3A_10) -> (vector<16xi32>)  : i32 {
      %parallel_loop3A_191 = arith.constant 16 : i32
      %parallel_loop3A_192 = arith.muli %parallel_loop3A_189, %parallel_loop3A_191 : i32
      %parallel_loop3A_193 = arith.index_cast %parallel_loop3A_192 : i32 to index
      %parallel_loop3A_194 = tpu.vector_load %arg11[%parallel_loop3A_193] {strides = array<i32>} : memref<8192xf32, #tpu.memory_space<vmem>>, vector<16xf32>,
      %parallel_loop3A_195 = arith.subf %broadcast_in_dim3A_61, %parallel_loop3A_194 : vector<16xf32>
      %parallel_loop3A_196 = arith.constant 16 : i32
      %parallel_loop3A_197 = arith.muli %parallel_loop3A_189, %parallel_loop3A_196 : i32
      %parallel_loop3A_198 = arith.index_cast %parallel_loop3A_197 : i32 to index
      %parallel_loop3A_199 = tpu.vector_load %arg12[%parallel_loop3A_198] {strides = array<i32>} : memref<8192xf32, #tpu.memory_space<vmem>>, vector<16xf32>,
      %parallel_loop3A_200 = arith.subf %broadcast_in_dim3A_62, %parallel_loop3A_199 : vector<16xf32>
      %parallel_loop3A_201 = arith.mulf %parallel_loop3A_195, %parallel_loop3A_195 : vector<16xf32>
      %parallel_loop3A_202 = arith.mulf %parallel_loop3A_200, %parallel_loop3A_200 : vector<16xf32>
      %parallel_loop3A_203 = arith.addf %parallel_loop3A_201, %parallel_loop3A_202 : vector<16xf32>
      %parallel_loop3A_204 = arith.cmpf ole, %parallel_loop3A_203, %get3A_7 : vector<16xf32>
      %parallel_loop3A_205 = arith.extui %parallel_loop3A_204 : vector<16xi1> to vector<16xi32>
      %parallel_loop3A_206 = arith.constant true
      %parallel_loop3A_207 = vector.broadcast %parallel_loop3A_206 : i1 to vector<16xi1>
      %parallel_loop3A_208 = tpu.scan <sum>, %parallel_loop3A_205 masked %parallel_loop3A_207 : vector<16xi32>, vector<16xi1> -> vector<16xi32>
      %parallel_loop3A_209 = arith.addi %parallel_loop3A_190, %parallel_loop3A_208 : vector<16xi32>
      %parallel_loop3A_210 = arith.constant 1 : i32
      %parallel_loop3A_211 = vector.broadcast %parallel_loop3A_210 : i32 to vector<16xi32>
      %parallel_loop3A_212 = arith.subi %parallel_loop3A_209, %parallel_loop3A_211 : vector<16xi32>
      %parallel_loop3A_213 = arith.constant 0 : i32
      %parallel_loop3A_214 = arith.constant 127 : i32
      %parallel_loop3A_215 = vector.broadcast %parallel_loop3A_213 : i32 to vector<16xi32>
      %parallel_loop3A_216 = arith.maxsi %parallel_loop3A_215, %parallel_loop3A_212 : vector<16xi32>
      %parallel_loop3A_217 = vector.broadcast %parallel_loop3A_214 : i32 to vector<16xi32>
      %parallel_loop3A_218 = arith.minsi %parallel_loop3A_217, %parallel_loop3A_216 : vector<16xi32>
      %parallel_loop3A_219 = arith.constant 16 : i32
      %parallel_loop3A_220 = arith.muli %parallel_loop3A_189, %parallel_loop3A_219 : i32
      %parallel_loop3A_221 = vector.broadcast %parallel_loop3A_220 : i32 to vector<16xi32>
      %parallel_loop3A_222 = arith.addi %parallel_loop3A_221, %iota3A : vector<16xi32>
      tpu.vector_store_idx %arg16[%parallel_loop3A_218], %parallel_loop3A_222 masked %parallel_loop3A_204 : memref<128xi32, #tpu.memory_space<vmem>>[vector<16xi32>], vector<16xi32>, vector<16xi1>
      tpu.vector_store_idx %arg18[%parallel_loop3A_218], %parallel_loop3A_195 masked %parallel_loop3A_204 : memref<128xf32, #tpu.memory_space<vmem>>[vector<16xi32>], vector<16xf32>, vector<16xi1>
      tpu.vector_store_idx %arg19[%parallel_loop3A_218], %parallel_loop3A_200 masked %parallel_loop3A_204 : memref<128xf32, #tpu.memory_space<vmem>>[vector<16xi32>], vector<16xf32>, vector<16xi1>
      %parallel_loop3A_223 = tpu.all_reduce %parallel_loop3A_204 {dim = 0 : i64, kind = #tpu.reduction_kind<sum>} : vector<16xi1> -> vector<16xi32>
      %parallel_loop3A_224 = arith.addi %parallel_loop3A_190, %parallel_loop3A_223 : vector<16xi32>
      scf.yield %parallel_loop3A_224 : vector<16xi32>
    } {sc.loop_unroll_factor = 4 : i64, sc.parallel_access}
    %add3A_66 = arith.constant 0 : i32
    %add3A_67 = arith.addi %mul3A_2, %add3A_66 : i32
    "tpu.region"() ({
      %run_scoped3A = tpu.sem_alloc : memref<!tpu.dma_semaphore, #tpu.memory_space<semaphore_mem>>
      %dma_start3A_189 = arith.constant 0 : i32
      %dma_start3A_190 = tpu.memref_slice %arg8[%add3A_67, %dma_start3A_189] : memref<4096x128xf32, #tpu.memory_space<hbm>> -> memref<1x128xf32, #tpu.memory_space<hbm>>
      %dma_start3A_191 = tpu.memref_squeeze %dma_start3A_190 : memref<1x128xf32, #tpu.memory_space<hbm>> -> memref<128xf32, #tpu.memory_space<hbm>>
      %dma_start3A_192 = arith.constant 0 : i32
      %dma_start3A_193 = tpu.memref_slice %arg8[%add3A_67, %dma_start3A_192] : memref<4096x128xf32, #tpu.memory_space<hbm>> -> memref<1x128xf32, #tpu.memory_space<hbm>>
      %dma_start3A_194 = tpu.memref_squeeze %dma_start3A_193 : memref<1x128xf32, #tpu.memory_space<hbm>> -> memref<128xf32, #tpu.memory_space<hbm>>
      tpu.enqueue_dma source(%arg18 : memref<128xf32, #tpu.memory_space<vmem>>) target(%dma_start3A_194 : memref<128xf32, #tpu.memory_space<hbm>>) target_semaphore(%run_scoped3A : memref<!tpu.dma_semaphore, #tpu.memory_space<semaphore_mem>>)
      %dma_wait3A_195 = arith.constant 0 : i32
      %dma_wait3A_196 = tpu.memref_slice %arg8[%add3A_67, %dma_wait3A_195] : memref<4096x128xf32, #tpu.memory_space<hbm>> -> memref<1x128xf32, #tpu.memory_space<hbm>>
      %dma_wait3A_197 = tpu.memref_squeeze %dma_wait3A_196 : memref<1x128xf32, #tpu.memory_space<hbm>> -> memref<128xf32, #tpu.memory_space<hbm>>
      %dma_wait3A_198 = arith.constant 0 : i32
      %dma_wait3A_199 = tpu.memref_slice %arg8[%add3A_67, %dma_wait3A_198] : memref<4096x128xf32, #tpu.memory_space<hbm>> -> memref<1x128xf32, #tpu.memory_space<hbm>>
      %dma_wait3A_200 = tpu.memref_squeeze %dma_wait3A_199 : memref<1x128xf32, #tpu.memory_space<hbm>> -> memref<128xf32, #tpu.memory_space<hbm>>
      tpu.wait_dma2 semaphore(%run_scoped3A : memref<!tpu.dma_semaphore, #tpu.memory_space<semaphore_mem>>) src(%arg18 : memref<128xf32, #tpu.memory_space<vmem>>) dst(%dma_wait3A_200 : memref<128xf32, #tpu.memory_space<hbm>>)
      tpu.yield
    }) : () -> ()
    %add3A_68 = arith.constant 0 : i32
    %add3A_69 = arith.addi %mul3A_2, %add3A_68 : i32
    "tpu.region"() ({
      %run_scoped3A = tpu.sem_alloc : memref<!tpu.dma_semaphore, #tpu.memory_space<semaphore_mem>>
      %dma_start3A_189 = arith.constant 0 : i32
      %dma_start3A_190 = tpu.memref_slice %arg9[%add3A_69, %dma_start3A_189] : memref<4096x128xf32, #tpu.memory_space<hbm>> -> memref<1x128xf32, #tpu.memory_space<hbm>>
      %dma_start3A_191 = tpu.memref_squeeze %dma_start3A_190 : memref<1x128xf32, #tpu.memory_space<hbm>> -> memref<128xf32, #tpu.memory_space<hbm>>
      %dma_start3A_192 = arith.constant 0 : i32
      %dma_start3A_193 = tpu.memref_slice %arg9[%add3A_69, %dma_start3A_192] : memref<4096x128xf32, #tpu.memory_space<hbm>> -> memref<1x128xf32, #tpu.memory_space<hbm>>
      %dma_start3A_194 = tpu.memref_squeeze %dma_start3A_193 : memref<1x128xf32, #tpu.memory_space<hbm>> -> memref<128xf32, #tpu.memory_space<hbm>>
      tpu.enqueue_dma source(%arg19 : memref<128xf32, #tpu.memory_space<vmem>>) target(%dma_start3A_194 : memref<128xf32, #tpu.memory_space<hbm>>) target_semaphore(%run_scoped3A : memref<!tpu.dma_semaphore, #tpu.memory_space<semaphore_mem>>)
      %dma_wait3A_195 = arith.constant 0 : i32
      %dma_wait3A_196 = tpu.memref_slice %arg9[%add3A_69, %dma_wait3A_195] : memref<4096x128xf32, #tpu.memory_space<hbm>> -> memref<1x128xf32, #tpu.memory_space<hbm>>
      %dma_wait3A_197 = tpu.memref_squeeze %dma_wait3A_196 : memref<1x128xf32, #tpu.memory_space<hbm>> -> memref<128xf32, #tpu.memory_space<hbm>>
      %dma_wait3A_198 = arith.constant 0 : i32
      %dma_wait3A_199 = tpu.memref_slice %arg9[%add3A_69, %dma_wait3A_198] : memref<4096x128xf32, #tpu.memory_space<hbm>> -> memref<1x128xf32, #tpu.memory_space<hbm>>
      %dma_wait3A_200 = tpu.memref_squeeze %dma_wait3A_199 : memref<1x128xf32, #tpu.memory_space<hbm>> -> memref<128xf32, #tpu.memory_space<hbm>>
      tpu.wait_dma2 semaphore(%run_scoped3A : memref<!tpu.dma_semaphore, #tpu.memory_space<semaphore_mem>>) src(%arg19 : memref<128xf32, #tpu.memory_space<vmem>>) dst(%dma_wait3A_200 : memref<128xf32, #tpu.memory_space<hbm>>)
      tpu.yield
    }) : () -> ()
    %dma_start3A = arith.constant 0 : i32
    %dma_start3A_70 = arith.constant 0 : i32
    %dma_start3A_71 = tpu.memref_slice %arg22[%dma_start3A, %dma_start3A_70] : memref<8192x128xf32, #tpu.memory_space<vmem_shared>> -> memref<8192x128xf32, #tpu.memory_space<vmem_shared>>
    tpu.enqueue_indirect_dma source(%dma_start3A_71 : memref<8192x128xf32, #tpu.memory_space<vmem_shared>>) target(%arg20 : memref<128x128xf32, #tpu.memory_space<vmem>>) offsets(%arg16 : memref<128xi32, #tpu.memory_space<vmem>>) semaphore(%arg23 : memref<!tpu.dma_semaphore, #tpu.memory_space<semaphore_mem>>)
    %swap3A_72 = arith.constant 0 : index
    %swap3A_73 = tpu.vector_load %arg17[%swap3A_72] {strides = array<i32>} : memref<128xi32, #tpu.memory_space<vmem>>, vector<16xi32>,
    tpu.vector_store %arg17[%swap3A_72], %broadcast_in_dim3A_10 {strides = array<i32>} : memref<128xi32, #tpu.memory_space<vmem>>, vector<16xi32>,
    %swap3A_74 = arith.constant 0 : index
    %swap3A_75 = tpu.vector_load %arg18[%swap3A_74] {strides = array<i32>} : memref<128xf32, #tpu.memory_space<vmem>>, vector<16xf32>,
    tpu.vector_store %arg18[%swap3A_74], %broadcast_in_dim3A_12 {strides = array<i32>} : memref<128xf32, #tpu.memory_space<vmem>>, vector<16xf32>,
    %swap3A_76 = arith.constant 16 : index
    %swap3A_77 = tpu.vector_load %arg17[%swap3A_76] {strides = array<i32>} : memref<128xi32, #tpu.memory_space<vmem>>, vector<16xi32>,
    tpu.vector_store %arg17[%swap3A_76], %broadcast_in_dim3A_10 {strides = array<i32>} : memref<128xi32, #tpu.memory_space<vmem>>, vector<16xi32>,
    %swap3A_78 = arith.constant 16 : index
    %swap3A_79 = tpu.vector_load %arg18[%swap3A_78] {strides = array<i32>} : memref<128xf32, #tpu.memory_space<vmem>>, vector<16xf32>,
    tpu.vector_store %arg18[%swap3A_78], %broadcast_in_dim3A_12 {strides = array<i32>} : memref<128xf32, #tpu.memory_space<vmem>>, vector<16xf32>,
    %swap3A_80 = arith.constant 32 : index
    %swap3A_81 = tpu.vector_load %arg17[%swap3A_80] {strides = array<i32>} : memref<128xi32, #tpu.memory_space<vmem>>, vector<16xi32>,
    tpu.vector_store %arg17[%swap3A_80], %broadcast_in_dim3A_10 {strides = array<i32>} : memref<128xi32, #tpu.memory_space<vmem>>, vector<16xi32>,
    %swap3A_82 = arith.constant 32 : index
    %swap3A_83 = tpu.vector_load %arg18[%swap3A_82] {strides = array<i32>} : memref<128xf32, #tpu.memory_space<vmem>>, vector<16xf32>,
    tpu.vector_store %arg18[%swap3A_82], %broadcast_in_dim3A_12 {strides = array<i32>} : memref<128xf32, #tpu.memory_space<vmem>>, vector<16xf32>,
    %swap3A_84 = arith.constant 48 : index
    %swap3A_85 = tpu.vector_load %arg17[%swap3A_84] {strides = array<i32>} : memref<128xi32, #tpu.memory_space<vmem>>, vector<16xi32>,
    tpu.vector_store %arg17[%swap3A_84], %broadcast_in_dim3A_10 {strides = array<i32>} : memref<128xi32, #tpu.memory_space<vmem>>, vector<16xi32>,
    %swap3A_86 = arith.constant 48 : index
    %swap3A_87 = tpu.vector_load %arg18[%swap3A_86] {strides = array<i32>} : memref<128xf32, #tpu.memory_space<vmem>>, vector<16xf32>,
    tpu.vector_store %arg18[%swap3A_86], %broadcast_in_dim3A_12 {strides = array<i32>} : memref<128xf32, #tpu.memory_space<vmem>>, vector<16xf32>,
    %swap3A_88 = arith.constant 64 : index
    %swap3A_89 = tpu.vector_load %arg17[%swap3A_88] {strides = array<i32>} : memref<128xi32, #tpu.memory_space<vmem>>, vector<16xi32>,
    tpu.vector_store %arg17[%swap3A_88], %broadcast_in_dim3A_10 {strides = array<i32>} : memref<128xi32, #tpu.memory_space<vmem>>, vector<16xi32>,
    %swap3A_90 = arith.constant 64 : index
    %swap3A_91 = tpu.vector_load %arg18[%swap3A_90] {strides = array<i32>} : memref<128xf32, #tpu.memory_space<vmem>>, vector<16xf32>,
    tpu.vector_store %arg18[%swap3A_90], %broadcast_in_dim3A_12 {strides = array<i32>} : memref<128xf32, #tpu.memory_space<vmem>>, vector<16xf32>,
    %swap3A_92 = arith.constant 80 : index
    %swap3A_93 = tpu.vector_load %arg17[%swap3A_92] {strides = array<i32>} : memref<128xi32, #tpu.memory_space<vmem>>, vector<16xi32>,
    tpu.vector_store %arg17[%swap3A_92], %broadcast_in_dim3A_10 {strides = array<i32>} : memref<128xi32, #tpu.memory_space<vmem>>, vector<16xi32>,
    %swap3A_94 = arith.constant 80 : index
    %swap3A_95 = tpu.vector_load %arg18[%swap3A_94] {strides = array<i32>} : memref<128xf32, #tpu.memory_space<vmem>>, vector<16xf32>,
    tpu.vector_store %arg18[%swap3A_94], %broadcast_in_dim3A_12 {strides = array<i32>} : memref<128xf32, #tpu.memory_space<vmem>>, vector<16xf32>,
    %swap3A_96 = arith.constant 96 : index
    %swap3A_97 = tpu.vector_load %arg17[%swap3A_96] {strides = array<i32>} : memref<128xi32, #tpu.memory_space<vmem>>, vector<16xi32>,
    tpu.vector_store %arg17[%swap3A_96], %broadcast_in_dim3A_10 {strides = array<i32>} : memref<128xi32, #tpu.memory_space<vmem>>, vector<16xi32>,
    %swap3A_98 = arith.constant 96 : index
    %swap3A_99 = tpu.vector_load %arg18[%swap3A_98] {strides = array<i32>} : memref<128xf32, #tpu.memory_space<vmem>>, vector<16xf32>,
    tpu.vector_store %arg18[%swap3A_98], %broadcast_in_dim3A_12 {strides = array<i32>} : memref<128xf32, #tpu.memory_space<vmem>>, vector<16xf32>,
    %swap3A_100 = arith.constant 112 : index
    %swap3A_101 = tpu.vector_load %arg17[%swap3A_100] {strides = array<i32>} : memref<128xi32, #tpu.memory_space<vmem>>, vector<16xi32>,
    tpu.vector_store %arg17[%swap3A_100], %broadcast_in_dim3A_10 {strides = array<i32>} : memref<128xi32, #tpu.memory_space<vmem>>, vector<16xi32>,
    %swap3A_102 = arith.constant 112 : index
    %swap3A_103 = tpu.vector_load %arg18[%swap3A_102] {strides = array<i32>} : memref<128xf32, #tpu.memory_space<vmem>>, vector<16xf32>,
    tpu.vector_store %arg18[%swap3A_102], %broadcast_in_dim3A_12 {strides = array<i32>} : memref<128xf32, #tpu.memory_space<vmem>>, vector<16xf32>,
    %eq3A_104 = arith.constant 1 : i32
    %eq3A_105 = vector.broadcast %eq3A_104 : i32 to vector<16xi32>
    %eq3A_106 = arith.cmpi eq, %iota3A, %eq3A_105 : vector<16xi32>
    %get3A_107 = arith.constant 0 : index
    %get3A_108 = tpu.vector_load %arg13[%get3A_107] {strides = array<i32>} : memref<128xf32, #tpu.memory_space<vmem>>, vector<16xf32>,
    %select_n3A_109 = arith.select %eq3A_106, %get3A_108, %broadcast_in_dim3A_8 : vector<16xi1>, vector<16xf32>
    %reduce_sum3A_110 = arith.constant true
    %reduce_sum3A_111 = vector.broadcast %reduce_sum3A_110 : i1 to vector<16xi1>
    %reduce_sum3A_112 = tpu.scan <sum>, %select_n3A_109 masked %reduce_sum3A_111 : vector<16xf32>, vector<16xi1> -> vector<16xf32>
    %reduce_sum3A_113 = vector.extract %reduce_sum3A_112[15] : f32 from vector<16xf32>
    %eq3A_114 = arith.constant 1 : i32
    %eq3A_115 = vector.broadcast %eq3A_114 : i32 to vector<16xi32>
    %eq3A_116 = arith.cmpi eq, %iota3A, %eq3A_115 : vector<16xi32>
    %get3A_117 = arith.constant 0 : index
    %get3A_118 = tpu.vector_load %arg14[%get3A_117] {strides = array<i32>} : memref<128xf32, #tpu.memory_space<vmem>>, vector<16xf32>,
    %select_n3A_119 = arith.select %eq3A_116, %get3A_118, %broadcast_in_dim3A_8 : vector<16xi1>, vector<16xf32>
    %reduce_sum3A_120 = arith.constant true
    %reduce_sum3A_121 = vector.broadcast %reduce_sum3A_120 : i1 to vector<16xi1>
    %reduce_sum3A_122 = tpu.scan <sum>, %select_n3A_119 masked %reduce_sum3A_121 : vector<16xf32>, vector<16xi1> -> vector<16xf32>
    %reduce_sum3A_123 = vector.extract %reduce_sum3A_122[15] : f32 from vector<16xf32>
    %broadcast_in_dim3A_124 = vector.broadcast %reduce_sum3A_113 : f32 to vector<16xf32>
    %broadcast_in_dim3A_125 = vector.broadcast %reduce_sum3A_123 : f32 to vector<16xf32>
    %parallel_loop3A_126 = arith.constant 0 : i32
    %parallel_loop3A_127 = arith.constant 512 : i32
    %parallel_loop3A_128 = arith.constant 1 : i32
    %parallel_loop3A_129 = scf.for %parallel_loop3A_189 = %parallel_loop3A_126 to %parallel_loop3A_127 step %parallel_loop3A_128 iter_args(%parallel_loop3A_190 = %broadcast_in_dim3A_10) -> (vector<16xi32>)  : i32 {
      %parallel_loop3A_191 = arith.constant 16 : i32
      %parallel_loop3A_192 = arith.muli %parallel_loop3A_189, %parallel_loop3A_191 : i32
      %parallel_loop3A_193 = arith.index_cast %parallel_loop3A_192 : i32 to index
      %parallel_loop3A_194 = tpu.vector_load %arg11[%parallel_loop3A_193] {strides = array<i32>} : memref<8192xf32, #tpu.memory_space<vmem>>, vector<16xf32>,
      %parallel_loop3A_195 = arith.subf %broadcast_in_dim3A_124, %parallel_loop3A_194 : vector<16xf32>
      %parallel_loop3A_196 = arith.constant 16 : i32
      %parallel_loop3A_197 = arith.muli %parallel_loop3A_189, %parallel_loop3A_196 : i32
      %parallel_loop3A_198 = arith.index_cast %parallel_loop3A_197 : i32 to index
      %parallel_loop3A_199 = tpu.vector_load %arg12[%parallel_loop3A_198] {strides = array<i32>} : memref<8192xf32, #tpu.memory_space<vmem>>, vector<16xf32>,
      %parallel_loop3A_200 = arith.subf %broadcast_in_dim3A_125, %parallel_loop3A_199 : vector<16xf32>
      %parallel_loop3A_201 = arith.mulf %parallel_loop3A_195, %parallel_loop3A_195 : vector<16xf32>
      %parallel_loop3A_202 = arith.mulf %parallel_loop3A_200, %parallel_loop3A_200 : vector<16xf32>
      %parallel_loop3A_203 = arith.addf %parallel_loop3A_201, %parallel_loop3A_202 : vector<16xf32>
      %parallel_loop3A_204 = arith.cmpf ole, %parallel_loop3A_203, %get3A_7 : vector<16xf32>
      %parallel_loop3A_205 = arith.extui %parallel_loop3A_204 : vector<16xi1> to vector<16xi32>
      %parallel_loop3A_206 = arith.constant true
      %parallel_loop3A_207 = vector.broadcast %parallel_loop3A_206 : i1 to vector<16xi1>
      %parallel_loop3A_208 = tpu.scan <sum>, %parallel_loop3A_205 masked %parallel_loop3A_207 : vector<16xi32>, vector<16xi1> -> vector<16xi32>
      %parallel_loop3A_209 = arith.addi %parallel_loop3A_190, %parallel_loop3A_208 : vector<16xi32>
      %parallel_loop3A_210 = arith.constant 1 : i32
      %parallel_loop3A_211 = vector.broadcast %parallel_loop3A_210 : i32 to vector<16xi32>
      %parallel_loop3A_212 = arith.subi %parallel_loop3A_209, %parallel_loop3A_211 : vector<16xi32>
      %parallel_loop3A_213 = arith.constant 0 : i32
      %parallel_loop3A_214 = arith.constant 127 : i32
      %parallel_loop3A_215 = vector.broadcast %parallel_loop3A_213 : i32 to vector<16xi32>
      %parallel_loop3A_216 = arith.maxsi %parallel_loop3A_215, %parallel_loop3A_212 : vector<16xi32>
      %parallel_loop3A_217 = vector.broadcast %parallel_loop3A_214 : i32 to vector<16xi32>
      %parallel_loop3A_218 = arith.minsi %parallel_loop3A_217, %parallel_loop3A_216 : vector<16xi32>
      %parallel_loop3A_219 = arith.constant 16 : i32
      %parallel_loop3A_220 = arith.muli %parallel_loop3A_189, %parallel_loop3A_219 : i32
      %parallel_loop3A_221 = vector.broadcast %parallel_loop3A_220 : i32 to vector<16xi32>
      %parallel_loop3A_222 = arith.addi %parallel_loop3A_221, %iota3A : vector<16xi32>
      tpu.vector_store_idx %arg17[%parallel_loop3A_218], %parallel_loop3A_222 masked %parallel_loop3A_204 : memref<128xi32, #tpu.memory_space<vmem>>[vector<16xi32>], vector<16xi32>, vector<16xi1>
      tpu.vector_store_idx %arg18[%parallel_loop3A_218], %parallel_loop3A_195 masked %parallel_loop3A_204 : memref<128xf32, #tpu.memory_space<vmem>>[vector<16xi32>], vector<16xf32>, vector<16xi1>
      tpu.vector_store_idx %arg19[%parallel_loop3A_218], %parallel_loop3A_200 masked %parallel_loop3A_204 : memref<128xf32, #tpu.memory_space<vmem>>[vector<16xi32>], vector<16xf32>, vector<16xi1>
      %parallel_loop3A_223 = tpu.all_reduce %parallel_loop3A_204 {dim = 0 : i64, kind = #tpu.reduction_kind<sum>} : vector<16xi1> -> vector<16xi32>
      %parallel_loop3A_224 = arith.addi %parallel_loop3A_190, %parallel_loop3A_223 : vector<16xi32>
      scf.yield %parallel_loop3A_224 : vector<16xi32>
    } {sc.loop_unroll_factor = 4 : i64, sc.parallel_access}
    %add3A_130 = arith.constant 1 : i32
    %add3A_131 = arith.addi %mul3A_2, %add3A_130 : i32
    "tpu.region"() ({
      %run_scoped3A = tpu.sem_alloc : memref<!tpu.dma_semaphore, #tpu.memory_space<semaphore_mem>>
      %dma_start3A_189 = arith.constant 0 : i32
      %dma_start3A_190 = tpu.memref_slice %arg8[%add3A_131, %dma_start3A_189] : memref<4096x128xf32, #tpu.memory_space<hbm>> -> memref<1x128xf32, #tpu.memory_space<hbm>>
      %dma_start3A_191 = tpu.memref_squeeze %dma_start3A_190 : memref<1x128xf32, #tpu.memory_space<hbm>> -> memref<128xf32, #tpu.memory_space<hbm>>
      %dma_start3A_192 = arith.constant 0 : i32
      %dma_start3A_193 = tpu.memref_slice %arg8[%add3A_131, %dma_start3A_192] : memref<4096x128xf32, #tpu.memory_space<hbm>> -> memref<1x128xf32, #tpu.memory_space<hbm>>
      %dma_start3A_194 = tpu.memref_squeeze %dma_start3A_193 : memref<1x128xf32, #tpu.memory_space<hbm>> -> memref<128xf32, #tpu.memory_space<hbm>>
      tpu.enqueue_dma source(%arg18 : memref<128xf32, #tpu.memory_space<vmem>>) target(%dma_start3A_194 : memref<128xf32, #tpu.memory_space<hbm>>) target_semaphore(%run_scoped3A : memref<!tpu.dma_semaphore, #tpu.memory_space<semaphore_mem>>)
      %dma_wait3A_195 = arith.constant 0 : i32
      %dma_wait3A_196 = tpu.memref_slice %arg8[%add3A_131, %dma_wait3A_195] : memref<4096x128xf32, #tpu.memory_space<hbm>> -> memref<1x128xf32, #tpu.memory_space<hbm>>
      %dma_wait3A_197 = tpu.memref_squeeze %dma_wait3A_196 : memref<1x128xf32, #tpu.memory_space<hbm>> -> memref<128xf32, #tpu.memory_space<hbm>>
      %dma_wait3A_198 = arith.constant 0 : i32
      %dma_wait3A_199 = tpu.memref_slice %arg8[%add3A_131, %dma_wait3A_198] : memref<4096x128xf32, #tpu.memory_space<hbm>> -> memref<1x128xf32, #tpu.memory_space<hbm>>
      %dma_wait3A_200 = tpu.memref_squeeze %dma_wait3A_199 : memref<1x128xf32, #tpu.memory_space<hbm>> -> memref<128xf32, #tpu.memory_space<hbm>>
      tpu.wait_dma2 semaphore(%run_scoped3A : memref<!tpu.dma_semaphore, #tpu.memory_space<semaphore_mem>>) src(%arg18 : memref<128xf32, #tpu.memory_space<vmem>>) dst(%dma_wait3A_200 : memref<128xf32, #tpu.memory_space<hbm>>)
      tpu.yield
    }) : () -> ()
    %add3A_132 = arith.constant 1 : i32
    %add3A_133 = arith.addi %mul3A_2, %add3A_132 : i32
    "tpu.region"() ({
      %run_scoped3A = tpu.sem_alloc : memref<!tpu.dma_semaphore, #tpu.memory_space<semaphore_mem>>
      %dma_start3A_189 = arith.constant 0 : i32
      %dma_start3A_190 = tpu.memref_slice %arg9[%add3A_133, %dma_start3A_189] : memref<4096x128xf32, #tpu.memory_space<hbm>> -> memref<1x128xf32, #tpu.memory_space<hbm>>
      %dma_start3A_191 = tpu.memref_squeeze %dma_start3A_190 : memref<1x128xf32, #tpu.memory_space<hbm>> -> memref<128xf32, #tpu.memory_space<hbm>>
      %dma_start3A_192 = arith.constant 0 : i32
      %dma_start3A_193 = tpu.memref_slice %arg9[%add3A_133, %dma_start3A_192] : memref<4096x128xf32, #tpu.memory_space<hbm>> -> memref<1x128xf32, #tpu.memory_space<hbm>>
      %dma_start3A_194 = tpu.memref_squeeze %dma_start3A_193 : memref<1x128xf32, #tpu.memory_space<hbm>> -> memref<128xf32, #tpu.memory_space<hbm>>
      tpu.enqueue_dma source(%arg19 : memref<128xf32, #tpu.memory_space<vmem>>) target(%dma_start3A_194 : memref<128xf32, #tpu.memory_space<hbm>>) target_semaphore(%run_scoped3A : memref<!tpu.dma_semaphore, #tpu.memory_space<semaphore_mem>>)
      %dma_wait3A_195 = arith.constant 0 : i32
      %dma_wait3A_196 = tpu.memref_slice %arg9[%add3A_133, %dma_wait3A_195] : memref<4096x128xf32, #tpu.memory_space<hbm>> -> memref<1x128xf32, #tpu.memory_space<hbm>>
      %dma_wait3A_197 = tpu.memref_squeeze %dma_wait3A_196 : memref<1x128xf32, #tpu.memory_space<hbm>> -> memref<128xf32, #tpu.memory_space<hbm>>
      %dma_wait3A_198 = arith.constant 0 : i32
      %dma_wait3A_199 = tpu.memref_slice %arg9[%add3A_133, %dma_wait3A_198] : memref<4096x128xf32, #tpu.memory_space<hbm>> -> memref<1x128xf32, #tpu.memory_space<hbm>>
      %dma_wait3A_200 = tpu.memref_squeeze %dma_wait3A_199 : memref<1x128xf32, #tpu.memory_space<hbm>> -> memref<128xf32, #tpu.memory_space<hbm>>
      tpu.wait_dma2 semaphore(%run_scoped3A : memref<!tpu.dma_semaphore, #tpu.memory_space<semaphore_mem>>) src(%arg19 : memref<128xf32, #tpu.memory_space<vmem>>) dst(%dma_wait3A_200 : memref<128xf32, #tpu.memory_space<hbm>>)
      tpu.yield
    }) : () -> ()
    %dma_start3A_134 = arith.constant 0 : i32
    %dma_start3A_135 = arith.constant 0 : i32
    %dma_start3A_136 = tpu.memref_slice %arg22[%dma_start3A_134, %dma_start3A_135] : memref<8192x128xf32, #tpu.memory_space<vmem_shared>> -> memref<8192x128xf32, #tpu.memory_space<vmem_shared>>
    tpu.enqueue_indirect_dma source(%dma_start3A_136 : memref<8192x128xf32, #tpu.memory_space<vmem_shared>>) target(%arg21 : memref<128x128xf32, #tpu.memory_space<vmem>>) offsets(%arg17 : memref<128xi32, #tpu.memory_space<vmem>>) semaphore(%arg24 : memref<!tpu.dma_semaphore, #tpu.memory_space<semaphore_mem>>)
    %dma_wait3A = arith.constant 0 : i32
    %dma_wait3A_137 = arith.constant 0 : i32
    %dma_wait3A_138 = tpu.memref_slice %arg7[%dma_wait3A, %dma_wait3A_137] : memref<8192x128xf32, #tpu.memory_space<hbm>> -> memref<128x128xf32, #tpu.memory_space<hbm>>
    %dma_wait3A_139 = arith.constant 0 : i32
    %dma_wait3A_140 = arith.constant 0 : i32
    %dma_wait3A_141 = tpu.memref_slice %arg7[%dma_wait3A_139, %dma_wait3A_140] : memref<8192x128xf32, #tpu.memory_space<hbm>> -> memref<128x128xf32, #tpu.memory_space<hbm>>
    tpu.wait_dma2 semaphore(%arg23 : memref<!tpu.dma_semaphore, #tpu.memory_space<semaphore_mem>>) src(%dma_wait3A_141 : memref<128x128xf32, #tpu.memory_space<hbm>>) dst(%arg20 : memref<128x128xf32, #tpu.memory_space<vmem>>)
    %add3A_142 = arith.constant 0 : i32
    %add3A_143 = arith.addi %mul3A_2, %add3A_142 : i32
    %dma_start3A_144 = arith.constant 0 : i32
    %dma_start3A_145 = arith.constant 0 : i32
    %dma_start3A_146 = tpu.memref_slice %arg10[%add3A_143, %dma_start3A_144, %dma_start3A_145] : memref<4096x128x128xf32, #tpu.memory_space<hbm>> -> memref<1x128x128xf32, #tpu.memory_space<hbm>>
    %dma_start3A_147 = tpu.memref_squeeze %dma_start3A_146 : memref<1x128x128xf32, #tpu.memory_space<hbm>> -> memref<128x128xf32, #tpu.memory_space<hbm>>
    %dma_start3A_148 = arith.constant 0 : i32
    %dma_start3A_149 = arith.constant 0 : i32
    %dma_start3A_150 = tpu.memref_slice %arg10[%add3A_143, %dma_start3A_148, %dma_start3A_149] : memref<4096x128x128xf32, #tpu.memory_space<hbm>> -> memref<1x128x128xf32, #tpu.memory_space<hbm>>
    %dma_start3A_151 = tpu.memref_squeeze %dma_start3A_150 : memref<1x128x128xf32, #tpu.memory_space<hbm>> -> memref<128x128xf32, #tpu.memory_space<hbm>>
    tpu.enqueue_dma source(%arg20 : memref<128x128xf32, #tpu.memory_space<vmem>>) target(%dma_start3A_151 : memref<128x128xf32, #tpu.memory_space<hbm>>) target_semaphore(%arg25 : memref<!tpu.dma_semaphore, #tpu.memory_space<semaphore_mem>>)
    %scan3A = arith.constant 0 : i32
    %scan3A_152 = arith.constant 1 : i32
    %scan3A_153 = arith.constant 63 : i32
    %scan3A_154 = arith.addi %scan3A_152, %scan3A_153 : i32
    %scan3A_155 = arith.constant 1 : i32
    scf.for %scan3A_189 = %scan3A_152 to %scan3A_154 step %scan3A_155  : i32 {
      %mul3A_190 = arith.constant 2 : i32
      %mul3A_191 = arith.muli %mul3A_190, %scan3A_189 : i32
      %add3A_192 = arith.constant 1 : i32
      %add3A_193 = arith.addi %mul3A_191, %add3A_192 : i32
      %swap3A_194 = arith.constant 0 : index
      %swap3A_195 = tpu.vector_load %arg16[%swap3A_194] {strides = array<i32>} : memref<128xi32, #tpu.memory_space<vmem>>, vector<16xi32>,
      tpu.vector_store %arg16[%swap3A_194], %broadcast_in_dim3A_10 {strides = array<i32>} : memref<128xi32, #tpu.memory_space<vmem>>, vector<16xi32>,
      %swap3A_196 = arith.constant 0 : index
      %swap3A_197 = tpu.vector_load %arg18[%swap3A_196] {strides = array<i32>} : memref<128xf32, #tpu.memory_space<vmem>>, vector<16xf32>,
      tpu.vector_store %arg18[%swap3A_196], %broadcast_in_dim3A_12 {strides = array<i32>} : memref<128xf32, #tpu.memory_space<vmem>>, vector<16xf32>,
      %swap3A_198 = arith.constant 16 : index
      %swap3A_199 = tpu.vector_load %arg16[%swap3A_198] {strides = array<i32>} : memref<128xi32, #tpu.memory_space<vmem>>, vector<16xi32>,
      tpu.vector_store %arg16[%swap3A_198], %broadcast_in_dim3A_10 {strides = array<i32>} : memref<128xi32, #tpu.memory_space<vmem>>, vector<16xi32>,
      %swap3A_200 = arith.constant 16 : index
      %swap3A_201 = tpu.vector_load %arg18[%swap3A_200] {strides = array<i32>} : memref<128xf32, #tpu.memory_space<vmem>>, vector<16xf32>,
      tpu.vector_store %arg18[%swap3A_200], %broadcast_in_dim3A_12 {strides = array<i32>} : memref<128xf32, #tpu.memory_space<vmem>>, vector<16xf32>,
      %swap3A_202 = arith.constant 32 : index
      %swap3A_203 = tpu.vector_load %arg16[%swap3A_202] {strides = array<i32>} : memref<128xi32, #tpu.memory_space<vmem>>, vector<16xi32>,
      tpu.vector_store %arg16[%swap3A_202], %broadcast_in_dim3A_10 {strides = array<i32>} : memref<128xi32, #tpu.memory_space<vmem>>, vector<16xi32>,
      %swap3A_204 = arith.constant 32 : index
      %swap3A_205 = tpu.vector_load %arg18[%swap3A_204] {strides = array<i32>} : memref<128xf32, #tpu.memory_space<vmem>>, vector<16xf32>,
      tpu.vector_store %arg18[%swap3A_204], %broadcast_in_dim3A_12 {strides = array<i32>} : memref<128xf32, #tpu.memory_space<vmem>>, vector<16xf32>,
      %swap3A_206 = arith.constant 48 : index
      %swap3A_207 = tpu.vector_load %arg16[%swap3A_206] {strides = array<i32>} : memref<128xi32, #tpu.memory_space<vmem>>, vector<16xi32>,
      tpu.vector_store %arg16[%swap3A_206], %broadcast_in_dim3A_10 {strides = array<i32>} : memref<128xi32, #tpu.memory_space<vmem>>, vector<16xi32>,
      %swap3A_208 = arith.constant 48 : index
      %swap3A_209 = tpu.vector_load %arg18[%swap3A_208] {strides = array<i32>} : memref<128xf32, #tpu.memory_space<vmem>>, vector<16xf32>,
      tpu.vector_store %arg18[%swap3A_208], %broadcast_in_dim3A_12 {strides = array<i32>} : memref<128xf32, #tpu.memory_space<vmem>>, vector<16xf32>,
      %swap3A_210 = arith.constant 64 : index
      %swap3A_211 = tpu.vector_load %arg16[%swap3A_210] {strides = array<i32>} : memref<128xi32, #tpu.memory_space<vmem>>, vector<16xi32>,
      tpu.vector_store %arg16[%swap3A_210], %broadcast_in_dim3A_10 {strides = array<i32>} : memref<128xi32, #tpu.memory_space<vmem>>, vector<16xi32>,
      %swap3A_212 = arith.constant 64 : index
      %swap3A_213 = tpu.vector_load %arg18[%swap3A_212] {strides = array<i32>} : memref<128xf32, #tpu.memory_space<vmem>>, vector<16xf32>,
      tpu.vector_store %arg18[%swap3A_212], %broadcast_in_dim3A_12 {strides = array<i32>} : memref<128xf32, #tpu.memory_space<vmem>>, vector<16xf32>,
      %swap3A_214 = arith.constant 80 : index
      %swap3A_215 = tpu.vector_load %arg16[%swap3A_214] {strides = array<i32>} : memref<128xi32, #tpu.memory_space<vmem>>, vector<16xi32>,
      tpu.vector_store %arg16[%swap3A_214], %broadcast_in_dim3A_10 {strides = array<i32>} : memref<128xi32, #tpu.memory_space<vmem>>, vector<16xi32>,
      %swap3A_216 = arith.constant 80 : index
      %swap3A_217 = tpu.vector_load %arg18[%swap3A_216] {strides = array<i32>} : memref<128xf32, #tpu.memory_space<vmem>>, vector<16xf32>,
      tpu.vector_store %arg18[%swap3A_216], %broadcast_in_dim3A_12 {strides = array<i32>} : memref<128xf32, #tpu.memory_space<vmem>>, vector<16xf32>,
      %swap3A_218 = arith.constant 96 : index
      %swap3A_219 = tpu.vector_load %arg16[%swap3A_218] {strides = array<i32>} : memref<128xi32, #tpu.memory_space<vmem>>, vector<16xi32>,
      tpu.vector_store %arg16[%swap3A_218], %broadcast_in_dim3A_10 {strides = array<i32>} : memref<128xi32, #tpu.memory_space<vmem>>, vector<16xi32>,
      %swap3A_220 = arith.constant 96 : index
      %swap3A_221 = tpu.vector_load %arg18[%swap3A_220] {strides = array<i32>} : memref<128xf32, #tpu.memory_space<vmem>>, vector<16xf32>,
      tpu.vector_store %arg18[%swap3A_220], %broadcast_in_dim3A_12 {strides = array<i32>} : memref<128xf32, #tpu.memory_space<vmem>>, vector<16xf32>,
      %swap3A_222 = arith.constant 112 : index
      %swap3A_223 = tpu.vector_load %arg16[%swap3A_222] {strides = array<i32>} : memref<128xi32, #tpu.memory_space<vmem>>, vector<16xi32>,
      tpu.vector_store %arg16[%swap3A_222], %broadcast_in_dim3A_10 {strides = array<i32>} : memref<128xi32, #tpu.memory_space<vmem>>, vector<16xi32>,
      %swap3A_224 = arith.constant 112 : index
      %swap3A_225 = tpu.vector_load %arg18[%swap3A_224] {strides = array<i32>} : memref<128xf32, #tpu.memory_space<vmem>>, vector<16xf32>,
      tpu.vector_store %arg18[%swap3A_224], %broadcast_in_dim3A_12 {strides = array<i32>} : memref<128xf32, #tpu.memory_space<vmem>>, vector<16xf32>,
      %jit3A = arith.constant 16 : i32
      %div3A = arith.divsi %mul3A_191, %jit3A : i32
      %sign3A = arith.constant 0 : i32
      %sign3A_226 = arith.cmpi sgt, %mul3A_191, %sign3A : i32
      %sign3A_227 = arith.extui %sign3A_226 : i1 to i32
      %sign3A_228 = arith.constant 0 : i32
      %sign3A_229 = arith.cmpi slt, %mul3A_191, %sign3A_228 : i32
      %sign3A_230 = arith.extui %sign3A_229 : i1 to i32
      %sign3A_231 = arith.subi %sign3A_227, %sign3A_230 : i32
      %sign3A_232 = arith.constant 0 : i32
      %sign3A_233 = arith.cmpi sgt, %jit3A, %sign3A_232 : i32
      %sign3A_234 = arith.extui %sign3A_233 : i1 to i32
      %sign3A_235 = arith.constant 0 : i32
      %sign3A_236 = arith.cmpi slt, %jit3A, %sign3A_235 : i32
      %sign3A_237 = arith.extui %sign3A_236 : i1 to i32
      %sign3A_238 = arith.subi %sign3A_234, %sign3A_237 : i32
      %ne3A = arith.cmpi ne, %sign3A_231, %sign3A_238 : i32
      %rem3A = arith.remsi %mul3A_191, %jit3A : i32
      %ne3A_239 = arith.constant 0 : i32
      %ne3A_240 = arith.cmpi ne, %rem3A, %ne3A_239 : i32
      %and3A = arith.andi %ne3A, %ne3A_240 : i1
      %sub3A = arith.constant 1 : i32
      %sub3A_241 = arith.subi %div3A, %sub3A : i32
      %select_n3A_242 = arith.select %and3A, %sub3A_241, %div3A : i32
      %mul3A_243 = arith.constant 16 : i32
      %mul3A_244 = arith.muli %select_n3A_242, %mul3A_243 : i32
      %sub3A_245 = arith.subi %mul3A_191, %mul3A_244 : i32
      %eq3A_246 = vector.broadcast %sub3A_245 : i32 to vector<16xi32>
      %eq3A_247 = arith.cmpi eq, %iota3A, %eq3A_246 : vector<16xi32>
      %get3A_248 = arith.index_cast %mul3A_244 : i32 to index
      %get3A_249 = tpu.vector_load %arg13[%get3A_248] {strides = array<i32>} : memref<128xf32, #tpu.memory_space<vmem>>, vector<16xf32>,
      %select_n3A_250 = arith.select %eq3A_247, %get3A_249, %broadcast_in_dim3A_8 : vector<16xi1>, vector<16xf32>
      %reduce_sum3A_251 = arith.constant true
      %reduce_sum3A_252 = vector.broadcast %reduce_sum3A_251 : i1 to vector<16xi1>
      %reduce_sum3A_253 = tpu.scan <sum>, %select_n3A_250 masked %reduce_sum3A_252 : vector<16xf32>, vector<16xi1> -> vector<16xf32>
      %reduce_sum3A_254 = vector.extract %reduce_sum3A_253[15] : f32 from vector<16xf32>
      %eq3A_255 = vector.broadcast %sub3A_245 : i32 to vector<16xi32>
      %eq3A_256 = arith.cmpi eq, %iota3A, %eq3A_255 : vector<16xi32>
      %get3A_257 = arith.index_cast %mul3A_244 : i32 to index
      %get3A_258 = tpu.vector_load %arg14[%get3A_257] {strides = array<i32>} : memref<128xf32, #tpu.memory_space<vmem>>, vector<16xf32>,
      %select_n3A_259 = arith.select %eq3A_256, %get3A_258, %broadcast_in_dim3A_8 : vector<16xi1>, vector<16xf32>
      %reduce_sum3A_260 = arith.constant true
      %reduce_sum3A_261 = vector.broadcast %reduce_sum3A_260 : i1 to vector<16xi1>
      %reduce_sum3A_262 = tpu.scan <sum>, %select_n3A_259 masked %reduce_sum3A_261 : vector<16xf32>, vector<16xi1> -> vector<16xf32>
      %reduce_sum3A_263 = vector.extract %reduce_sum3A_262[15] : f32 from vector<16xf32>
      %broadcast_in_dim3A_264 = vector.broadcast %reduce_sum3A_254 : f32 to vector<16xf32>
      %broadcast_in_dim3A_265 = vector.broadcast %reduce_sum3A_263 : f32 to vector<16xf32>
      %parallel_loop3A_266 = arith.constant 0 : i32
      %parallel_loop3A_267 = arith.constant 512 : i32
      %parallel_loop3A_268 = arith.constant 1 : i32
      %parallel_loop3A_269 = scf.for %parallel_loop3A_411 = %parallel_loop3A_266 to %parallel_loop3A_267 step %parallel_loop3A_268 iter_args(%parallel_loop3A_412 = %broadcast_in_dim3A_10) -> (vector<16xi32>)  : i32 {
        %parallel_loop3A_413 = arith.constant 16 : i32
        %parallel_loop3A_414 = arith.muli %parallel_loop3A_411, %parallel_loop3A_413 : i32
        %parallel_loop3A_415 = arith.index_cast %parallel_loop3A_414 : i32 to index
        %parallel_loop3A_416 = tpu.vector_load %arg11[%parallel_loop3A_415] {strides = array<i32>} : memref<8192xf32, #tpu.memory_space<vmem>>, vector<16xf32>,
        %parallel_loop3A_417 = arith.subf %broadcast_in_dim3A_264, %parallel_loop3A_416 : vector<16xf32>
        %parallel_loop3A_418 = arith.constant 16 : i32
        %parallel_loop3A_419 = arith.muli %parallel_loop3A_411, %parallel_loop3A_418 : i32
        %parallel_loop3A_420 = arith.index_cast %parallel_loop3A_419 : i32 to index
        %parallel_loop3A_421 = tpu.vector_load %arg12[%parallel_loop3A_420] {strides = array<i32>} : memref<8192xf32, #tpu.memory_space<vmem>>, vector<16xf32>,
        %parallel_loop3A_422 = arith.subf %broadcast_in_dim3A_265, %parallel_loop3A_421 : vector<16xf32>
        %parallel_loop3A_423 = arith.mulf %parallel_loop3A_417, %parallel_loop3A_417 : vector<16xf32>
        %parallel_loop3A_424 = arith.mulf %parallel_loop3A_422, %parallel_loop3A_422 : vector<16xf32>
        %parallel_loop3A_425 = arith.addf %parallel_loop3A_423, %parallel_loop3A_424 : vector<16xf32>
        %parallel_loop3A_426 = arith.cmpf ole, %parallel_loop3A_425, %get3A_7 : vector<16xf32>
        %parallel_loop3A_427 = arith.extui %parallel_loop3A_426 : vector<16xi1> to vector<16xi32>
        %parallel_loop3A_428 = arith.constant true
        %parallel_loop3A_429 = vector.broadcast %parallel_loop3A_428 : i1 to vector<16xi1>
        %parallel_loop3A_430 = tpu.scan <sum>, %parallel_loop3A_427 masked %parallel_loop3A_429 : vector<16xi32>, vector<16xi1> -> vector<16xi32>
        %parallel_loop3A_431 = arith.addi %parallel_loop3A_412, %parallel_loop3A_430 : vector<16xi32>
        %parallel_loop3A_432 = arith.constant 1 : i32
        %parallel_loop3A_433 = vector.broadcast %parallel_loop3A_432 : i32 to vector<16xi32>
        %parallel_loop3A_434 = arith.subi %parallel_loop3A_431, %parallel_loop3A_433 : vector<16xi32>
        %parallel_loop3A_435 = arith.constant 0 : i32
        %parallel_loop3A_436 = arith.constant 127 : i32
        %parallel_loop3A_437 = vector.broadcast %parallel_loop3A_435 : i32 to vector<16xi32>
        %parallel_loop3A_438 = arith.maxsi %parallel_loop3A_437, %parallel_loop3A_434 : vector<16xi32>
        %parallel_loop3A_439 = vector.broadcast %parallel_loop3A_436 : i32 to vector<16xi32>
        %parallel_loop3A_440 = arith.minsi %parallel_loop3A_439, %parallel_loop3A_438 : vector<16xi32>
        %parallel_loop3A_441 = arith.constant 16 : i32
        %parallel_loop3A_442 = arith.muli %parallel_loop3A_411, %parallel_loop3A_441 : i32
        %parallel_loop3A_443 = vector.broadcast %parallel_loop3A_442 : i32 to vector<16xi32>
        %parallel_loop3A_444 = arith.addi %parallel_loop3A_443, %iota3A : vector<16xi32>
        tpu.vector_store_idx %arg16[%parallel_loop3A_440], %parallel_loop3A_444 masked %parallel_loop3A_426 : memref<128xi32, #tpu.memory_space<vmem>>[vector<16xi32>], vector<16xi32>, vector<16xi1>
        tpu.vector_store_idx %arg18[%parallel_loop3A_440], %parallel_loop3A_417 masked %parallel_loop3A_426 : memref<128xf32, #tpu.memory_space<vmem>>[vector<16xi32>], vector<16xf32>, vector<16xi1>
        tpu.vector_store_idx %arg19[%parallel_loop3A_440], %parallel_loop3A_422 masked %parallel_loop3A_426 : memref<128xf32, #tpu.memory_space<vmem>>[vector<16xi32>], vector<16xf32>, vector<16xi1>
        %parallel_loop3A_445 = tpu.all_reduce %parallel_loop3A_426 {dim = 0 : i64, kind = #tpu.reduction_kind<sum>} : vector<16xi1> -> vector<16xi32>
        %parallel_loop3A_446 = arith.addi %parallel_loop3A_412, %parallel_loop3A_445 : vector<16xi32>
        scf.yield %parallel_loop3A_446 : vector<16xi32>
      } {sc.loop_unroll_factor = 4 : i64, sc.parallel_access}
      %add3A_270 = arith.addi %mul3A_2, %mul3A_191 : i32
      "tpu.region"() ({
        %run_scoped3A = tpu.sem_alloc : memref<!tpu.dma_semaphore, #tpu.memory_space<semaphore_mem>>
        %dma_start3A_411 = arith.constant 0 : i32
        %dma_start3A_412 = tpu.memref_slice %arg8[%add3A_270, %dma_start3A_411] : memref<4096x128xf32, #tpu.memory_space<hbm>> -> memref<1x128xf32, #tpu.memory_space<hbm>>
        %dma_start3A_413 = tpu.memref_squeeze %dma_start3A_412 : memref<1x128xf32, #tpu.memory_space<hbm>> -> memref<128xf32, #tpu.memory_space<hbm>>
        %dma_start3A_414 = arith.constant 0 : i32
        %dma_start3A_415 = tpu.memref_slice %arg8[%add3A_270, %dma_start3A_414] : memref<4096x128xf32, #tpu.memory_space<hbm>> -> memref<1x128xf32, #tpu.memory_space<hbm>>
        %dma_start3A_416 = tpu.memref_squeeze %dma_start3A_415 : memref<1x128xf32, #tpu.memory_space<hbm>> -> memref<128xf32, #tpu.memory_space<hbm>>
        tpu.enqueue_dma source(%arg18 : memref<128xf32, #tpu.memory_space<vmem>>) target(%dma_start3A_416 : memref<128xf32, #tpu.memory_space<hbm>>) target_semaphore(%run_scoped3A : memref<!tpu.dma_semaphore, #tpu.memory_space<semaphore_mem>>)
        %dma_wait3A_417 = arith.constant 0 : i32
        %dma_wait3A_418 = tpu.memref_slice %arg8[%add3A_270, %dma_wait3A_417] : memref<4096x128xf32, #tpu.memory_space<hbm>> -> memref<1x128xf32, #tpu.memory_space<hbm>>
        %dma_wait3A_419 = tpu.memref_squeeze %dma_wait3A_418 : memref<1x128xf32, #tpu.memory_space<hbm>> -> memref<128xf32, #tpu.memory_space<hbm>>
        %dma_wait3A_420 = arith.constant 0 : i32
        %dma_wait3A_421 = tpu.memref_slice %arg8[%add3A_270, %dma_wait3A_420] : memref<4096x128xf32, #tpu.memory_space<hbm>> -> memref<1x128xf32, #tpu.memory_space<hbm>>
        %dma_wait3A_422 = tpu.memref_squeeze %dma_wait3A_421 : memref<1x128xf32, #tpu.memory_space<hbm>> -> memref<128xf32, #tpu.memory_space<hbm>>
        tpu.wait_dma2 semaphore(%run_scoped3A : memref<!tpu.dma_semaphore, #tpu.memory_space<semaphore_mem>>) src(%arg18 : memref<128xf32, #tpu.memory_space<vmem>>) dst(%dma_wait3A_422 : memref<128xf32, #tpu.memory_space<hbm>>)
        tpu.yield
      }) : () -> ()
      %add3A_271 = arith.addi %mul3A_2, %mul3A_191 : i32
      "tpu.region"() ({
        %run_scoped3A = tpu.sem_alloc : memref<!tpu.dma_semaphore, #tpu.memory_space<semaphore_mem>>
        %dma_start3A_411 = arith.constant 0 : i32
        %dma_start3A_412 = tpu.memref_slice %arg9[%add3A_271, %dma_start3A_411] : memref<4096x128xf32, #tpu.memory_space<hbm>> -> memref<1x128xf32, #tpu.memory_space<hbm>>
        %dma_start3A_413 = tpu.memref_squeeze %dma_start3A_412 : memref<1x128xf32, #tpu.memory_space<hbm>> -> memref<128xf32, #tpu.memory_space<hbm>>
        %dma_start3A_414 = arith.constant 0 : i32
        %dma_start3A_415 = tpu.memref_slice %arg9[%add3A_271, %dma_start3A_414] : memref<4096x128xf32, #tpu.memory_space<hbm>> -> memref<1x128xf32, #tpu.memory_space<hbm>>
        %dma_start3A_416 = tpu.memref_squeeze %dma_start3A_415 : memref<1x128xf32, #tpu.memory_space<hbm>> -> memref<128xf32, #tpu.memory_space<hbm>>
        tpu.enqueue_dma source(%arg19 : memref<128xf32, #tpu.memory_space<vmem>>) target(%dma_start3A_416 : memref<128xf32, #tpu.memory_space<hbm>>) target_semaphore(%run_scoped3A : memref<!tpu.dma_semaphore, #tpu.memory_space<semaphore_mem>>)
        %dma_wait3A_417 = arith.constant 0 : i32
        %dma_wait3A_418 = tpu.memref_slice %arg9[%add3A_271, %dma_wait3A_417] : memref<4096x128xf32, #tpu.memory_space<hbm>> -> memref<1x128xf32, #tpu.memory_space<hbm>>
        %dma_wait3A_419 = tpu.memref_squeeze %dma_wait3A_418 : memref<1x128xf32, #tpu.memory_space<hbm>> -> memref<128xf32, #tpu.memory_space<hbm>>
        %dma_wait3A_420 = arith.constant 0 : i32
        %dma_wait3A_421 = tpu.memref_slice %arg9[%add3A_271, %dma_wait3A_420] : memref<4096x128xf32, #tpu.memory_space<hbm>> -> memref<1x128xf32, #tpu.memory_space<hbm>>
        %dma_wait3A_422 = tpu.memref_squeeze %dma_wait3A_421 : memref<1x128xf32, #tpu.memory_space<hbm>> -> memref<128xf32, #tpu.memory_space<hbm>>
        tpu.wait_dma2 semaphore(%run_scoped3A : memref<!tpu.dma_semaphore, #tpu.memory_space<semaphore_mem>>) src(%arg19 : memref<128xf32, #tpu.memory_space<vmem>>) dst(%dma_wait3A_422 : memref<128xf32, #tpu.memory_space<hbm>>)
        tpu.yield
      }) : () -> ()
      %dma_wait3A_272 = arith.constant 0 : i32
      %dma_wait3A_273 = arith.constant 0 : i32
      %dma_wait3A_274 = tpu.memref_slice %arg7[%dma_wait3A_272, %dma_wait3A_273] : memref<8192x128xf32, #tpu.memory_space<hbm>> -> memref<128x128xf32, #tpu.memory_space<hbm>>
      %dma_wait3A_275 = arith.constant 0 : i32
      %dma_wait3A_276 = arith.constant 0 : i32
      %dma_wait3A_277 = tpu.memref_slice %arg7[%dma_wait3A_275, %dma_wait3A_276] : memref<8192x128xf32, #tpu.memory_space<hbm>> -> memref<128x128xf32, #tpu.memory_space<hbm>>
      tpu.wait_dma2 semaphore(%arg24 : memref<!tpu.dma_semaphore, #tpu.memory_space<semaphore_mem>>) src(%dma_wait3A_277 : memref<128x128xf32, #tpu.memory_space<hbm>>) dst(%arg21 : memref<128x128xf32, #tpu.memory_space<vmem>>)
      %sub3A_278 = arith.constant 2 : i32
      %sub3A_279 = arith.subi %add3A_193, %sub3A_278 : i32
      %add3A_280 = arith.addi %mul3A_2, %sub3A_279 : i32
      %dma_start3A_281 = arith.constant 0 : i32
      %dma_start3A_282 = arith.constant 0 : i32
      %dma_start3A_283 = tpu.memref_slice %arg10[%add3A_280, %dma_start3A_281, %dma_start3A_282] : memref<4096x128x128xf32, #tpu.memory_space<hbm>> -> memref<1x128x128xf32, #tpu.memory_space<hbm>>
      %dma_start3A_284 = tpu.memref_squeeze %dma_start3A_283 : memref<1x128x128xf32, #tpu.memory_space<hbm>> -> memref<128x128xf32, #tpu.memory_space<hbm>>
      %dma_start3A_285 = arith.constant 0 : i32
      %dma_start3A_286 = arith.constant 0 : i32
      %dma_start3A_287 = tpu.memref_slice %arg10[%add3A_280, %dma_start3A_285, %dma_start3A_286] : memref<4096x128x128xf32, #tpu.memory_space<hbm>> -> memref<1x128x128xf32, #tpu.memory_space<hbm>>
      %dma_start3A_288 = tpu.memref_squeeze %dma_start3A_287 : memref<1x128x128xf32, #tpu.memory_space<hbm>> -> memref<128x128xf32, #tpu.memory_space<hbm>>
      tpu.enqueue_dma source(%arg21 : memref<128x128xf32, #tpu.memory_space<vmem>>) target(%dma_start3A_288 : memref<128x128xf32, #tpu.memory_space<hbm>>) target_semaphore(%arg26 : memref<!tpu.dma_semaphore, #tpu.memory_space<semaphore_mem>>)
      %dma_wait3A_289 = arith.constant 0 : i32
      %dma_wait3A_290 = arith.constant 0 : i32
      %dma_wait3A_291 = tpu.memref_slice %arg10[%mul3A_2, %dma_wait3A_289, %dma_wait3A_290] : memref<4096x128x128xf32, #tpu.memory_space<hbm>> -> memref<1x128x128xf32, #tpu.memory_space<hbm>>
      %dma_wait3A_292 = tpu.memref_squeeze %dma_wait3A_291 : memref<1x128x128xf32, #tpu.memory_space<hbm>> -> memref<128x128xf32, #tpu.memory_space<hbm>>
      %dma_wait3A_293 = arith.constant 0 : i32
      %dma_wait3A_294 = arith.constant 0 : i32
      %dma_wait3A_295 = tpu.memref_slice %arg10[%mul3A_2, %dma_wait3A_293, %dma_wait3A_294] : memref<4096x128x128xf32, #tpu.memory_space<hbm>> -> memref<1x128x128xf32, #tpu.memory_space<hbm>>
      %dma_wait3A_296 = tpu.memref_squeeze %dma_wait3A_295 : memref<1x128x128xf32, #tpu.memory_space<hbm>> -> memref<128x128xf32, #tpu.memory_space<hbm>>
      tpu.wait_dma2 semaphore(%arg25 : memref<!tpu.dma_semaphore, #tpu.memory_space<semaphore_mem>>) src(%arg20 : memref<128x128xf32, #tpu.memory_space<vmem>>) dst(%dma_wait3A_296 : memref<128x128xf32, #tpu.memory_space<hbm>>)
      %dma_start3A_297 = arith.constant 0 : i32
      %dma_start3A_298 = arith.constant 0 : i32
      %dma_start3A_299 = tpu.memref_slice %arg22[%dma_start3A_297, %dma_start3A_298] : memref<8192x128xf32, #tpu.memory_space<vmem_shared>> -> memref<8192x128xf32, #tpu.memory_space<vmem_shared>>
      tpu.enqueue_indirect_dma source(%dma_start3A_299 : memref<8192x128xf32, #tpu.memory_space<vmem_shared>>) target(%arg20 : memref<128x128xf32, #tpu.memory_space<vmem>>) offsets(%arg16 : memref<128xi32, #tpu.memory_space<vmem>>) semaphore(%arg23 : memref<!tpu.dma_semaphore, #tpu.memory_space<semaphore_mem>>)
      %swap3A_300 = arith.constant 0 : index
      %swap3A_301 = tpu.vector_load %arg17[%swap3A_300] {strides = array<i32>} : memref<128xi32, #tpu.memory_space<vmem>>, vector<16xi32>,
      tpu.vector_store %arg17[%swap3A_300], %broadcast_in_dim3A_10 {strides = array<i32>} : memref<128xi32, #tpu.memory_space<vmem>>, vector<16xi32>,
      %swap3A_302 = arith.constant 0 : index
      %swap3A_303 = tpu.vector_load %arg18[%swap3A_302] {strides = array<i32>} : memref<128xf32, #tpu.memory_space<vmem>>, vector<16xf32>,
      tpu.vector_store %arg18[%swap3A_302], %broadcast_in_dim3A_12 {strides = array<i32>} : memref<128xf32, #tpu.memory_space<vmem>>, vector<16xf32>,
      %swap3A_304 = arith.constant 16 : index
      %swap3A_305 = tpu.vector_load %arg17[%swap3A_304] {strides = array<i32>} : memref<128xi32, #tpu.memory_space<vmem>>, vector<16xi32>,
      tpu.vector_store %arg17[%swap3A_304], %broadcast_in_dim3A_10 {strides = array<i32>} : memref<128xi32, #tpu.memory_space<vmem>>, vector<16xi32>,
      %swap3A_306 = arith.constant 16 : index
      %swap3A_307 = tpu.vector_load %arg18[%swap3A_306] {strides = array<i32>} : memref<128xf32, #tpu.memory_space<vmem>>, vector<16xf32>,
      tpu.vector_store %arg18[%swap3A_306], %broadcast_in_dim3A_12 {strides = array<i32>} : memref<128xf32, #tpu.memory_space<vmem>>, vector<16xf32>,
      %swap3A_308 = arith.constant 32 : index
      %swap3A_309 = tpu.vector_load %arg17[%swap3A_308] {strides = array<i32>} : memref<128xi32, #tpu.memory_space<vmem>>, vector<16xi32>,
      tpu.vector_store %arg17[%swap3A_308], %broadcast_in_dim3A_10 {strides = array<i32>} : memref<128xi32, #tpu.memory_space<vmem>>, vector<16xi32>,
      %swap3A_310 = arith.constant 32 : index
      %swap3A_311 = tpu.vector_load %arg18[%swap3A_310] {strides = array<i32>} : memref<128xf32, #tpu.memory_space<vmem>>, vector<16xf32>,
      tpu.vector_store %arg18[%swap3A_310], %broadcast_in_dim3A_12 {strides = array<i32>} : memref<128xf32, #tpu.memory_space<vmem>>, vector<16xf32>,
      %swap3A_312 = arith.constant 48 : index
      %swap3A_313 = tpu.vector_load %arg17[%swap3A_312] {strides = array<i32>} : memref<128xi32, #tpu.memory_space<vmem>>, vector<16xi32>,
      tpu.vector_store %arg17[%swap3A_312], %broadcast_in_dim3A_10 {strides = array<i32>} : memref<128xi32, #tpu.memory_space<vmem>>, vector<16xi32>,
      %swap3A_314 = arith.constant 48 : index
      %swap3A_315 = tpu.vector_load %arg18[%swap3A_314] {strides = array<i32>} : memref<128xf32, #tpu.memory_space<vmem>>, vector<16xf32>,
      tpu.vector_store %arg18[%swap3A_314], %broadcast_in_dim3A_12 {strides = array<i32>} : memref<128xf32, #tpu.memory_space<vmem>>, vector<16xf32>,
      %swap3A_316 = arith.constant 64 : index
      %swap3A_317 = tpu.vector_load %arg17[%swap3A_316] {strides = array<i32>} : memref<128xi32, #tpu.memory_space<vmem>>, vector<16xi32>,
      tpu.vector_store %arg17[%swap3A_316], %broadcast_in_dim3A_10 {strides = array<i32>} : memref<128xi32, #tpu.memory_space<vmem>>, vector<16xi32>,
      %swap3A_318 = arith.constant 64 : index
      %swap3A_319 = tpu.vector_load %arg18[%swap3A_318] {strides = array<i32>} : memref<128xf32, #tpu.memory_space<vmem>>, vector<16xf32>,
      tpu.vector_store %arg18[%swap3A_318], %broadcast_in_dim3A_12 {strides = array<i32>} : memref<128xf32, #tpu.memory_space<vmem>>, vector<16xf32>,
      %swap3A_320 = arith.constant 80 : index
      %swap3A_321 = tpu.vector_load %arg17[%swap3A_320] {strides = array<i32>} : memref<128xi32, #tpu.memory_space<vmem>>, vector<16xi32>,
      tpu.vector_store %arg17[%swap3A_320], %broadcast_in_dim3A_10 {strides = array<i32>} : memref<128xi32, #tpu.memory_space<vmem>>, vector<16xi32>,
      %swap3A_322 = arith.constant 80 : index
      %swap3A_323 = tpu.vector_load %arg18[%swap3A_322] {strides = array<i32>} : memref<128xf32, #tpu.memory_space<vmem>>, vector<16xf32>,
      tpu.vector_store %arg18[%swap3A_322], %broadcast_in_dim3A_12 {strides = array<i32>} : memref<128xf32, #tpu.memory_space<vmem>>, vector<16xf32>,
      %swap3A_324 = arith.constant 96 : index
      %swap3A_325 = tpu.vector_load %arg17[%swap3A_324] {strides = array<i32>} : memref<128xi32, #tpu.memory_space<vmem>>, vector<16xi32>,
      tpu.vector_store %arg17[%swap3A_324], %broadcast_in_dim3A_10 {strides = array<i32>} : memref<128xi32, #tpu.memory_space<vmem>>, vector<16xi32>,
      %swap3A_326 = arith.constant 96 : index
      %swap3A_327 = tpu.vector_load %arg18[%swap3A_326] {strides = array<i32>} : memref<128xf32, #tpu.memory_space<vmem>>, vector<16xf32>,
      tpu.vector_store %arg18[%swap3A_326], %broadcast_in_dim3A_12 {strides = array<i32>} : memref<128xf32, #tpu.memory_space<vmem>>, vector<16xf32>,
      %swap3A_328 = arith.constant 112 : index
      %swap3A_329 = tpu.vector_load %arg17[%swap3A_328] {strides = array<i32>} : memref<128xi32, #tpu.memory_space<vmem>>, vector<16xi32>,
      tpu.vector_store %arg17[%swap3A_328], %broadcast_in_dim3A_10 {strides = array<i32>} : memref<128xi32, #tpu.memory_space<vmem>>, vector<16xi32>,
      %swap3A_330 = arith.constant 112 : index
      %swap3A_331 = tpu.vector_load %arg18[%swap3A_330] {strides = array<i32>} : memref<128xf32, #tpu.memory_space<vmem>>, vector<16xf32>,
      tpu.vector_store %arg18[%swap3A_330], %broadcast_in_dim3A_12 {strides = array<i32>} : memref<128xf32, #tpu.memory_space<vmem>>, vector<16xf32>,
      %jit3A_332 = arith.constant 16 : i32
      %div3A_333 = arith.divsi %add3A_193, %jit3A_332 : i32
      %sign3A_334 = arith.constant 0 : i32
      %sign3A_335 = arith.cmpi sgt, %add3A_193, %sign3A_334 : i32
      %sign3A_336 = arith.extui %sign3A_335 : i1 to i32
      %sign3A_337 = arith.constant 0 : i32
      %sign3A_338 = arith.cmpi slt, %add3A_193, %sign3A_337 : i32
      %sign3A_339 = arith.extui %sign3A_338 : i1 to i32
      %sign3A_340 = arith.subi %sign3A_336, %sign3A_339 : i32
      %sign3A_341 = arith.constant 0 : i32
      %sign3A_342 = arith.cmpi sgt, %jit3A_332, %sign3A_341 : i32
      %sign3A_343 = arith.extui %sign3A_342 : i1 to i32
      %sign3A_344 = arith.constant 0 : i32
      %sign3A_345 = arith.cmpi slt, %jit3A_332, %sign3A_344 : i32
      %sign3A_346 = arith.extui %sign3A_345 : i1 to i32
      %sign3A_347 = arith.subi %sign3A_343, %sign3A_346 : i32
      %ne3A_348 = arith.cmpi ne, %sign3A_340, %sign3A_347 : i32
      %rem3A_349 = arith.remsi %add3A_193, %jit3A_332 : i32
      %ne3A_350 = arith.constant 0 : i32
      %ne3A_351 = arith.cmpi ne, %rem3A_349, %ne3A_350 : i32
      %and3A_352 = arith.andi %ne3A_348, %ne3A_351 : i1
      %sub3A_353 = arith.constant 1 : i32
      %sub3A_354 = arith.subi %div3A_333, %sub3A_353 : i32
      %select_n3A_355 = arith.select %and3A_352, %sub3A_354, %div3A_333 : i32
      %mul3A_356 = arith.constant 16 : i32
      %mul3A_357 = arith.muli %select_n3A_355, %mul3A_356 : i32
      %sub3A_358 = arith.subi %add3A_193, %mul3A_357 : i32
      %eq3A_359 = vector.broadcast %sub3A_358 : i32 to vector<16xi32>
      %eq3A_360 = arith.cmpi eq, %iota3A, %eq3A_359 : vector<16xi32>
      %get3A_361 = arith.index_cast %mul3A_357 : i32 to index
      %get3A_362 = tpu.vector_load %arg13[%get3A_361] {strides = array<i32>} : memref<128xf32, #tpu.memory_space<vmem>>, vector<16xf32>,
      %select_n3A_363 = arith.select %eq3A_360, %get3A_362, %broadcast_in_dim3A_8 : vector<16xi1>, vector<16xf32>
      %reduce_sum3A_364 = arith.constant true
      %reduce_sum3A_365 = vector.broadcast %reduce_sum3A_364 : i1 to vector<16xi1>
      %reduce_sum3A_366 = tpu.scan <sum>, %select_n3A_363 masked %reduce_sum3A_365 : vector<16xf32>, vector<16xi1> -> vector<16xf32>
      %reduce_sum3A_367 = vector.extract %reduce_sum3A_366[15] : f32 from vector<16xf32>
      %eq3A_368 = vector.broadcast %sub3A_358 : i32 to vector<16xi32>
      %eq3A_369 = arith.cmpi eq, %iota3A, %eq3A_368 : vector<16xi32>
      %get3A_370 = arith.index_cast %mul3A_357 : i32 to index
      %get3A_371 = tpu.vector_load %arg14[%get3A_370] {strides = array<i32>} : memref<128xf32, #tpu.memory_space<vmem>>, vector<16xf32>,
      %select_n3A_372 = arith.select %eq3A_369, %get3A_371, %broadcast_in_dim3A_8 : vector<16xi1>, vector<16xf32>
      %reduce_sum3A_373 = arith.constant true
      %reduce_sum3A_374 = vector.broadcast %reduce_sum3A_373 : i1 to vector<16xi1>
      %reduce_sum3A_375 = tpu.scan <sum>, %select_n3A_372 masked %reduce_sum3A_374 : vector<16xf32>, vector<16xi1> -> vector<16xf32>
      %reduce_sum3A_376 = vector.extract %reduce_sum3A_375[15] : f32 from vector<16xf32>
      %broadcast_in_dim3A_377 = vector.broadcast %reduce_sum3A_367 : f32 to vector<16xf32>
      %broadcast_in_dim3A_378 = vector.broadcast %reduce_sum3A_376 : f32 to vector<16xf32>
      %parallel_loop3A_379 = arith.constant 0 : i32
      %parallel_loop3A_380 = arith.constant 512 : i32
      %parallel_loop3A_381 = arith.constant 1 : i32
      %parallel_loop3A_382 = scf.for %parallel_loop3A_411 = %parallel_loop3A_379 to %parallel_loop3A_380 step %parallel_loop3A_381 iter_args(%parallel_loop3A_412 = %broadcast_in_dim3A_10) -> (vector<16xi32>)  : i32 {
        %parallel_loop3A_413 = arith.constant 16 : i32
        %parallel_loop3A_414 = arith.muli %parallel_loop3A_411, %parallel_loop3A_413 : i32
        %parallel_loop3A_415 = arith.index_cast %parallel_loop3A_414 : i32 to index
        %parallel_loop3A_416 = tpu.vector_load %arg11[%parallel_loop3A_415] {strides = array<i32>} : memref<8192xf32, #tpu.memory_space<vmem>>, vector<16xf32>,
        %parallel_loop3A_417 = arith.subf %broadcast_in_dim3A_377, %parallel_loop3A_416 : vector<16xf32>
        %parallel_loop3A_418 = arith.constant 16 : i32
        %parallel_loop3A_419 = arith.muli %parallel_loop3A_411, %parallel_loop3A_418 : i32
        %parallel_loop3A_420 = arith.index_cast %parallel_loop3A_419 : i32 to index
        %parallel_loop3A_421 = tpu.vector_load %arg12[%parallel_loop3A_420] {strides = array<i32>} : memref<8192xf32, #tpu.memory_space<vmem>>, vector<16xf32>,
        %parallel_loop3A_422 = arith.subf %broadcast_in_dim3A_378, %parallel_loop3A_421 : vector<16xf32>
        %parallel_loop3A_423 = arith.mulf %parallel_loop3A_417, %parallel_loop3A_417 : vector<16xf32>
        %parallel_loop3A_424 = arith.mulf %parallel_loop3A_422, %parallel_loop3A_422 : vector<16xf32>
        %parallel_loop3A_425 = arith.addf %parallel_loop3A_423, %parallel_loop3A_424 : vector<16xf32>
        %parallel_loop3A_426 = arith.cmpf ole, %parallel_loop3A_425, %get3A_7 : vector<16xf32>
        %parallel_loop3A_427 = arith.extui %parallel_loop3A_426 : vector<16xi1> to vector<16xi32>
        %parallel_loop3A_428 = arith.constant true
        %parallel_loop3A_429 = vector.broadcast %parallel_loop3A_428 : i1 to vector<16xi1>
        %parallel_loop3A_430 = tpu.scan <sum>, %parallel_loop3A_427 masked %parallel_loop3A_429 : vector<16xi32>, vector<16xi1> -> vector<16xi32>
        %parallel_loop3A_431 = arith.addi %parallel_loop3A_412, %parallel_loop3A_430 : vector<16xi32>
        %parallel_loop3A_432 = arith.constant 1 : i32
        %parallel_loop3A_433 = vector.broadcast %parallel_loop3A_432 : i32 to vector<16xi32>
        %parallel_loop3A_434 = arith.subi %parallel_loop3A_431, %parallel_loop3A_433 : vector<16xi32>
        %parallel_loop3A_435 = arith.constant 0 : i32
        %parallel_loop3A_436 = arith.constant 127 : i32
        %parallel_loop3A_437 = vector.broadcast %parallel_loop3A_435 : i32 to vector<16xi32>
        %parallel_loop3A_438 = arith.maxsi %parallel_loop3A_437, %parallel_loop3A_434 : vector<16xi32>
        %parallel_loop3A_439 = vector.broadcast %parallel_loop3A_436 : i32 to vector<16xi32>
        %parallel_loop3A_440 = arith.minsi %parallel_loop3A_439, %parallel_loop3A_438 : vector<16xi32>
        %parallel_loop3A_441 = arith.constant 16 : i32
        %parallel_loop3A_442 = arith.muli %parallel_loop3A_411, %parallel_loop3A_441 : i32
        %parallel_loop3A_443 = vector.broadcast %parallel_loop3A_442 : i32 to vector<16xi32>
        %parallel_loop3A_444 = arith.addi %parallel_loop3A_443, %iota3A : vector<16xi32>
        tpu.vector_store_idx %arg17[%parallel_loop3A_440], %parallel_loop3A_444 masked %parallel_loop3A_426 : memref<128xi32, #tpu.memory_space<vmem>>[vector<16xi32>], vector<16xi32>, vector<16xi1>
        tpu.vector_store_idx %arg18[%parallel_loop3A_440], %parallel_loop3A_417 masked %parallel_loop3A_426 : memref<128xf32, #tpu.memory_space<vmem>>[vector<16xi32>], vector<16xf32>, vector<16xi1>
        tpu.vector_store_idx %arg19[%parallel_loop3A_440], %parallel_loop3A_422 masked %parallel_loop3A_426 : memref<128xf32, #tpu.memory_space<vmem>>[vector<16xi32>], vector<16xf32>, vector<16xi1>
        %parallel_loop3A_445 = tpu.all_reduce %parallel_loop3A_426 {dim = 0 : i64, kind = #tpu.reduction_kind<sum>} : vector<16xi1> -> vector<16xi32>
        %parallel_loop3A_446 = arith.addi %parallel_loop3A_412, %parallel_loop3A_445 : vector<16xi32>
        scf.yield %parallel_loop3A_446 : vector<16xi32>
      } {sc.loop_unroll_factor = 4 : i64, sc.parallel_access}
      %add3A_383 = arith.addi %mul3A_2, %add3A_193 : i32
      "tpu.region"() ({
        %run_scoped3A = tpu.sem_alloc : memref<!tpu.dma_semaphore, #tpu.memory_space<semaphore_mem>>
        %dma_start3A_411 = arith.constant 0 : i32
        %dma_start3A_412 = tpu.memref_slice %arg8[%add3A_383, %dma_start3A_411] : memref<4096x128xf32, #tpu.memory_space<hbm>> -> memref<1x128xf32, #tpu.memory_space<hbm>>
        %dma_start3A_413 = tpu.memref_squeeze %dma_start3A_412 : memref<1x128xf32, #tpu.memory_space<hbm>> -> memref<128xf32, #tpu.memory_space<hbm>>
        %dma_start3A_414 = arith.constant 0 : i32
        %dma_start3A_415 = tpu.memref_slice %arg8[%add3A_383, %dma_start3A_414] : memref<4096x128xf32, #tpu.memory_space<hbm>> -> memref<1x128xf32, #tpu.memory_space<hbm>>
        %dma_start3A_416 = tpu.memref_squeeze %dma_start3A_415 : memref<1x128xf32, #tpu.memory_space<hbm>> -> memref<128xf32, #tpu.memory_space<hbm>>
        tpu.enqueue_dma source(%arg18 : memref<128xf32, #tpu.memory_space<vmem>>) target(%dma_start3A_416 : memref<128xf32, #tpu.memory_space<hbm>>) target_semaphore(%run_scoped3A : memref<!tpu.dma_semaphore, #tpu.memory_space<semaphore_mem>>)
        %dma_wait3A_417 = arith.constant 0 : i32
        %dma_wait3A_418 = tpu.memref_slice %arg8[%add3A_383, %dma_wait3A_417] : memref<4096x128xf32, #tpu.memory_space<hbm>> -> memref<1x128xf32, #tpu.memory_space<hbm>>
        %dma_wait3A_419 = tpu.memref_squeeze %dma_wait3A_418 : memref<1x128xf32, #tpu.memory_space<hbm>> -> memref<128xf32, #tpu.memory_space<hbm>>
        %dma_wait3A_420 = arith.constant 0 : i32
        %dma_wait3A_421 = tpu.memref_slice %arg8[%add3A_383, %dma_wait3A_420] : memref<4096x128xf32, #tpu.memory_space<hbm>> -> memref<1x128xf32, #tpu.memory_space<hbm>>
        %dma_wait3A_422 = tpu.memref_squeeze %dma_wait3A_421 : memref<1x128xf32, #tpu.memory_space<hbm>> -> memref<128xf32, #tpu.memory_space<hbm>>
        tpu.wait_dma2 semaphore(%run_scoped3A : memref<!tpu.dma_semaphore, #tpu.memory_space<semaphore_mem>>) src(%arg18 : memref<128xf32, #tpu.memory_space<vmem>>) dst(%dma_wait3A_422 : memref<128xf32, #tpu.memory_space<hbm>>)
        tpu.yield
      }) : () -> ()
      %add3A_384 = arith.addi %mul3A_2, %add3A_193 : i32
      "tpu.region"() ({
        %run_scoped3A = tpu.sem_alloc : memref<!tpu.dma_semaphore, #tpu.memory_space<semaphore_mem>>
        %dma_start3A_411 = arith.constant 0 : i32
        %dma_start3A_412 = tpu.memref_slice %arg9[%add3A_384, %dma_start3A_411] : memref<4096x128xf32, #tpu.memory_space<hbm>> -> memref<1x128xf32, #tpu.memory_space<hbm>>
        %dma_start3A_413 = tpu.memref_squeeze %dma_start3A_412 : memref<1x128xf32, #tpu.memory_space<hbm>> -> memref<128xf32, #tpu.memory_space<hbm>>
        %dma_start3A_414 = arith.constant 0 : i32
        %dma_start3A_415 = tpu.memref_slice %arg9[%add3A_384, %dma_start3A_414] : memref<4096x128xf32, #tpu.memory_space<hbm>> -> memref<1x128xf32, #tpu.memory_space<hbm>>
        %dma_start3A_416 = tpu.memref_squeeze %dma_start3A_415 : memref<1x128xf32, #tpu.memory_space<hbm>> -> memref<128xf32, #tpu.memory_space<hbm>>
        tpu.enqueue_dma source(%arg19 : memref<128xf32, #tpu.memory_space<vmem>>) target(%dma_start3A_416 : memref<128xf32, #tpu.memory_space<hbm>>) target_semaphore(%run_scoped3A : memref<!tpu.dma_semaphore, #tpu.memory_space<semaphore_mem>>)
        %dma_wait3A_417 = arith.constant 0 : i32
        %dma_wait3A_418 = tpu.memref_slice %arg9[%add3A_384, %dma_wait3A_417] : memref<4096x128xf32, #tpu.memory_space<hbm>> -> memref<1x128xf32, #tpu.memory_space<hbm>>
        %dma_wait3A_419 = tpu.memref_squeeze %dma_wait3A_418 : memref<1x128xf32, #tpu.memory_space<hbm>> -> memref<128xf32, #tpu.memory_space<hbm>>
        %dma_wait3A_420 = arith.constant 0 : i32
        %dma_wait3A_421 = tpu.memref_slice %arg9[%add3A_384, %dma_wait3A_420] : memref<4096x128xf32, #tpu.memory_space<hbm>> -> memref<1x128xf32, #tpu.memory_space<hbm>>
        %dma_wait3A_422 = tpu.memref_squeeze %dma_wait3A_421 : memref<1x128xf32, #tpu.memory_space<hbm>> -> memref<128xf32, #tpu.memory_space<hbm>>
        tpu.wait_dma2 semaphore(%run_scoped3A : memref<!tpu.dma_semaphore, #tpu.memory_space<semaphore_mem>>) src(%arg19 : memref<128xf32, #tpu.memory_space<vmem>>) dst(%dma_wait3A_422 : memref<128xf32, #tpu.memory_space<hbm>>)
        tpu.yield
      }) : () -> ()
      %dma_wait3A_385 = arith.constant 0 : i32
      %dma_wait3A_386 = arith.constant 0 : i32
      %dma_wait3A_387 = tpu.memref_slice %arg7[%dma_wait3A_385, %dma_wait3A_386] : memref<8192x128xf32, #tpu.memory_space<hbm>> -> memref<128x128xf32, #tpu.memory_space<hbm>>
      %dma_wait3A_388 = arith.constant 0 : i32
      %dma_wait3A_389 = arith.constant 0 : i32
      %dma_wait3A_390 = tpu.memref_slice %arg7[%dma_wait3A_388, %dma_wait3A_389] : memref<8192x128xf32, #tpu.memory_space<hbm>> -> memref<128x128xf32, #tpu.memory_space<hbm>>
      tpu.wait_dma2 semaphore(%arg23 : memref<!tpu.dma_semaphore, #tpu.memory_space<semaphore_mem>>) src(%dma_wait3A_390 : memref<128x128xf32, #tpu.memory_space<hbm>>) dst(%arg20 : memref<128x128xf32, #tpu.memory_space<vmem>>)
      %add3A_391 = arith.addi %mul3A_2, %mul3A_191 : i32
      %dma_start3A_392 = arith.constant 0 : i32
      %dma_start3A_393 = arith.constant 0 : i32
      %dma_start3A_394 = tpu.memref_slice %arg10[%add3A_391, %dma_start3A_392, %dma_start3A_393] : memref<4096x128x128xf32, #tpu.memory_space<hbm>> -> memref<1x128x128xf32, #tpu.memory_space<hbm>>
      %dma_start3A_395 = tpu.memref_squeeze %dma_start3A_394 : memref<1x128x128xf32, #tpu.memory_space<hbm>> -> memref<128x128xf32, #tpu.memory_space<hbm>>
      %dma_start3A_396 = arith.constant 0 : i32
      %dma_start3A_397 = arith.constant 0 : i32
      %dma_start3A_398 = tpu.memref_slice %arg10[%add3A_391, %dma_start3A_396, %dma_start3A_397] : memref<4096x128x128xf32, #tpu.memory_space<hbm>> -> memref<1x128x128xf32, #tpu.memory_space<hbm>>
      %dma_start3A_399 = tpu.memref_squeeze %dma_start3A_398 : memref<1x128x128xf32, #tpu.memory_space<hbm>> -> memref<128x128xf32, #tpu.memory_space<hbm>>
      tpu.enqueue_dma source(%arg20 : memref<128x128xf32, #tpu.memory_space<vmem>>) target(%dma_start3A_399 : memref<128x128xf32, #tpu.memory_space<hbm>>) target_semaphore(%arg25 : memref<!tpu.dma_semaphore, #tpu.memory_space<semaphore_mem>>)
      %dma_wait3A_400 = arith.constant 0 : i32
      %dma_wait3A_401 = arith.constant 0 : i32
      %dma_wait3A_402 = tpu.memref_slice %arg10[%mul3A_2, %dma_wait3A_400, %dma_wait3A_401] : memref<4096x128x128xf32, #tpu.memory_space<hbm>> -> memref<1x128x128xf32, #tpu.memory_space<hbm>>
      %dma_wait3A_403 = tpu.memref_squeeze %dma_wait3A_402 : memref<1x128x128xf32, #tpu.memory_space<hbm>> -> memref<128x128xf32, #tpu.memory_space<hbm>>
      %dma_wait3A_404 = arith.constant 0 : i32
      %dma_wait3A_405 = arith.constant 0 : i32
      %dma_wait3A_406 = tpu.memref_slice %arg10[%mul3A_2, %dma_wait3A_404, %dma_wait3A_405] : memref<4096x128x128xf32, #tpu.memory_space<hbm>> -> memref<1x128x128xf32, #tpu.memory_space<hbm>>
      %dma_wait3A_407 = tpu.memref_squeeze %dma_wait3A_406 : memref<1x128x128xf32, #tpu.memory_space<hbm>> -> memref<128x128xf32, #tpu.memory_space<hbm>>
      tpu.wait_dma2 semaphore(%arg26 : memref<!tpu.dma_semaphore, #tpu.memory_space<semaphore_mem>>) src(%arg21 : memref<128x128xf32, #tpu.memory_space<vmem>>) dst(%dma_wait3A_407 : memref<128x128xf32, #tpu.memory_space<hbm>>)
      %dma_start3A_408 = arith.constant 0 : i32
      %dma_start3A_409 = arith.constant 0 : i32
      %dma_start3A_410 = tpu.memref_slice %arg22[%dma_start3A_408, %dma_start3A_409] : memref<8192x128xf32, #tpu.memory_space<vmem_shared>> -> memref<8192x128xf32, #tpu.memory_space<vmem_shared>>
      tpu.enqueue_indirect_dma source(%dma_start3A_410 : memref<8192x128xf32, #tpu.memory_space<vmem_shared>>) target(%arg21 : memref<128x128xf32, #tpu.memory_space<vmem>>) offsets(%arg17 : memref<128xi32, #tpu.memory_space<vmem>>) semaphore(%arg24 : memref<!tpu.dma_semaphore, #tpu.memory_space<semaphore_mem>>)
    }
    %scan3A_156 = arith.constant 63 : i32
    %dma_wait3A_157 = arith.constant 0 : i32
    %dma_wait3A_158 = arith.constant 0 : i32
    %dma_wait3A_159 = tpu.memref_slice %arg7[%dma_wait3A_157, %dma_wait3A_158] : memref<8192x128xf32, #tpu.memory_space<hbm>> -> memref<128x128xf32, #tpu.memory_space<hbm>>
    %dma_wait3A_160 = arith.constant 0 : i32
    %dma_wait3A_161 = arith.constant 0 : i32
    %dma_wait3A_162 = tpu.memref_slice %arg7[%dma_wait3A_160, %dma_wait3A_161] : memref<8192x128xf32, #tpu.memory_space<hbm>> -> memref<128x128xf32, #tpu.memory_space<hbm>>
    tpu.wait_dma2 semaphore(%arg24 : memref<!tpu.dma_semaphore, #tpu.memory_space<semaphore_mem>>) src(%dma_wait3A_162 : memref<128x128xf32, #tpu.memory_space<hbm>>) dst(%arg21 : memref<128x128xf32, #tpu.memory_space<vmem>>)
    %add3A_163 = arith.constant 127 : i32
    %add3A_164 = arith.addi %mul3A_2, %add3A_163 : i32
    %dma_start3A_165 = arith.constant 0 : i32
    %dma_start3A_166 = arith.constant 0 : i32
    %dma_start3A_167 = tpu.memref_slice %arg10[%add3A_164, %dma_start3A_165, %dma_start3A_166] : memref<4096x128x128xf32, #tpu.memory_space<hbm>> -> memref<1x128x128xf32, #tpu.memory_space<hbm>>
    %dma_start3A_168 = tpu.memref_squeeze %dma_start3A_167 : memref<1x128x128xf32, #tpu.memory_space<hbm>> -> memref<128x128xf32, #tpu.memory_space<hbm>>
    %dma_start3A_169 = arith.constant 0 : i32
    %dma_start3A_170 = arith.constant 0 : i32
    %dma_start3A_171 = tpu.memref_slice %arg10[%add3A_164, %dma_start3A_169, %dma_start3A_170] : memref<4096x128x128xf32, #tpu.memory_space<hbm>> -> memref<1x128x128xf32, #tpu.memory_space<hbm>>
    %dma_start3A_172 = tpu.memref_squeeze %dma_start3A_171 : memref<1x128x128xf32, #tpu.memory_space<hbm>> -> memref<128x128xf32, #tpu.memory_space<hbm>>
    tpu.enqueue_dma source(%arg21 : memref<128x128xf32, #tpu.memory_space<vmem>>) target(%dma_start3A_172 : memref<128x128xf32, #tpu.memory_space<hbm>>) target_semaphore(%arg26 : memref<!tpu.dma_semaphore, #tpu.memory_space<semaphore_mem>>)
    %dma_wait3A_173 = arith.constant 0 : i32
    %dma_wait3A_174 = arith.constant 0 : i32
    %dma_wait3A_175 = tpu.memref_slice %arg10[%mul3A_2, %dma_wait3A_173, %dma_wait3A_174] : memref<4096x128x128xf32, #tpu.memory_space<hbm>> -> memref<1x128x128xf32, #tpu.memory_space<hbm>>
    %dma_wait3A_176 = tpu.memref_squeeze %dma_wait3A_175 : memref<1x128x128xf32, #tpu.memory_space<hbm>> -> memref<128x128xf32, #tpu.memory_space<hbm>>
    %dma_wait3A_177 = arith.constant 0 : i32
    %dma_wait3A_178 = arith.constant 0 : i32
    %dma_wait3A_179 = tpu.memref_slice %arg10[%mul3A_2, %dma_wait3A_177, %dma_wait3A_178] : memref<4096x128x128xf32, #tpu.memory_space<hbm>> -> memref<1x128x128xf32, #tpu.memory_space<hbm>>
    %dma_wait3A_180 = tpu.memref_squeeze %dma_wait3A_179 : memref<1x128x128xf32, #tpu.memory_space<hbm>> -> memref<128x128xf32, #tpu.memory_space<hbm>>
    tpu.wait_dma2 semaphore(%arg25 : memref<!tpu.dma_semaphore, #tpu.memory_space<semaphore_mem>>) src(%arg20 : memref<128x128xf32, #tpu.memory_space<vmem>>) dst(%dma_wait3A_180 : memref<128x128xf32, #tpu.memory_space<hbm>>)
    %dma_wait3A_181 = arith.constant 0 : i32
    %dma_wait3A_182 = arith.constant 0 : i32
    %dma_wait3A_183 = tpu.memref_slice %arg10[%mul3A_2, %dma_wait3A_181, %dma_wait3A_182] : memref<4096x128x128xf32, #tpu.memory_space<hbm>> -> memref<1x128x128xf32, #tpu.memory_space<hbm>>
    %dma_wait3A_184 = tpu.memref_squeeze %dma_wait3A_183 : memref<1x128x128xf32, #tpu.memory_space<hbm>> -> memref<128x128xf32, #tpu.memory_space<hbm>>
    %dma_wait3A_185 = arith.constant 0 : i32
    %dma_wait3A_186 = arith.constant 0 : i32
    %dma_wait3A_187 = tpu.memref_slice %arg10[%mul3A_2, %dma_wait3A_185, %dma_wait3A_186] : memref<4096x128x128xf32, #tpu.memory_space<hbm>> -> memref<1x128x128xf32, #tpu.memory_space<hbm>>
    %dma_wait3A_188 = tpu.memref_squeeze %dma_wait3A_187 : memref<1x128x128xf32, #tpu.memory_space<hbm>> -> memref<128x128xf32, #tpu.memory_space<hbm>>
    tpu.wait_dma2 semaphore(%arg26 : memref<!tpu.dma_semaphore, #tpu.memory_space<semaphore_mem>>) src(%arg21 : memref<128x128xf32, #tpu.memory_space<vmem>>) dst(%dma_wait3A_188 : memref<128x128xf32, #tpu.memory_space<hbm>>)
    return
  }
}

module attributes {stable_mosaic.version = 14 : i64} {
  func.func @_qpart_body(%arg0: i32, %arg1: memref<1024x128xf32, #tpu.memory_space<vmem>>, %arg2: memref<128x128xf32, #tpu.memory_space<vmem>>, %arg3: memref<1x128xf32, #tpu.memory_space<vmem>>, %arg4: memref<1x128xf32, #tpu.memory_space<vmem>>, %arg5: memref<128x128xf32, #tpu.memory_space<vmem>>, %arg6: memref<1024x128xf32, #tpu.memory_space<vmem>>) attributes {dimension_semantics = [#tpu.dimension_semantics<arbitrary>], iteration_bounds = array<i64: 4>, scalar_prefetch = 0 : i64, scratch_operands = 0 : i64, tpu.core_type = #tpu.core_type<tc>, window_params = [{transform_indices = @transform_0, window_bounds = array<i64: 1024, 128>}, {pipeline_mode = #tpu.pipeline_mode<synchronous>, transform_indices = @transform_1, window_bounds = array<i64: 128, 128>}, {pipeline_mode = #tpu.pipeline_mode<synchronous>, transform_indices = @transform_2, window_bounds = array<i64: 1, 128>}, {pipeline_mode = #tpu.pipeline_mode<synchronous>, transform_indices = @transform_3, window_bounds = array<i64: 1, 128>}, {pipeline_mode = #tpu.pipeline_mode<synchronous>, transform_indices = @transform_4, window_bounds = array<i64: 128, 128>}, {transform_indices = @transform_5, window_bounds = array<i64: 1024, 128>}]} {
    %get3A = arith.constant 0 : index
    %get3A_0 = arith.constant 0 : index
    %get3A_1 = vector.load %arg1[%get3A, %get3A_0] : memref<1024x128xf32, #tpu.memory_space<vmem>>, vector<1024x128xf32>
    %get3A_2 = arith.constant 0 : index
    %get3A_3 = arith.constant 0 : index
    %get3A_4 = vector.load %arg2[%get3A_2, %get3A_3] : memref<128x128xf32, #tpu.memory_space<vmem>>, vector<128x128xf32>
    %dot_general3A = arith.constant dense<0.000000e+00> : vector<1024x128xf32>
    %dot_general3A_5 = tpu.matmul %get3A_1, %get3A_4, %dot_general3A {dimension_numbers = #tpu.dot_dimension_numbers<[1], [1], [0], [0], [0, 0, 1, 0], [], []>, transpose_lhs_hint = false} : vector<1024x128xf32>, vector<128x128xf32>, vector<1024x128xf32> -> vector<1024x128xf32>
    %get3A_6 = arith.constant 0 : index
    %get3A_7 = arith.constant 0 : index
    %get3A_8 = vector.load %arg3[%get3A_6, %get3A_7] : memref<1x128xf32, #tpu.memory_space<vmem>>, vector<1x128xf32>
    %get3A_9 = arith.constant 0 : index
    %get3A_10 = arith.constant 0 : index
    %get3A_11 = vector.load %arg4[%get3A_9, %get3A_10] : memref<1x128xf32, #tpu.memory_space<vmem>>, vector<1x128xf32>
    %reduce_sum3A = arith.constant dense<0.000000e+00> : vector<1024xf32>
    %reduce_sum3A_12 = vector.multi_reduction <add>, %dot_general3A_5, %reduce_sum3A [1] : vector<1024x128xf32> to vector<1024xf32>
    %broadcast_in_dim3A = vector.shape_cast %reduce_sum3A_12 : vector<1024xf32> to vector<1024x1xf32>
    %div3A = arith.constant 1.280000e+02 : f32
    %div3A_13 = vector.broadcast %div3A : f32 to vector<1024x1xf32>
    %div3A_14 = arith.divf %broadcast_in_dim3A, %div3A_13 : vector<1024x1xf32>
    %sub3A = vector.broadcast %div3A_14 : vector<1024x1xf32> to vector<1024x128xf32>
    %sub3A_15 = arith.subf %dot_general3A_5, %sub3A : vector<1024x128xf32>
    %integer_pow3A = arith.mulf %sub3A_15, %sub3A_15 : vector<1024x128xf32>
    %reduce_sum3A_16 = arith.constant dense<0.000000e+00> : vector<1024xf32>
    %reduce_sum3A_17 = vector.multi_reduction <add>, %integer_pow3A, %reduce_sum3A_16 [1] : vector<1024x128xf32> to vector<1024xf32>
    %broadcast_in_dim3A_18 = vector.shape_cast %reduce_sum3A_17 : vector<1024xf32> to vector<1024x1xf32>
    %div3A_19 = arith.constant 1.280000e+02 : f32
    %div3A_20 = vector.broadcast %div3A_19 : f32 to vector<1024x1xf32>
    %div3A_21 = arith.divf %broadcast_in_dim3A_18, %div3A_20 : vector<1024x1xf32>
    %sub3A_22 = vector.broadcast %div3A_14 : vector<1024x1xf32> to vector<1024x128xf32>
    %sub3A_23 = arith.subf %dot_general3A_5, %sub3A_22 : vector<1024x128xf32>
    %add3A = arith.constant 9.99999974E-6 : f32
    %add3A_24 = vector.broadcast %add3A : f32 to vector<1024x1xf32>
    %add3A_25 = arith.addf %div3A_21, %add3A_24 : vector<1024x1xf32>
    %rsqrt3A = math.rsqrt %add3A_25 : vector<1024x1xf32>
    %mul3A = vector.broadcast %rsqrt3A : vector<1024x1xf32> to vector<1024x128xf32>
    %mul3A_26 = arith.mulf %sub3A_23, %mul3A : vector<1024x128xf32>
    %mul3A_27 = vector.broadcast %get3A_8 : vector<1x128xf32> to vector<1024x128xf32>
    %mul3A_28 = arith.mulf %mul3A_26, %mul3A_27 : vector<1024x128xf32>
    %add3A_29 = vector.broadcast %get3A_11 : vector<1x128xf32> to vector<1024x128xf32>
    %add3A_30 = arith.addf %mul3A_28, %add3A_29 : vector<1024x128xf32>
    %max3A = arith.constant 0.000000e+00 : f32
    %max3A_31 = vector.broadcast %max3A : f32 to vector<1024x128xf32>
    %max3A_32 = arith.maximumf %add3A_30, %max3A_31 : vector<1024x128xf32>
    %get3A_33 = arith.constant 0 : index
    %get3A_34 = arith.constant 0 : index
    %get3A_35 = vector.load %arg5[%get3A_33, %get3A_34] : memref<128x128xf32, #tpu.memory_space<vmem>>, vector<128x128xf32>
    %dot_general3A_36 = arith.constant dense<0.000000e+00> : vector<1024x128xf32>
    %dot_general3A_37 = tpu.matmul %max3A_32, %get3A_35, %dot_general3A_36 {dimension_numbers = #tpu.dot_dimension_numbers<[1], [1], [0], [0], [0, 0, 1, 0], [], []>, transpose_lhs_hint = false} : vector<1024x128xf32>, vector<128x128xf32>, vector<1024x128xf32> -> vector<1024x128xf32>
    %swap3A = arith.constant 0 : index
    %swap3A_38 = arith.constant 0 : index
    %swap3A_39 = vector.load %arg6[%swap3A, %swap3A_38] : memref<1024x128xf32, #tpu.memory_space<vmem>>, vector<1024x128xf32>
    tpu.vector_store %arg6[%swap3A, %swap3A_38], %dot_general3A_37 {strides = array<i32>} : memref<1024x128xf32, #tpu.memory_space<vmem>>, vector<1024x128xf32>,
    return
  }
  func.func @transform_0(%arg0: i32) -> (i32, i32) {
    %c0_i32 = arith.constant 0 : i32
    %c0_i32_0 = arith.constant 0 : i32
    return %arg0, %c0_i32 : i32, i32
  }
  func.func @transform_1(%arg0: i32) -> (i32, i32) {
    %c0_i32 = arith.constant 0 : i32
    %c0_i32_0 = arith.constant 0 : i32
    %c0_i32_1 = arith.constant 0 : i32
    return %c0_i32, %c0_i32_0 : i32, i32
  }
  func.func @transform_2(%arg0: i32) -> (i32, i32) {
    %c0_i32 = arith.constant 0 : i32
    %c0_i32_0 = arith.constant 0 : i32
    %c0_i32_1 = arith.constant 0 : i32
    return %c0_i32, %c0_i32_0 : i32, i32
  }
  func.func @transform_3(%arg0: i32) -> (i32, i32) {
    %c0_i32 = arith.constant 0 : i32
    %c0_i32_0 = arith.constant 0 : i32
    %c0_i32_1 = arith.constant 0 : i32
    return %c0_i32, %c0_i32_0 : i32, i32
  }
  func.func @transform_4(%arg0: i32) -> (i32, i32) {
    %c0_i32 = arith.constant 0 : i32
    %c0_i32_0 = arith.constant 0 : i32
    %c0_i32_1 = arith.constant 0 : i32
    return %c0_i32, %c0_i32_0 : i32, i32
  }
  func.func @transform_5(%arg0: i32) -> (i32, i32) {
    %c0_i32 = arith.constant 0 : i32
    %c0_i32_0 = arith.constant 0 : i32
    return %arg0, %c0_i32 : i32, i32
  }
}

module attributes {stable_mosaic.version = 14 : i64} {
  func.func @_cpart_body(%arg0: i32, %arg1: memref<1024x128xf32, #tpu.memory_space<vmem>>, %arg2: memref<128x128xf32, #tpu.memory_space<vmem>>, %arg3: memref<1024x128xf32, #tpu.memory_space<vmem>>) attributes {dimension_semantics = [#tpu.dimension_semantics<arbitrary>], iteration_bounds = array<i64: 8>, scalar_prefetch = 0 : i64, scratch_operands = 0 : i64, tpu.core_type = #tpu.core_type<tc>, window_params = [{transform_indices = @transform_0, window_bounds = array<i64: 1024, 128>}, {pipeline_mode = #tpu.pipeline_mode<synchronous>, transform_indices = @transform_1, window_bounds = array<i64: 128, 128>}, {transform_indices = @transform_2, window_bounds = array<i64: 1024, 128>}]} {
    %get3A = arith.constant 0 : index
    %get3A_0 = arith.constant 0 : index
    %get3A_1 = vector.load %arg1[%get3A, %get3A_0] : memref<1024x128xf32, #tpu.memory_space<vmem>>, vector<1024x128xf32>
    %get3A_2 = arith.constant 0 : index
    %get3A_3 = arith.constant 0 : index
    %get3A_4 = vector.load %arg2[%get3A_2, %get3A_3] : memref<128x128xf32, #tpu.memory_space<vmem>>, vector<128x128xf32>
    %dot_general3A = arith.constant dense<0.000000e+00> : vector<1024x128xf32>
    %dot_general3A_5 = tpu.matmul %get3A_1, %get3A_4, %dot_general3A {dimension_numbers = #tpu.dot_dimension_numbers<[1], [1], [0], [0], [0, 0, 1, 0], [], []>, transpose_lhs_hint = false} : vector<1024x128xf32>, vector<128x128xf32>, vector<1024x128xf32> -> vector<1024x128xf32>
    %swap3A = arith.constant 0 : index
    %swap3A_6 = arith.constant 0 : index
    %swap3A_7 = vector.load %arg3[%swap3A, %swap3A_6] : memref<1024x128xf32, #tpu.memory_space<vmem>>, vector<1024x128xf32>
    tpu.vector_store %arg3[%swap3A, %swap3A_6], %dot_general3A_5 {strides = array<i32>} : memref<1024x128xf32, #tpu.memory_space<vmem>>, vector<1024x128xf32>,
    return
  }
  func.func @transform_0(%arg0: i32) -> (i32, i32) {
    %c0_i32 = arith.constant 0 : i32
    %c0_i32_0 = arith.constant 0 : i32
    return %arg0, %c0_i32 : i32, i32
  }
  func.func @transform_1(%arg0: i32) -> (i32, i32) {
    %c0_i32 = arith.constant 0 : i32
    %c0_i32_0 = arith.constant 0 : i32
    %c0_i32_1 = arith.constant 0 : i32
    return %c0_i32, %c0_i32_0 : i32, i32
  }
  func.func @transform_2(%arg0: i32) -> (i32, i32) {
    %c0_i32 = arith.constant 0 : i32
    %c0_i32_0 = arith.constant 0 : i32
    return %arg0, %c0_i32 : i32, i32
  }
}

module attributes {stable_mosaic.version = 14 : i64} {
  func.func @_edge_body(%arg0: i32, %arg1: memref<64x128x128xf32, #tpu.memory_space<vmem>>, %arg2: memref<8192x1xf32, #tpu.memory_space<vmem>>, %arg3: memref<8192x1xf32, #tpu.memory_space<vmem>>, %arg4: memref<64x128xf32, #tpu.memory_space<vmem>>, %arg5: memref<64x128xf32, #tpu.memory_space<vmem>>, %arg6: memref<1x128xf32, #tpu.memory_space<vmem>>, %arg7: memref<1x128xf32, #tpu.memory_space<vmem>>, %arg8: memref<1x128xf32, #tpu.memory_space<vmem>>, %arg9: memref<128x128xf32, #tpu.memory_space<vmem>>, %arg10: memref<1x128xf32, #tpu.memory_space<vmem>>, %arg11: memref<1x128xf32, #tpu.memory_space<vmem>>, %arg12: memref<128x128xf32, #tpu.memory_space<vmem>>, %arg13: memref<1x128xf32, #tpu.memory_space<vmem>>, %arg14: memref<1x128xf32, #tpu.memory_space<vmem>>, %arg15: memref<128x128xf32, #tpu.memory_space<vmem>>, %arg16: memref<128x128xf32, #tpu.memory_space<vmem>>, %arg17: memref<1x128xf32, #tpu.memory_space<vmem>>, %arg18: memref<1x128xf32, #tpu.memory_space<vmem>>, %arg19: memref<128x128xf32, #tpu.memory_space<vmem>>, %arg20: memref<1x128xf32, #tpu.memory_space<vmem>>, %arg21: memref<1x128xf32, #tpu.memory_space<vmem>>, %arg22: memref<64x128xf32, #tpu.memory_space<vmem>>) attributes {dimension_semantics = [#tpu.dimension_semantics<arbitrary>], iteration_bounds = array<i64: 64>, scalar_prefetch = 0 : i64, scratch_operands = 0 : i64, tpu.core_type = #tpu.core_type<tc>, window_params = [{transform_indices = @transform_0, window_bounds = array<i64: 64, 128, 128>}, {transform_indices = @transform_1, window_bounds = array<i64: 8192, 1>}, {transform_indices = @transform_2, window_bounds = array<i64: 8192, 1>}, {transform_indices = @transform_3, window_bounds = array<i64: 64, 128>}, {transform_indices = @transform_4, window_bounds = array<i64: 64, 128>}, {pipeline_mode = #tpu.pipeline_mode<synchronous>, transform_indices = @transform_5, window_bounds = array<i64: 1, 128>}, {pipeline_mode = #tpu.pipeline_mode<synchronous>, transform_indices = @transform_6, window_bounds = array<i64: 1, 128>}, {pipeline_mode = #tpu.pipeline_mode<synchronous>, transform_indices = @transform_7, window_bounds = array<i64: 1, 128>}, {pipeline_mode = #tpu.pipeline_mode<synchronous>, transform_indices = @transform_8, window_bounds = array<i64: 128, 128>}, {pipeline_mode = #tpu.pipeline_mode<synchronous>, transform_indices = @transform_9, window_bounds = array<i64: 1, 128>}, {pipeline_mode = #tpu.pipeline_mode<synchronous>, transform_indices = @transform_10, window_bounds = array<i64: 1, 128>}, {pipeline_mode = #tpu.pipeline_mode<synchronous>, transform_indices = @transform_11, window_bounds = array<i64: 128, 128>}, {pipeline_mode = #tpu.pipeline_mode<synchronous>, transform_indices = @transform_12, window_bounds = array<i64: 1, 128>}, {pipeline_mode = #tpu.pipeline_mode<synchronous>, transform_indices = @transform_13, window_bounds = array<i64: 1, 128>}, {pipeline_mode = #tpu.pipeline_mode<synchronous>, transform_indices = @transform_14, window_bounds = array<i64: 128, 128>}, {pipeline_mode = #tpu.pipeline_mode<synchronous>, transform_indices = @transform_15, window_bounds = array<i64: 128, 128>}, {pipeline_mode = #tpu.pipeline_mode<synchronous>, transform_indices = @transform_16, window_bounds = array<i64: 1, 128>}, {pipeline_mode = #tpu.pipeline_mode<synchronous>, transform_indices = @transform_17, window_bounds = array<i64: 1, 128>}, {pipeline_mode = #tpu.pipeline_mode<synchronous>, transform_indices = @transform_18, window_bounds = array<i64: 128, 128>}, {pipeline_mode = #tpu.pipeline_mode<synchronous>, transform_indices = @transform_19, window_bounds = array<i64: 1, 128>}, {pipeline_mode = #tpu.pipeline_mode<synchronous>, transform_indices = @transform_20, window_bounds = array<i64: 1, 128>}, {transform_indices = @transform_21, window_bounds = array<i64: 64, 128>}]} {
    %get3A = arith.constant 0 : index
    %get3A_0 = arith.constant 0 : index
    %get3A_1 = vector.load %arg2[%get3A, %get3A_0] : memref<8192x1xf32, #tpu.memory_space<vmem>>, vector<8192x1xf32>
    %get3A_2 = arith.constant 0 : index
    %get3A_3 = arith.constant 0 : index
    %get3A_4 = vector.load %arg3[%get3A_2, %get3A_3] : memref<8192x1xf32, #tpu.memory_space<vmem>>, vector<8192x1xf32>
    %get3A_5 = arith.constant 0 : index
    %get3A_6 = arith.constant 0 : index
    %get3A_7 = vector.load %arg6[%get3A_5, %get3A_6] : memref<1x128xf32, #tpu.memory_space<vmem>>, vector<1x128xf32>
    %mul3A = vector.broadcast %get3A_1 : vector<8192x1xf32> to vector<8192x128xf32>
    %mul3A_8 = vector.broadcast %get3A_7 : vector<1x128xf32> to vector<8192x128xf32>
    %mul3A_9 = arith.mulf %mul3A, %mul3A_8 : vector<8192x128xf32>
    %get3A_10 = arith.constant 0 : index
    %get3A_11 = arith.constant 0 : index
    %get3A_12 = vector.load %arg7[%get3A_10, %get3A_11] : memref<1x128xf32, #tpu.memory_space<vmem>>, vector<1x128xf32>
    %mul3A_13 = vector.broadcast %get3A_4 : vector<8192x1xf32> to vector<8192x128xf32>
    %mul3A_14 = vector.broadcast %get3A_12 : vector<1x128xf32> to vector<8192x128xf32>
    %mul3A_15 = arith.mulf %mul3A_13, %mul3A_14 : vector<8192x128xf32>
    %add3A = arith.addf %mul3A_9, %mul3A_15 : vector<8192x128xf32>
    %get3A_16 = arith.constant 0 : index
    %get3A_17 = arith.constant 0 : index
    %get3A_18 = vector.load %arg8[%get3A_16, %get3A_17] : memref<1x128xf32, #tpu.memory_space<vmem>>, vector<1x128xf32>
    %add3A_19 = vector.broadcast %get3A_18 : vector<1x128xf32> to vector<8192x128xf32>
    %add3A_20 = arith.addf %add3A, %add3A_19 : vector<8192x128xf32>
    %max3A = arith.constant 0.000000e+00 : f32
    %max3A_21 = vector.broadcast %max3A : f32 to vector<8192x128xf32>
    %max3A_22 = arith.maximumf %add3A_20, %max3A_21 : vector<8192x128xf32>
    %get3A_23 = arith.constant 0 : index
    %get3A_24 = arith.constant 0 : index
    %get3A_25 = vector.load %arg9[%get3A_23, %get3A_24] : memref<128x128xf32, #tpu.memory_space<vmem>>, vector<128x128xf32>
    %dot_general3A = arith.constant dense<0.000000e+00> : vector<8192x128xf32>
    %dot_general3A_26 = tpu.matmul %max3A_22, %get3A_25, %dot_general3A {dimension_numbers = #tpu.dot_dimension_numbers<[1], [1], [0], [0], [0, 0, 1, 0], [], []>, transpose_lhs_hint = false} : vector<8192x128xf32>, vector<128x128xf32>, vector<8192x128xf32> -> vector<8192x128xf32>
    %get3A_27 = arith.constant 0 : index
    %get3A_28 = arith.constant 0 : index
    %get3A_29 = vector.load %arg10[%get3A_27, %get3A_28] : memref<1x128xf32, #tpu.memory_space<vmem>>, vector<1x128xf32>
    %get3A_30 = arith.constant 0 : index
    %get3A_31 = arith.constant 0 : index
    %get3A_32 = vector.load %arg11[%get3A_30, %get3A_31] : memref<1x128xf32, #tpu.memory_space<vmem>>, vector<1x128xf32>
    %reduce_sum3A = arith.constant dense<0.000000e+00> : vector<8192xf32>
    %reduce_sum3A_33 = vector.multi_reduction <add>, %dot_general3A_26, %reduce_sum3A [1] : vector<8192x128xf32> to vector<8192xf32>
    %broadcast_in_dim3A = vector.shape_cast %reduce_sum3A_33 : vector<8192xf32> to vector<8192x1xf32>
    %div3A = arith.constant 1.280000e+02 : f32
    %div3A_34 = vector.broadcast %div3A : f32 to vector<8192x1xf32>
    %div3A_35 = arith.divf %broadcast_in_dim3A, %div3A_34 : vector<8192x1xf32>
    %sub3A = vector.broadcast %div3A_35 : vector<8192x1xf32> to vector<8192x128xf32>
    %sub3A_36 = arith.subf %dot_general3A_26, %sub3A : vector<8192x128xf32>
    %integer_pow3A = arith.mulf %sub3A_36, %sub3A_36 : vector<8192x128xf32>
    %reduce_sum3A_37 = arith.constant dense<0.000000e+00> : vector<8192xf32>
    %reduce_sum3A_38 = vector.multi_reduction <add>, %integer_pow3A, %reduce_sum3A_37 [1] : vector<8192x128xf32> to vector<8192xf32>
    %broadcast_in_dim3A_39 = vector.shape_cast %reduce_sum3A_38 : vector<8192xf32> to vector<8192x1xf32>
    %div3A_40 = arith.constant 1.280000e+02 : f32
    %div3A_41 = vector.broadcast %div3A_40 : f32 to vector<8192x1xf32>
    %div3A_42 = arith.divf %broadcast_in_dim3A_39, %div3A_41 : vector<8192x1xf32>
    %sub3A_43 = vector.broadcast %div3A_35 : vector<8192x1xf32> to vector<8192x128xf32>
    %sub3A_44 = arith.subf %dot_general3A_26, %sub3A_43 : vector<8192x128xf32>
    %add3A_45 = arith.constant 9.99999974E-6 : f32
    %add3A_46 = vector.broadcast %add3A_45 : f32 to vector<8192x1xf32>
    %add3A_47 = arith.addf %div3A_42, %add3A_46 : vector<8192x1xf32>
    %rsqrt3A = math.rsqrt %add3A_47 : vector<8192x1xf32>
    %mul3A_48 = vector.broadcast %rsqrt3A : vector<8192x1xf32> to vector<8192x128xf32>
    %mul3A_49 = arith.mulf %sub3A_44, %mul3A_48 : vector<8192x128xf32>
    %mul3A_50 = vector.broadcast %get3A_29 : vector<1x128xf32> to vector<8192x128xf32>
    %mul3A_51 = arith.mulf %mul3A_49, %mul3A_50 : vector<8192x128xf32>
    %add3A_52 = vector.broadcast %get3A_32 : vector<1x128xf32> to vector<8192x128xf32>
    %add3A_53 = arith.addf %mul3A_51, %add3A_52 : vector<8192x128xf32>
    %max3A_54 = arith.constant 0.000000e+00 : f32
    %max3A_55 = vector.broadcast %max3A_54 : f32 to vector<8192x128xf32>
    %max3A_56 = arith.maximumf %add3A_53, %max3A_55 : vector<8192x128xf32>
    %get3A_57 = arith.constant 0 : index
    %get3A_58 = arith.constant 0 : index
    %get3A_59 = vector.load %arg12[%get3A_57, %get3A_58] : memref<128x128xf32, #tpu.memory_space<vmem>>, vector<128x128xf32>
    %dot_general3A_60 = arith.constant dense<0.000000e+00> : vector<8192x128xf32>
    %dot_general3A_61 = tpu.matmul %max3A_56, %get3A_59, %dot_general3A_60 {dimension_numbers = #tpu.dot_dimension_numbers<[1], [1], [0], [0], [0, 0, 1, 0], [], []>, transpose_lhs_hint = false} : vector<8192x128xf32>, vector<128x128xf32>, vector<8192x128xf32> -> vector<8192x128xf32>
    %get3A_62 = arith.constant 0 : index
    %get3A_63 = arith.constant 0 : index
    %get3A_64 = arith.constant 0 : index
    %get3A_65 = vector.load %arg1[%get3A_62, %get3A_63, %get3A_64] : memref<64x128x128xf32, #tpu.memory_space<vmem>>, vector<64x128x128xf32>
    %reshape3A = vector.shape_cast %get3A_65 : vector<64x128x128xf32> to vector<8192x128xf32>
    %add3A_66 = arith.addf %dot_general3A_61, %reshape3A : vector<8192x128xf32>
    %get3A_67 = arith.constant 0 : index
    %get3A_68 = arith.constant 0 : index
    %get3A_69 = vector.load %arg4[%get3A_67, %get3A_68] : memref<64x128xf32, #tpu.memory_space<vmem>>, vector<64x128xf32>
    %broadcast_in_dim3A_70 = vector.shape_cast %get3A_69 : vector<64x128xf32> to vector<64x1x128xf32>
    %broadcast_in_dim3A_71 = vector.shape_cast %broadcast_in_dim3A_70 : vector<64x1x128xf32> to vector<64x1x128xf32>
    %broadcast_in_dim3A_72 = vector.broadcast %broadcast_in_dim3A_71 : vector<64x1x128xf32> to vector<64x128x128xf32>
    %reshape3A_73 = vector.shape_cast %broadcast_in_dim3A_72 : vector<64x128x128xf32> to vector<8192x128xf32>
    %add3A_74 = arith.addf %add3A_66, %reshape3A_73 : vector<8192x128xf32>
    %get3A_75 = arith.constant 0 : index
    %get3A_76 = arith.constant 0 : index
    %get3A_77 = vector.load %arg13[%get3A_75, %get3A_76] : memref<1x128xf32, #tpu.memory_space<vmem>>, vector<1x128xf32>
    %get3A_78 = arith.constant 0 : index
    %get3A_79 = arith.constant 0 : index
    %get3A_80 = vector.load %arg14[%get3A_78, %get3A_79] : memref<1x128xf32, #tpu.memory_space<vmem>>, vector<1x128xf32>
    %reduce_sum3A_81 = arith.constant dense<0.000000e+00> : vector<8192xf32>
    %reduce_sum3A_82 = vector.multi_reduction <add>, %add3A_74, %reduce_sum3A_81 [1] : vector<8192x128xf32> to vector<8192xf32>
    %broadcast_in_dim3A_83 = vector.shape_cast %reduce_sum3A_82 : vector<8192xf32> to vector<8192x1xf32>
    %div3A_84 = arith.constant 1.280000e+02 : f32
    %div3A_85 = vector.broadcast %div3A_84 : f32 to vector<8192x1xf32>
    %div3A_86 = arith.divf %broadcast_in_dim3A_83, %div3A_85 : vector<8192x1xf32>
    %sub3A_87 = vector.broadcast %div3A_86 : vector<8192x1xf32> to vector<8192x128xf32>
    %sub3A_88 = arith.subf %add3A_74, %sub3A_87 : vector<8192x128xf32>
    %integer_pow3A_89 = arith.mulf %sub3A_88, %sub3A_88 : vector<8192x128xf32>
    %reduce_sum3A_90 = arith.constant dense<0.000000e+00> : vector<8192xf32>
    %reduce_sum3A_91 = vector.multi_reduction <add>, %integer_pow3A_89, %reduce_sum3A_90 [1] : vector<8192x128xf32> to vector<8192xf32>
    %broadcast_in_dim3A_92 = vector.shape_cast %reduce_sum3A_91 : vector<8192xf32> to vector<8192x1xf32>
    %div3A_93 = arith.constant 1.280000e+02 : f32
    %div3A_94 = vector.broadcast %div3A_93 : f32 to vector<8192x1xf32>
    %div3A_95 = arith.divf %broadcast_in_dim3A_92, %div3A_94 : vector<8192x1xf32>
    %sub3A_96 = vector.broadcast %div3A_86 : vector<8192x1xf32> to vector<8192x128xf32>
    %sub3A_97 = arith.subf %add3A_74, %sub3A_96 : vector<8192x128xf32>
    %add3A_98 = arith.constant 9.99999974E-6 : f32
    %add3A_99 = vector.broadcast %add3A_98 : f32 to vector<8192x1xf32>
    %add3A_100 = arith.addf %div3A_95, %add3A_99 : vector<8192x1xf32>
    %rsqrt3A_101 = math.rsqrt %add3A_100 : vector<8192x1xf32>
    %mul3A_102 = vector.broadcast %rsqrt3A_101 : vector<8192x1xf32> to vector<8192x128xf32>
    %mul3A_103 = arith.mulf %sub3A_97, %mul3A_102 : vector<8192x128xf32>
    %mul3A_104 = vector.broadcast %get3A_77 : vector<1x128xf32> to vector<8192x128xf32>
    %mul3A_105 = arith.mulf %mul3A_103, %mul3A_104 : vector<8192x128xf32>
    %add3A_106 = vector.broadcast %get3A_80 : vector<1x128xf32> to vector<8192x128xf32>
    %add3A_107 = arith.addf %mul3A_105, %add3A_106 : vector<8192x128xf32>
    %max3A_108 = arith.constant 0.000000e+00 : f32
    %max3A_109 = vector.broadcast %max3A_108 : f32 to vector<8192x128xf32>
    %max3A_110 = arith.maximumf %add3A_107, %max3A_109 : vector<8192x128xf32>
    %get3A_111 = arith.constant 0 : index
    %get3A_112 = arith.constant 0 : index
    %get3A_113 = vector.load %arg15[%get3A_111, %get3A_112] : memref<128x128xf32, #tpu.memory_space<vmem>>, vector<128x128xf32>
    %dot_general3A_114 = arith.constant dense<0.000000e+00> : vector<8192x128xf32>
    %dot_general3A_115 = tpu.matmul %max3A_110, %get3A_113, %dot_general3A_114 {dimension_numbers = #tpu.dot_dimension_numbers<[1], [1], [0], [0], [0, 0, 1, 0], [], []>, transpose_lhs_hint = false} : vector<8192x128xf32>, vector<128x128xf32>, vector<8192x128xf32> -> vector<8192x128xf32>
    %lt3A = arith.constant 5.000000e+08 : f32
    %lt3A_116 = vector.broadcast %lt3A : f32 to vector<8192x1xf32>
    %lt3A_117 = arith.cmpf olt, %get3A_1, %lt3A_116 : vector<8192x1xf32>
    %jit3A = arith.constant 0.000000e+00 : f32
    %broadcast_in_dim3A_118 = vector.shape_cast %lt3A_117 : vector<8192x1xi1> to vector<8192x1xi1>
    %broadcast_in_dim3A_119 = vector.broadcast %broadcast_in_dim3A_118 : vector<8192x1xi1> to vector<8192x128xi1>
    %broadcast_in_dim3A_120 = vector.broadcast %jit3A : f32 to vector<8192x128xf32>
    %select_n3A = arith.select %broadcast_in_dim3A_119, %dot_general3A_115, %broadcast_in_dim3A_120 : vector<8192x128xi1>, vector<8192x128xf32>
    %reshape3A_121 = vector.shape_cast %select_n3A : vector<8192x128xf32> to vector<64x128x128xf32>
    %reduce_sum3A_122 = arith.constant dense<0.000000e+00> : vector<64x128xf32>
    %reduce_sum3A_123 = vector.multi_reduction <add>, %reshape3A_121, %reduce_sum3A_122 [1] : vector<64x128x128xf32> to vector<64x128xf32>
    %get3A_124 = arith.constant 0 : index
    %get3A_125 = arith.constant 0 : index
    %get3A_126 = vector.load %arg5[%get3A_124, %get3A_125] : memref<64x128xf32, #tpu.memory_space<vmem>>, vector<64x128xf32>
    %get3A_127 = arith.constant 0 : index
    %get3A_128 = arith.constant 0 : index
    %get3A_129 = vector.load %arg16[%get3A_127, %get3A_128] : memref<128x128xf32, #tpu.memory_space<vmem>>, vector<128x128xf32>
    %dot_general3A_130 = arith.constant dense<0.000000e+00> : vector<64x128xf32>
    %dot_general3A_131 = tpu.matmul %get3A_126, %get3A_129, %dot_general3A_130 {dimension_numbers = #tpu.dot_dimension_numbers<[1], [1], [0], [0], [0, 0, 1, 0], [], []>, transpose_lhs_hint = false} : vector<64x128xf32>, vector<128x128xf32>, vector<64x128xf32> -> vector<64x128xf32>
    %add3A_132 = arith.addf %dot_general3A_131, %reduce_sum3A_123 : vector<64x128xf32>
    %get3A_133 = arith.constant 0 : index
    %get3A_134 = arith.constant 0 : index
    %get3A_135 = vector.load %arg17[%get3A_133, %get3A_134] : memref<1x128xf32, #tpu.memory_space<vmem>>, vector<1x128xf32>
    %get3A_136 = arith.constant 0 : index
    %get3A_137 = arith.constant 0 : index
    %get3A_138 = vector.load %arg18[%get3A_136, %get3A_137] : memref<1x128xf32, #tpu.memory_space<vmem>>, vector<1x128xf32>
    %reduce_sum3A_139 = arith.constant dense<0.000000e+00> : vector<64xf32>
    %reduce_sum3A_140 = vector.multi_reduction <add>, %add3A_132, %reduce_sum3A_139 [1] : vector<64x128xf32> to vector<64xf32>
    %broadcast_in_dim3A_141 = vector.shape_cast %reduce_sum3A_140 : vector<64xf32> to vector<64x1xf32>
    %div3A_142 = arith.constant 1.280000e+02 : f32
    %div3A_143 = vector.broadcast %div3A_142 : f32 to vector<64x1xf32>
    %div3A_144 = arith.divf %broadcast_in_dim3A_141, %div3A_143 : vector<64x1xf32>
    %sub3A_145 = vector.broadcast %div3A_144 : vector<64x1xf32> to vector<64x128xf32>
    %sub3A_146 = arith.subf %add3A_132, %sub3A_145 : vector<64x128xf32>
    %integer_pow3A_147 = arith.mulf %sub3A_146, %sub3A_146 : vector<64x128xf32>
    %reduce_sum3A_148 = arith.constant dense<0.000000e+00> : vector<64xf32>
    %reduce_sum3A_149 = vector.multi_reduction <add>, %integer_pow3A_147, %reduce_sum3A_148 [1] : vector<64x128xf32> to vector<64xf32>
    %broadcast_in_dim3A_150 = vector.shape_cast %reduce_sum3A_149 : vector<64xf32> to vector<64x1xf32>
    %div3A_151 = arith.constant 1.280000e+02 : f32
    %div3A_152 = vector.broadcast %div3A_151 : f32 to vector<64x1xf32>
    %div3A_153 = arith.divf %broadcast_in_dim3A_150, %div3A_152 : vector<64x1xf32>
    %sub3A_154 = vector.broadcast %div3A_144 : vector<64x1xf32> to vector<64x128xf32>
    %sub3A_155 = arith.subf %add3A_132, %sub3A_154 : vector<64x128xf32>
    %add3A_156 = arith.constant 9.99999974E-6 : f32
    %add3A_157 = vector.broadcast %add3A_156 : f32 to vector<64x1xf32>
    %add3A_158 = arith.addf %div3A_153, %add3A_157 : vector<64x1xf32>
    %rsqrt3A_159 = math.rsqrt %add3A_158 : vector<64x1xf32>
    %mul3A_160 = vector.broadcast %rsqrt3A_159 : vector<64x1xf32> to vector<64x128xf32>
    %mul3A_161 = arith.mulf %sub3A_155, %mul3A_160 : vector<64x128xf32>
    %mul3A_162 = vector.broadcast %get3A_135 : vector<1x128xf32> to vector<64x128xf32>
    %mul3A_163 = arith.mulf %mul3A_161, %mul3A_162 : vector<64x128xf32>
    %add3A_164 = vector.broadcast %get3A_138 : vector<1x128xf32> to vector<64x128xf32>
    %add3A_165 = arith.addf %mul3A_163, %add3A_164 : vector<64x128xf32>
    %max3A_166 = arith.constant 0.000000e+00 : f32
    %max3A_167 = vector.broadcast %max3A_166 : f32 to vector<64x128xf32>
    %max3A_168 = arith.maximumf %add3A_165, %max3A_167 : vector<64x128xf32>
    %get3A_169 = arith.constant 0 : index
    %get3A_170 = arith.constant 0 : index
    %get3A_171 = vector.load %arg19[%get3A_169, %get3A_170] : memref<128x128xf32, #tpu.memory_space<vmem>>, vector<128x128xf32>
    %dot_general3A_172 = arith.constant dense<0.000000e+00> : vector<64x128xf32>
    %dot_general3A_173 = tpu.matmul %max3A_168, %get3A_171, %dot_general3A_172 {dimension_numbers = #tpu.dot_dimension_numbers<[1], [1], [0], [0], [0, 0, 1, 0], [], []>, transpose_lhs_hint = false} : vector<64x128xf32>, vector<128x128xf32>, vector<64x128xf32> -> vector<64x128xf32>
    %get3A_174 = arith.constant 0 : index
    %get3A_175 = arith.constant 0 : index
    %get3A_176 = vector.load %arg20[%get3A_174, %get3A_175] : memref<1x128xf32, #tpu.memory_space<vmem>>, vector<1x128xf32>
    %get3A_177 = arith.constant 0 : index
    %get3A_178 = arith.constant 0 : index
    %get3A_179 = vector.load %arg21[%get3A_177, %get3A_178] : memref<1x128xf32, #tpu.memory_space<vmem>>, vector<1x128xf32>
    %reduce_sum3A_180 = arith.constant dense<0.000000e+00> : vector<64xf32>
    %reduce_sum3A_181 = vector.multi_reduction <add>, %dot_general3A_173, %reduce_sum3A_180 [1] : vector<64x128xf32> to vector<64xf32>
    %broadcast_in_dim3A_182 = vector.shape_cast %reduce_sum3A_181 : vector<64xf32> to vector<64x1xf32>
    %div3A_183 = arith.constant 1.280000e+02 : f32
    %div3A_184 = vector.broadcast %div3A_183 : f32 to vector<64x1xf32>
    %div3A_185 = arith.divf %broadcast_in_dim3A_182, %div3A_184 : vector<64x1xf32>
    %sub3A_186 = vector.broadcast %div3A_185 : vector<64x1xf32> to vector<64x128xf32>
    %sub3A_187 = arith.subf %dot_general3A_173, %sub3A_186 : vector<64x128xf32>
    %integer_pow3A_188 = arith.mulf %sub3A_187, %sub3A_187 : vector<64x128xf32>
    %reduce_sum3A_189 = arith.constant dense<0.000000e+00> : vector<64xf32>
    %reduce_sum3A_190 = vector.multi_reduction <add>, %integer_pow3A_188, %reduce_sum3A_189 [1] : vector<64x128xf32> to vector<64xf32>
    %broadcast_in_dim3A_191 = vector.shape_cast %reduce_sum3A_190 : vector<64xf32> to vector<64x1xf32>
    %div3A_192 = arith.constant 1.280000e+02 : f32
    %div3A_193 = vector.broadcast %div3A_192 : f32 to vector<64x1xf32>
    %div3A_194 = arith.divf %broadcast_in_dim3A_191, %div3A_193 : vector<64x1xf32>
    %sub3A_195 = vector.broadcast %div3A_185 : vector<64x1xf32> to vector<64x128xf32>
    %sub3A_196 = arith.subf %dot_general3A_173, %sub3A_195 : vector<64x128xf32>
    %add3A_197 = arith.constant 9.99999974E-6 : f32
    %add3A_198 = vector.broadcast %add3A_197 : f32 to vector<64x1xf32>
    %add3A_199 = arith.addf %div3A_194, %add3A_198 : vector<64x1xf32>
    %rsqrt3A_200 = math.rsqrt %add3A_199 : vector<64x1xf32>
    %mul3A_201 = vector.broadcast %rsqrt3A_200 : vector<64x1xf32> to vector<64x128xf32>
    %mul3A_202 = arith.mulf %sub3A_196, %mul3A_201 : vector<64x128xf32>
    %mul3A_203 = vector.broadcast %get3A_176 : vector<1x128xf32> to vector<64x128xf32>
    %mul3A_204 = arith.mulf %mul3A_202, %mul3A_203 : vector<64x128xf32>
    %add3A_205 = vector.broadcast %get3A_179 : vector<1x128xf32> to vector<64x128xf32>
    %add3A_206 = arith.addf %mul3A_204, %add3A_205 : vector<64x128xf32>
    %add3A_207 = arith.addf %add3A_206, %get3A_126 : vector<64x128xf32>
    %max3A_208 = arith.constant 0.000000e+00 : f32
    %max3A_209 = vector.broadcast %max3A_208 : f32 to vector<64x128xf32>
    %max3A_210 = arith.maximumf %add3A_207, %max3A_209 : vector<64x128xf32>
    %swap3A = arith.constant 0 : index
    %swap3A_211 = arith.constant 0 : index
    %swap3A_212 = vector.load %arg22[%swap3A, %swap3A_211] : memref<64x128xf32, #tpu.memory_space<vmem>>, vector<64x128xf32>
    tpu.vector_store %arg22[%swap3A, %swap3A_211], %max3A_210 {strides = array<i32>} : memref<64x128xf32, #tpu.memory_space<vmem>>, vector<64x128xf32>,
    return
  }
  func.func @transform_0(%arg0: i32) -> (i32, i32, i32) {
    %c0_i32 = arith.constant 0 : i32
    %c0_i32_0 = arith.constant 0 : i32
    %c0_i32_1 = arith.constant 0 : i32
    return %arg0, %c0_i32, %c0_i32_0 : i32, i32, i32
  }
  func.func @transform_1(%arg0: i32) -> (i32, i32) {
    %c0_i32 = arith.constant 0 : i32
    %c0_i32_0 = arith.constant 0 : i32
    return %arg0, %c0_i32 : i32, i32
  }
  func.func @transform_2(%arg0: i32) -> (i32, i32) {
    %c0_i32 = arith.constant 0 : i32
    %c0_i32_0 = arith.constant 0 : i32
    return %arg0, %c0_i32 : i32, i32
  }
  func.func @transform_3(%arg0: i32) -> (i32, i32) {
    %c0_i32 = arith.constant 0 : i32
    %c0_i32_0 = arith.constant 0 : i32
    return %arg0, %c0_i32 : i32, i32
  }
  func.func @transform_4(%arg0: i32) -> (i32, i32) {
    %c0_i32 = arith.constant 0 : i32
    %c0_i32_0 = arith.constant 0 : i32
    return %arg0, %c0_i32 : i32, i32
  }
  func.func @transform_5(%arg0: i32) -> (i32, i32) {
    %c0_i32 = arith.constant 0 : i32
    %c0_i32_0 = arith.constant 0 : i32
    %c0_i32_1 = arith.constant 0 : i32
    return %c0_i32, %c0_i32_0 : i32, i32
  }
  func.func @transform_6(%arg0: i32) -> (i32, i32) {
    %c0_i32 = arith.constant 0 : i32
    %c0_i32_0 = arith.constant 0 : i32
    %c0_i32_1 = arith.constant 0 : i32
    return %c0_i32, %c0_i32_0 : i32, i32
  }
  func.func @transform_7(%arg0: i32) -> (i32, i32) {
    %c0_i32 = arith.constant 0 : i32
    %c0_i32_0 = arith.constant 0 : i32
    %c0_i32_1 = arith.constant 0 : i32
    return %c0_i32, %c0_i32_0 : i32, i32
  }
  func.func @transform_8(%arg0: i32) -> (i32, i32) {
    %c0_i32 = arith.constant 0 : i32
    %c0_i32_0 = arith.constant 0 : i32
    %c0_i32_1 = arith.constant 0 : i32
    return %c0_i32, %c0_i32_0 : i32, i32
  }
  func.func @transform_9(%arg0: i32) -> (i32, i32) {
    %c0_i32 = arith.constant 0 : i32
    %c0_i32_0 = arith.constant 0 : i32
    %c0_i32_1 = arith.constant 0 : i32
    return %c0_i32, %c0_i32_0 : i32, i32
  }
  func.func @transform_10(%arg0: i32) -> (i32, i32) {
    %c0_i32 = arith.constant 0 : i32
    %c0_i32_0 = arith.constant 0 : i32
    %c0_i32_1 = arith.constant 0 : i32
    return %c0_i32, %c0_i32_0 : i32, i32
  }
  func.func @transform_11(%arg0: i32) -> (i32, i32) {
    %c0_i32 = arith.constant 0 : i32
    %c0_i32_0 = arith.constant 0 : i32
    %c0_i32_1 = arith.constant 0 : i32
    return %c0_i32, %c0_i32_0 : i32, i32
  }
  func.func @transform_12(%arg0: i32) -> (i32, i32) {
    %c0_i32 = arith.constant 0 : i32
    %c0_i32_0 = arith.constant 0 : i32
    %c0_i32_1 = arith.constant 0 : i32
    return %c0_i32, %c0_i32_0 : i32, i32
  }
  func.func @transform_13(%arg0: i32) -> (i32, i32) {
    %c0_i32 = arith.constant 0 : i32
    %c0_i32_0 = arith.constant 0 : i32
    %c0_i32_1 = arith.constant 0 : i32
    return %c0_i32, %c0_i32_0 : i32, i32
  }
  func.func @transform_14(%arg0: i32) -> (i32, i32) {
    %c0_i32 = arith.constant 0 : i32
    %c0_i32_0 = arith.constant 0 : i32
    %c0_i32_1 = arith.constant 0 : i32
    return %c0_i32, %c0_i32_0 : i32, i32
  }
  func.func @transform_15(%arg0: i32) -> (i32, i32) {
    %c0_i32 = arith.constant 0 : i32
    %c0_i32_0 = arith.constant 0 : i32
    %c0_i32_1 = arith.constant 0 : i32
    return %c0_i32, %c0_i32_0 : i32, i32
  }
  func.func @transform_16(%arg0: i32) -> (i32, i32) {
    %c0_i32 = arith.constant 0 : i32
    %c0_i32_0 = arith.constant 0 : i32
    %c0_i32_1 = arith.constant 0 : i32
    return %c0_i32, %c0_i32_0 : i32, i32
  }
  func.func @transform_17(%arg0: i32) -> (i32, i32) {
    %c0_i32 = arith.constant 0 : i32
    %c0_i32_0 = arith.constant 0 : i32
    %c0_i32_1 = arith.constant 0 : i32
    return %c0_i32, %c0_i32_0 : i32, i32
  }
  func.func @transform_18(%arg0: i32) -> (i32, i32) {
    %c0_i32 = arith.constant 0 : i32
    %c0_i32_0 = arith.constant 0 : i32
    %c0_i32_1 = arith.constant 0 : i32
    return %c0_i32, %c0_i32_0 : i32, i32
  }
  func.func @transform_19(%arg0: i32) -> (i32, i32) {
    %c0_i32 = arith.constant 0 : i32
    %c0_i32_0 = arith.constant 0 : i32
    %c0_i32_1 = arith.constant 0 : i32
    return %c0_i32, %c0_i32_0 : i32, i32
  }
  func.func @transform_20(%arg0: i32) -> (i32, i32) {
    %c0_i32 = arith.constant 0 : i32
    %c0_i32_0 = arith.constant 0 : i32
    %c0_i32_1 = arith.constant 0 : i32
    return %c0_i32, %c0_i32_0 : i32, i32
  }
  func.func @transform_21(%arg0: i32) -> (i32, i32) {
    %c0_i32 = arith.constant 0 : i32
    %c0_i32_0 = arith.constant 0 : i32
    return %arg0, %c0_i32 : i32, i32
  }
}

</mosaic_0001>

<sc_bundles>
// kernel: kernel.6.cloned.1.call-start
scs
__scs_entry_jumppad:
0x0: {  	(pc) =	sbr.rel $0x88, $3  }
0x1: {  	(tag) =	ssettag $0x0;
	lr =	simm.s32 $0x1  }
0x2: {  	[smem:$0x3F8A] =	sst lr;
	_ =	strace $0xD0000000  }
0x3: {  	_ = 	snop  }
0x4: {  	_ = 	snop  }
0x5: {  	_ = 	snop  }
0x6: {  	_ = 	snop  }
0x7: {  	_ = 	snop  }
__scs_overlays_trampoline_lowered:
0x8: {  	[smem:$0x3F99] =	sst s0  }
0x9: {  	[smem:$0x3F9A] =	sst s1  }
0xa: {  	[smem:$0x3F9B] =	sst s2  }
0xb: {  	[smem:$0x3F9C] =	sst s3  }
0xc: {  	[smem:$0x3F9D] =	sst s4  }
0xd: {  	[smem:$0x3F9E] =	sst s5  }
0xe: {  	[smem:$0x3F9F] =	sst s6  }
0xf: {  	[smem:$0x3FA0] =	sst s7  }
0x10: {  	[smem:$0x3FA1] =	sst s8  }
0x11: {  	[smem:$0x3FA2] =	sst s9;
	s0 =	simm.s32 @!p0 $0x0  }
0x12: {  	s1 =	sld [smem:$0x3F88];
	s0 =	simm.s32 @p0 $0x1  }
0x13: {  	[smem:$0x3FA3] =	sst s0;
	s0 =	simm.s32 @!p1 $0x0  }
0x14: {  	s2 =	sld [smem:$0x3F87];
	s0 =	simm.s32 @p1 $0x1  }
0x15: {  	[smem:$0x3FA4] =	sst s0;
	s0 =	simm.s32 @!p2 $0x0  }
0x16: {  	s3 =	sld [smem:$0x3FDB];
	s0 =	simm.s32 @p2 $0x1  }
0x17: {  	s4 =	simm.s32 $0x1BF5;
	[smem:$0x3FA6] =	sst s0  }
0x18: {  	s0 =	sld [smem:$0x3F89];
	_ =	swait.ge [sflag:s4], $0x0  }
0x19: {  	s7 =	sld [smem:$0x3F8A]  }
0x1a: {  	s8 =	sadd.s32 $0xFFFFE003, lr  }
0x1b: {  	s9 =	sadd.s32 $0xFFFFFEF7, lr;
	s5 =	simm.s32 $0xFFFFFFFF;
	p2 =	slt.u32 s8, $0xFFFFF086  }
0x1c: {  	p1 =	slt.u32 s9, $0xF7A;
	s5 =	simm.s32 @!p2 $0x0  }
0x1d: {  	s5 =	simm.s32 @p1 $0x1;
	p0 =	seq.s32 s7, s2  }
0x1e: {  	s7 =	smul.u32 @!p0 $0xF7A, s2;
	p2 =	seq.s32 @!p0 s5, $0x0  }
0x1f: {  	s9 =	smul.u32 $0xF7A, s1;
	s8 =	simm.s32 @!p0 $0x1BF5;
	p2 =	por !p2, p0  }
0x20: {  	[sflag:s8] =	ssyncset.s32 @!p0 $0xFFFFF086;
	s6 =	sadd.s32 @!p0 s3, s7;
	s7 =	simm.s32 @!p0 $0x108  }
0x21: {  	s3 =	sadd.s32 s3, s9;
	s6 =	sadd.s32 @!p0 $0x88, s6;
	s7 =	simm.s32 @p2 $0x1082  }
0x22: {  	[simem:s7], [sflag:s8] =	dma.local @!p0 [hbm:s6], $0xF7A  }
0x23: {  	s9 =	sor.u32 $0xD0000000, s2;
	s6 =	simm.s32 $0x108;
	_ =	swait.ge @!p0 [sflag:s8], $0x0  }
0x24: {  	s3 =	sadd.s32 $0x88, s3;
	s6 =	simm.s32 @!p1 $0x1082;
	[sflag:s4] =	ssyncset.s32 $0xFFFFF086  }
0x25: {  	[simem:s6], [sflag:s4] =	dma.local [hbm:s3], $0xF7A  }
0x26: {  	[smem:$0x3F8A] =	sst s1;
	(tag) =	ssettag s2;
	_ =	strace s9  }
0x27: {  	s1 =	sld [smem:$0x3F9A]  }
0x28: {  	s2 =	sld [smem:$0x3F9B]  }
0x29: {  	s4 =	sld [smem:$0x3F9D]  }
0x2a: {  	p0 =	seq.s32 s5, $0x0;
	s5 =	sld [smem:$0x3F9E]  }
0x2b: {  	s6 =	sld [smem:$0x3F9F]  }
0x2c: {  	s7 =	sld [smem:$0x3FA0]  }
0x2d: {  	s3 =	simm.s32 $0x108;
	s8 =	sld [smem:$0x3FA1]  }
0x2e: {  	s3 =	simm.s32 @!p0 $0x1082;
	s9 =	sld [smem:$0x3FA2]  }
0x2f: {  	lr =	sadd.s32 s0, s3;
	s0 =	sld [smem:$0x3F99]  }
0x30: {  	s3 =	sld [smem:$0x3F9C]  }
0x31: {  	[smem:$0x3FA5] =	sst s10  }
0x32: {  	s10 =	sld [smem:$0x3FA3];
	_ =	sdelay $0x3  }
0x33: {  	p0 =	seq.s32 s10, $0x1;
	s10 =	sld [smem:$0x3FA5];
	_ =	sdelay $0x3  }
0x34: {  	[smem:$0x3FA5] =	sst s10  }
0x35: {  	s10 =	sld [smem:$0x3FA4];
	_ =	sdelay $0x3  }
0x36: {  	p1 =	seq.s32 s10, $0x1;
	s10 =	sld [smem:$0x3FA5];
	_ =	sdelay $0x3  }
0x37: {  	[smem:$0x3FA5] =	sst s10  }
0x38: {  	s10 =	sld [smem:$0x3FA6]  }
0x39: {  	_ = 	snop;
	(pc) =	sbr.ind lr, $3  }
0x3a: {  	_ = 	snop  }
0x3b: {  	_ = 	snop  }
0x3c: {  	p2 =	seq.s32 s10, $0x1;
	s10 =	sld [smem:$0x3FA5]  }
0x3d: {  	_ =	shalt  }
0x3e: {  	_ =	shalt  }
0x3f: {  	_ =	shalt  }
0x40: {  	_ =	shalt  }
0x41: {  	_ =	shalt  }
0x42: {  	_ =	shalt  }
0x43: {  	_ =	shalt  }
0x44: {  	_ =	shalt  }
0x45: {  	_ =	shalt  }
0x46: {  	_ =	shalt  }
0x47: {  	_ =	shalt  }
0x48: {  	_ =	shalt  }
0x49: {  	_ =	shalt  }
0x4a: {  	_ =	shalt  }
0x4b: {  	_ =	shalt  }
0x4c: {  	_ =	shalt  }
0x4d: {  	_ =	shalt  }
0x4e: {  	_ =	shalt  }
0x4f: {  	_ =	shalt  }
0x50: {  	_ =	shalt  }
0x51: {  	_ =	shalt  }
0x52: {  	_ =	shalt  }
0x53: {  	_ =	shalt  }
0x54: {  	_ =	shalt  }
0x55: {  	_ =	shalt  }
0x56: {  	_ =	shalt  }
0x57: {  	_ =	shalt  }
0x58: {  	_ =	shalt  }
0x59: {  	_ =	shalt  }
0x5a: {  	_ =	shalt  }
0x5b: {  	_ =	shalt  }
0x5c: {  	_ =	shalt  }
0x5d: {  	_ =	shalt  }
0x5e: {  	_ =	shalt  }
0x5f: {  	_ =	shalt  }
0x60: {  	_ =	shalt  }
0x61: {  	_ =	shalt  }
0x62: {  	_ =	shalt  }
0x63: {  	_ =	shalt  }
0x64: {  	_ =	shalt  }
0x65: {  	_ =	shalt  }
0x66: {  	_ =	shalt  }
0x67: {  	_ =	shalt  }
0x68: {  	_ =	shalt  }
0x69: {  	_ =	shalt  }
0x6a: {  	_ =	shalt  }
0x6b: {  	_ =	shalt  }
0x6c: {  	_ =	shalt  }
0x6d: {  	_ =	shalt  }
0x6e: {  	_ =	shalt  }
0x6f: {  	_ =	shalt  }
0x70: {  	_ =	shalt  }
0x71: {  	_ =	shalt  }
0x72: {  	_ =	shalt  }
0x73: {  	_ =	shalt  }
0x74: {  	_ =	shalt  }
0x75: {  	_ =	shalt  }
0x76: {  	_ =	shalt  }
0x77: {  	_ =	shalt  }
0x78: {  	_ =	shalt  }
0x79: {  	_ =	shalt  }
0x7a: {  	_ =	shalt  }
0x7b: {  	_ =	shalt  }
0x7c: {  	_ =	shalt  }
0x7d: {  	_ =	shalt  }
0x7e: {  	_ =	shalt  }
0x7f: {  	_ =	shalt  }
0x80: {  	_ =	shalt  }
0x81: {  	_ =	shalt  }
0x82: {  	_ =	shalt  }
0x83: {  	_ =	shalt  }
0x84: {  	_ =	shalt  }
0x85: {  	_ =	shalt  }
0x86: {  	_ =	shalt  }
0x87: {  	_ =	shalt  }
.Lfunc_end0:
.L_simem_size_0:
called_computation_lowered:
.L_overlay_start_0:
0x88: {  	s2 =	sld [smem:$0x3FD9]  }
0x89: {  	s3 =	sld [smem:$0x3FFE];
	_ =	sdelay $0x1  }
0x8a: {  	s1 =	srdreg.scid  }
0x8b: {  	s0 =	sand.u32 $0x1, s1  }
0x8c: {  	s16 =	sshll.u32 s0, $0xA;
	s2 =	sadd.s32 s3, s2  }
0x8d: {  	s2 =	sadd.s32 s2, s16  }
0x8e: {  	[smem:$0x3FB1] =	sst s2  }
0x8f: {  	_ = 	snop  }
0x90: {  	(tm) =	ssettm $0x1  }
0x91: {  	s17 =	sld [smem:$0x3FFB];
	_ =	sdelay $0x3  }
0x92: {  	_ =	strace s17  }
0x93: {  	s2 =	sld [smem:$0x3FFC];
	_ =	sdelay $0x3  }
0x94: {  	_ =	strace s2  }
0x95: {  	s2 =	sld [smem:$0x3FFD];
	_ =	sdelay $0x3  }
0x96: {  	_ =	strace s2  }
0x97: {  	_ =	strace $0x8FFFFFFF  }
0x98: {  	s18 =	sld [smem:$0x3FDB];
	_ =	sdelay $0x1  }
0x99: {  	s19 =	simm.s32 $_scs_section_size  }
0x9a: {  	s4 =	simm.s32 $_size__tile_overlayer_lowered;
	s5 =	simm.s32 $_tile_overlayer_lowered  }
0x9b: {  	s22 =	simm.s32 $0x1BFF;
	s21 =	sshll.u32 s5, $0x1;
	s2 =	sadd.s32 s19, s18  }
0x9c: {  	s6 =	simm.s32 $0x0;
	s20 =	sshll.u32 s4, $0x1;
	s4 =	sadd.s32 s21, s2  }
0x9d: {  	[timem:s6], [sflag:s22] =	dma.local [hbm:s4], s20  }
0x9e: {  	_ =	swait.ge [sflag:s22], s20  }
0x9f: {  	s3 =	ssub.s32 $0x0, s20;
	[sflag:s22] =	ssyncset.done $0x0  }
0xa0: {  	[sflag:s22] =	ssyncadd.s32 s3;
	_ =	sdelay $0x1  }
0xa1: {  	s23 =	simm.s32 $0x1B8B  }
0xa2: {  	_ =	swait.ge [sflag:s23], $0x1  }
0xa3: {  	[sflag:s23] =	ssyncset.done $0x0  }
0xa4: {  	s25 =	simm.s32 $0x1B8E;
	s24 =	sld [smem:$0x3FFE];
	[sflag:s23] =	ssyncadd.s32 $0xFFFFFFFF  }
0xa5: {  	s26 =	simm.s32 $execute0_lowered;
	[smem:$0x3FD2] =	sst s25  }
0xa6: {  	s4 =	sshll.u32 s26, $0x1;
	_ =	strace $0x80000046;
	[dreg:$0x1] =	wrdreg $0xFFFFFFFF  }
0xa7: {  	s28 =	simm.s32 $_size_execute0_lowered;
	s2 =	sadd.s32 s2, s4;
	[dreg:$0x0] =	wrdreg $0x0  }
0xa8: {  	s4 =	sshll.u32 s28, $0x1;
	[dreg:$0x2] =	wrdreg s2  }
0xa9: {  	[dreg:$0x3] =	wrdreg s4  }
0xaa: {  	[dreg:$0x4] =	wrdreg $0xC0  }
0xab: {  	_ =	task [dreg:s6], $0x5FFFF  }
0xac: {  	[dreg:$0x1] =	wrdreg $0xFFFFFFFF  }
0xad: {  	[dreg:$0x0] =	wrdreg $0x60  }
0xae: {  	[dreg:$0x2] =	wrdreg s24  }
0xaf: {  	[dreg:$0x3] =	wrdreg $0xC3800  }
0xb0: {  	[dreg:$0x4] =	wrdreg $0x9  }
0xb1: {  	_ =	task.clear_ibuf [dreg:s6], $0x5FFFF;
	_ =	strace $0x90000046  }
0xb2: {  	s29 =	simm.s32 $0x9;
	_ =	strace $0x80000048  }
0xb3: {  	_ =	swait.ge [sflag:s29], $0x1  }
0xb4: {  	[sflag:s29] =	ssyncadd.s32 $0xFFFFFFFF  }
0xb5: {  	_ =	strace $0x90000048  }
0xb6: {  	_ =	sfence  }
0xb7: {  	s30 =	sld [smem:$0x0];
	_ =	sdelay $0x2  }
0xb8: {  	s31 =	sshll.u32 s1, $0xD;
	s1 =	sshrl.u32 s1, $0x2  }
0xb9: {  	s3 =	sand.u32 $0x4000, s31;
	s1 =	sadd.s32 s1, s30  }
0xba: {  	s0 =	sor.u32 s3, s0;
	s1 =	sshll.u32 s1, $0x11  }
0xbb: {  	s0 =	sor.u32 s1, s0  }
0xbc: {  	s0 =	sadd.s32 $0x8F2B, s0  }
0xbd: {  	[sflag:s0] =	ssyncadd.remote.s32 $0x1  }
0xbe: {  	_ =	sfence.sel $0xFFFF  }
0xbf: {  	[dreg:$0x0] =	wrdreg $0xFFFFFFFF;
	(pc) =	sbr.abs _section_cstart, $3  }
0xc0: {  	[dreg:$0x1] =	wrdreg $0xFFFFFFFF  }
0xc1: {  	_ =	task.clear_ibuf [dreg:s6], $0x2FFFF;
	_ =	strace $0x9FFFFFFF  }
0xc2: {  	(tm) =	ssettm $0x7FFFFFFF  }
0xc3: {  	_ =	shalt  }
tec
execute0_lowered:
.L_overlay_start_1:
0x0: {  	(tag) =	ssettag $0x1  }
0x1: {  	s0 =	rddreg [dreg:$0x0]  }
0x2: {  	s2 =	rddreg [dreg:$0x1];
	s1 =	srdreg.scid;
	s3 =	simm.s32 $0x0  }
0x3: {  	s11 =	stileid.u32;
	s30 =	simm.s32 $0x4180;
	s31 =	simm.s32 $0x4280  }
0x4: {  	s28 =	simm.s32 $0x8380;
	s29 =	simm.s32 $0x2;
	s1 =	sand.u32 $0x1, s1  }
0x5: {  	[smem:$0x7FF] =	sst s3;
	s4 =	sshll.u32 s11, $0x8;
	s6 =	sadd.s32 $0x4E00, s0  }
0x6: {  	s9 =	sadd.s32 $0x4A00, s0;
	s12 =	sshll.u32 s11, $0xD;
	s7 =	sadd.s32 $0x25A00, s0  }
0x7: {  	s8 =	sadd.s32 $0x25C00, s0;
	_ =	strace $0x80000047;
	[dreg:$0x3] =	wrdreg s6  }
0x8: {  	s14 =	sshll.u32 s11, $0x10;
	s16 =	sshll.u32 s11, $0x6;
	[dreg:$0x4] =	wrdreg s9  }
0x9: {  	s11 =	simm.s32 $0x0;
	s5 =	sshll.u32 s1, $0x7;
	[dreg:$0x5] =	wrdreg s7  }
0xa: {  	s6 =	sadd.s32 s12, s0;
	s9 =	sadd.s32 $0x35C00, s0;
	s1 =	ssub.s32 $0x2, s1  }
0xb: {  	s15 =	sadd.s32 s14, s2;
	s17 =	sor.u32 $0x1C05, s16;
	s7 =	simm.s32 $0x4  }
0xc: {  	s5 =	sor.u32 s5, s4;
	s13 =	sshrl.u32 s1, $0x1;
	s6 =	sadd.s32 $0x5A00, s6  }
0xd: {  	[dreg:$0x7] =	wrdreg s17;
	s26 =	sshrl.u32 s15, $0x3;
	s10 =	sshrl.u32 s5, $0x3  }
0xe: {  	[dreg:$0x6] =	wrdreg s6;
	s18 =	sshll.u32 s5, $0x4;
	s23 =	sshll.u32 s5, $0xB  }
0xf: {  	[dreg:$0x10] =	wrdreg s26;
	s26 =	simm.s32 $0x4200;
	s6 =	simm.s32 $0x1  }
0x10: {  	s4 =	sadd.s32 s10, s0;
	s10 =	sadd.s32 $0x45C00, s0;
	s20 =	sadd.s32 s8, s18  }
0x11: {  	s0 =	ssub.s32 s1, s13;
	s21 =	sadd.s32 s9, s18;
	[dreg:$0xa] =	wrdreg s20  }
0x12: {  	s22 =	sor.u32 $0x10, s18;
	s19 =	sadd.s32 $0x4800, s4;
	[dreg:$0xb] =	wrdreg s21  }
0x13: {  	s1 =	simm.s32 $0x80;
	s4 =	sadd.s32 $0x4600, s4;
	[dreg:$0x8] =	wrdreg s19  }
0x14: {  	s24 =	sadd.s32 s8, s22;
	s20 =	sadd.s32 $0x3FFFF, s5;
	[dreg:$0x9] =	wrdreg s4  }
0x15: {  	s0 =	smax.u32 s0, $0x1;
	[dreg:$0xc] =	wrdreg s24;
	s4 =	sadd.s32 s9, s22  }
0x16: {  	s19 =	sadd.s32 s10, s23;
	[dreg:$0xf] =	wrdreg s0;
	s24 =	simm.s32 $0x5  }
0x17: {  	v0 =	vimm.f32 $1.000000000e+09;
	vm0 =	vmmov $0x1;
	s0 =	simm.s32 $0x4300;
	[dreg:$0xd] =	wrdreg s4;
	s25 =	sadd.s32 $0x3F800, s19  }
0x18: {  	v1 =	vimm.s32 $0x0;
	v2 =	vlaneseq.u32;
	vm1 =	vcmask $0x308;
	s4 =	simm.s32 $0x3;
	[dreg:$0xe] =	wrdreg s25;
	s25 =	simm.s32 $0x4380  }
.LBB2_1:
0x19: {  	s12 =	rddreg [dreg:$0x6]  }
0x1a: {  	s13 =	rddreg [dreg:$0x7]  }
0x1b: {  	s14 =	rddreg [dreg:$0x10]  }
0x1c: {  	[spmem:s14], [sflag:s13] =	dma.local [hbm:s12], $0x2000  }
0x1d: {  	_ =	swait.ge [sflag:s24], $0x2000  }
0x1e: {  	[sflag:s24] =	ssyncset.done $0x0  }
0x1f: {  	s15 =	rddreg [dreg:$0x3];
	[sflag:s24] =	ssyncadd.s32 $0xFFFFE000  }
0x20: {  	[tilespmem:s3], [sflag:$0x5] =	stream.linear.gather [hbm4b:s15+s3], $0x2000, $0x38;
	[tilespmem:$0x1C380] =	vst v63  }
0x21: {  	_ =	swait.ge [sflag:s24], $0x2000  }
0x22: {  	[sflag:s24] =	ssyncset.done $0x0  }
0x23: {  	s17 =	simm.s32 $0x2000;
	s16 =	rddreg [dreg:$0x4];
	[sflag:s24] =	ssyncadd.s32 $0xFFFFE000  }
0x24: {  	[tilespmem:s17], [sflag:$0x5] =	stream.linear.gather [hbm4b:s16+s3], $0x2000, $0x38;
	[tilespmem:$0x1C380] =	vst v63  }
0x25: {  	_ =	swait.ge [sflag:s24], $0x2000  }
0x26: {  	[sflag:s24] =	ssyncset.done $0x0  }
0x27: {  	s21 =	simm.s32 $0x4000;
	s18 =	rddreg [dreg:$0x8];
	[sflag:s24] =	ssyncadd.s32 $0xFFFFE000  }
0x28: {  	[tilespmem:s21], [sflag:$0x5] =	stream.linear.gather [hbm4b:s18+s3], $0x80, $0x38;
	[tilespmem:$0x1C380] =	vst v63  }
0x29: {  	_ =	swait.ge [sflag:s24], $0x80  }
0x2a: {  	[sflag:s24] =	ssyncset.done $0x0  }
0x2b: {  	s23 =	simm.s32 $0x4080;
	s22 =	rddreg [dreg:$0x9];
	[sflag:s24] =	ssyncadd.s32 $0xFFFFFF80  }
0x2c: {  	[tilespmem:s23], [sflag:$0x5] =	stream.linear.gather [hbm4b:s22+s3], $0x80, $0x38;
	[tilespmem:$0x1C380] =	vst v63  }
0x2d: {  	_ =	swait.ge [sflag:s24], $0x80  }
0x2e: {  	[sflag:s24] =	ssyncset.done $0x0  }
0x2f: {  	s15 =	simm.s32 $0x4100;
	s14 =	rddreg [dreg:$0x5];
	[sflag:s24] =	ssyncadd.s32 $0xFFFFFF80  }
0x30: {  	[tilespmem:s15], [sflag:$0x5] =	stream.linear.gather [hbm4b:s14+s3], $0x80, $0x38;
	[tilespmem:$0x1C380] =	vst v63  }
0x31: {  	_ =	swait.ge [sflag:s24], $0x80  }
0x32: {  	[sflag:s24] =	ssyncset.done $0x0  }
0x33: {  	[sflag:s24] =	ssyncadd.s32 $0xFFFFFF80  }
0x34: {  	[bflag:$0x0] =	sbarrier.arrive $0xFFFF  }
0x35: {  	[tilespmem:$0x4180] =	vst v1  }
0x36: {  	[tilespmem:$0x4280] =	vst v0  }
0x37: {  	[tilespmem:$0x4190] =	vst v1  }
0x38: {  	[tilespmem:$0x4290] =	vst v0  }
0x39: {  	[tilespmem:$0x41A0] =	vst v1;
	v3 =	vld [tilespmem:$0x4000]  }
0x3a: {  	[tilespmem:$0x42A0] =	vst v0;
	v4 =	vld [tilespmem:$0x4080]  }
0x3b: {  	[tilespmem:$0x41B0] =	vst v1  }
0x3c: {  	[tilespmem:$0x42B0] =	vst v0  }
0x3d: {  	[tilespmem:$0x41C0] =	vst v1  }
0x3e: {  	[tilespmem:$0x42C0] =	vst v0;
	v3 =	vnsel vm0, $0x0, v3  }
0x3f: {  	[tilespmem:$0x41D0] =	vst v1;
	(xrf2) =	vadd.scan.msk.f32 $0xffff, v3;
	v3 =	vnsel vm0, $0x0, v4  }
0x40: {  	[tilespmem:$0x42D0] =	vst v0;
	(xrf2) =	vadd.scan.msk.f32 $0xffff, v3  }
0x41: {  	[tilespmem:$0x41E0] =	vst v1  }
0x42: {  	[tilespmem:$0x42E0] =	vst v0  }
0x43: {  	[tilespmem:$0x41F0] =	vst v1  }
0x44: {  	s17 =	simm.s32 $0x2020;
	[tilespmem:$0x42F0] =	vst v0  }
0x45: {  	s16 =	simm.s32 $0x20;
	v6 =	vld [tilespmem:s17+$0xFFFFFFE0]  }
0x46: {  	v7 =	vld [tilespmem:s16+$0xFFFFFFF0]  }
0x47: {  	v8 =	vld [tilespmem:s17+$0xFFFFFFF0]  }
0x48: {  	v3 =	vld [tilespmem:s16+$0xFFFFFFE0]  }
0x49: {  	v9 =	vld [tilespmem:s16+$0x0];
	v4, _, _ =	vpop (xrf2)  }
0x4a: {  	v10 =	vld [tilespmem:s17+$0x0];
	v5, _, _ =	vpop (xrf2)  }
0x4b: {  	v12 =	vld [tilespmem:s17+$0x10];
	v4 =	vbroadcast v4, $0xF;
	v5 =	vbroadcast v5, $0xF;
	_ =	sdelay $0x1  }
0x4c: {  	v11 =	vld [tilespmem:s16+$0x10];
	v23 =	vsub.f32 v4, v3;
	v21 =	vsub.f32 v5, v6  }
0x4d: {  	v19 =	vsub.f32 v4, v7;
	v3 =	vld [tilespmem:$0x4100];
	v17 =	vsub.f32 v4, v9  }
0x4e: {  	v18 =	vsub.f32 v5, v8;
	v7 =	vmul.f32 v23, v23;
	v8 =	vmul.f32 v21, v21  }
0x4f: {  	v15 =	vsub.f32 v5, v10;
	v6 =	vsub.f32 v5, v12  }
0x50: {  	v9 =	vmul.f32 v19, v19;
	v10 =	vmul.f32 v18, v18;
	v7 =	vadd.f32 v8, v7  }
0x51: {  	v16 =	vsub.f32 v4, v11;
	v11 =	vmul.f32 v15, v15;
	v8 =	vmul.f32 v17, v17  }
0x52: {  	v12 =	vmul.f32 v6, v6;
	v9 =	vadd.f32 v10, v9;
	vm4 =	vle.f32 v7, v3  }
0x53: {  	v10 =	vmul.f32 v16, v16;
	v7 =	vadd.f32 v11, v8;
	v8 =	vsel vm4, $0x1, v1  }
0x54: {  	vm2 =	vle.f32 v9, v3;
	(xrf0) =	vadd.scan.msk.s32 $0xffff, v8  }
0x55: {  	v9 =	vadd.f32 v12, v10;
	vm5 =	vle.f32 v7, v3;
	v7 =	vsel vm2, $0x1, v1  }
0x56: {  	s18 =	simm.s32 $0x60;
	v8 =	vsel vm5, $0x1, v1;
	(xrf0) =	vadd.scan.msk.s32 $0xffff, v7;
	v7 =	vmpcnt.ones.xlane vm4  }
0x57: {  	v14 =	vld [tilespmem:s18+$0xFFFFFFF0];
	vm3 =	vle.f32 v9, v3;
	(xrf0) =	vadd.scan.msk.s32 $0xffff, v8;
	v8 =	vmpcnt.ones.xlane vm2  }
0x58: {  	v9 =	vsel vm3, $0x1, v1;
	v10 =	vmpcnt.ones.xlane vm5;
	v7 =	vadd.s32 v1, v7  }
0x59: {  	v11 =	vmpcnt.ones.xlane vm3;
	(xrf0) =	vadd.scan.msk.s32 $0xffff, v9;
	v9 =	vld [tilespmem:s18+$0xFFFFFFE0];
	v8 =	vadd.s32 v7, v8  }
0x5a: {  	s21 =	simm.s32 $0x2060;
	v27 =	vld [tilespmem:s18+$0x10];
	v10 =	vadd.s32 v8, v10;
	v13, _, _ =	vpop (xrf0)  }
0x5b: {  	v28 =	vld [tilespmem:s21+$0x10];
	v24 =	vadd.s32 v10, v11;
	v11 =	vadd.s32 v13, v1  }
0x5c: {  	v14 =	vsub.f32 v4, v14;
	v12 =	vld [tilespmem:s21+$0xFFFFFFE0];
	v13, _, _ =	vpop (xrf0);
	v11 =	vadd.s32 $0xFFFFFFFF, v11  }
0x5d: {  	v20 =	vld [tilespmem:s21+$0xFFFFFFF0];
	vm4 =	vmmov vm4;
	v7 =	vadd.s32 v13, v7;
	v13, _, _ =	vpop (xrf0);
	vm6 =	vgt.s32 v11, $0x0  }
0x5e: {  	v25 =	vld [tilespmem:s21+$0x0];
	v7 =	vadd.s32 $0xFFFFFFFF, v7;
	v8 =	vadd.s32 v13, v8;
	v13 =	vsub.f32 v4, v9  }
0x5f: {  	v22 =	vld [tilespmem:s18+$0x0];
	v26 =	vnsel vm6, $0x0, v11;
	vm6 =	vgt.s32 v7, $0x0;
	v8 =	vadd.s32 $0xFFFFFFFF, v8  }
0x60: {  	v9 =	vsub.f32 v4, v27;
	v11, _, _ =	vpop (xrf0);
	v29 =	vnsel vm6, $0x0, v7;
	vm6 =	vgt.s32 v8, $0x0  }
0x61: {  	v7 =	vsub.f32 v5, v28;
	v10 =	vadd.s32 v11, v10;
	v11 =	vsub.f32 v5, v12  }
0x62: {  	v12 =	vsub.f32 v5, v20;
	v31 =	vnsel vm6, $0x0, v8;
	v20 =	vmul.f32 v13, v13  }
0x63: {  	v30 =	vadd.s32 $0xFFFFFFFF, v10;
	v10 =	vsub.f32 v5, v25;
	v25 =	vmul.f32 v14, v14  }
0x64: {  	v8 =	vsub.f32 v4, v22;
	v22 =	vmul.f32 v11, v11;
	v27 =	vmul.f32 v12, v12  }
0x65: {  	v32 =	vmul.f32 v7, v7;
	vm7 =	vgt.s32 v30, $0x0;
	v28 =	vmul.f32 v10, v10  }
0x66: {  	v20 =	vadd.f32 v22, v20;
	v22 =	vmul.f32 v8, v8;
	v25 =	vadd.f32 v27, v25  }
0x67: {  	v30 =	vnsel vm7, $0x0, v30;
	vm7 =	vmmov vm2;
	v27 =	vmul.f32 v9, v9  }
0x68: {  	vm9 =	vle.f32 v20, v3;
	v20 =	vadd.f32 v28, v22;
	vm2 =	vle.f32 v25, v3  }
0x69: {  	v25 =	vadd.f32 v32, v27;
	v22 =	vmpcnt.ones.xlane vm9;
	v27 =	vsel vm9, $0x1, v1  }
0x6a: {  	vm5 =	vmmov vm5;
	v26 =	vmin.u32 v26, $0x7F;
	v28 =	vmpcnt.ones.xlane vm2;
	(xrf0) =	vadd.scan.msk.s32 $0xffff, v27  }
0x6b: {  	vm6 =	vle.f32 v20, v3;
	v58 =	vadd.s32 v24, v22;
	v22 =	vsel vm2, $0x1, v1  }
0x6c: {  	vm10 =	vle.f32 v25, v3;
	v25 =	vadd.s32 v58, v28;
	v28 =	vsel vm6, $0x1, v1;
	(xrf0) =	vadd.scan.msk.s32 $0xffff, v22  }
0x6d: {  	vm3 =	vmmov vm3;
	vm8 =	vmmov vm5;
	(xrf0) =	vadd.scan.msk.s32 $0xffff, v28;
	v28 =	vmin.u32 v29, $0x7F  }
0x6e: {  	v31 =	vmin.u32 v31, $0x7F;
	v20 =	vmpcnt.ones.xlane vm6;
	v29 =	vor.u32 s3, v2  }
0x6f: {  	s14 =	simm.s32 $0x20A0;
	vm5 =	vmmov vm6;
	v22 =	vsel vm10, $0x1, v1;
	vm6 =	vmmov vm3;
	[tilespmem:v26+s30+$0x0] =	vst.idx.msk vm4, v29  }
0x70: {  	s13 =	simm.s32 $0xA0;
	s22 =	simm.s32 $0x10;
	v35 =	vld [tilespmem:s14+$0xFFFFFFF0];
	v27 =	vmpcnt.ones.xlane vm10;
	(xrf0) =	vadd.scan.msk.s32 $0xffff, v22;
	v22 =	vmin.u32 v30, $0x7F;
	[tilespmem:v26+s31+$0x0] =	vst.idx.msk vm4, v23;
	v23, _, _ =	vpop (xrf0)  }
0x71: {  	s23 =	simm.s32 $0x30;
	v30 =	vld [tilespmem:s13+$0xFFFFFFE0];
	[tilespmem:v26+s0+$0x0] =	vst.idx.msk vm4, v21;
	v21 =	vadd.s32 v23, v24;
	v23 =	vor.u32 s22, v2  }
0x72: {  	v37 =	vor.u32 s23, v2;
	s15 =	simm.s32 $0x20;
	v60 =	vld [tilespmem:s13+$0x10];
	[tilespmem:v28+s30+$0x0] =	vst.idx.msk vm7, v23  }
0x73: {  	vm3 =	vmmov vm10;
	v33 =	vadd.s32 v25, v20;
	v23 =	vor.u32 s15, v2;
	[tilespmem:v28+s31+$0x0] =	vst.idx.msk vm7, v19  }
0x74: {  	s12 =	simm.s32 $0x40;
	v38 =	vld [tilespmem:s14+$0x0];
	v20 =	vadd.s32 v33, v27;
	vm4 =	vmmov vm9;
	v21 =	vadd.s32 $0xFFFFFFFF, v21;
	v27, _, _ =	vpop (xrf0);
	[tilespmem:v31+s30+$0x0] =	vst.idx.msk vm8, v23  }
0x75: {  	v34 =	vld [tilespmem:s14+$0xFFFFFFE0];
	v24 =	vor.u32 s12, v2;
	vm14 =	vgt.s32 v21, $0x0;
	v27 =	vadd.s32 v27, v58;
	v59, _, _ =	vpop (xrf0);
	[tilespmem:v22+s30+$0x0] =	vst.idx.msk vm6, v37  }
0x76: {  	v26 =	vld [tilespmem:s13+$0xFFFFFFF0];
	v23 =	vsub.f32 v4, v30;
	v29 =	vnsel vm14, $0x0, v21;
	v21 =	vadd.s32 v59, v25;
	[tilespmem:v31+s31+$0x0] =	vst.idx.msk vm8, v17  }
0x77: {  	v36 =	vld [tilespmem:s13+$0x0];
	v19 =	vadd.s32 $0xFFFFFFFF, v27;
	v25, _, _ =	vpop (xrf0);
	v17 =	vsub.f32 v5, v35;
	[tilespmem:v22+s31+$0x0] =	vst.idx.msk vm6, v16;
	v16 =	vsub.f32 v4, v60  }
0x78: {  	[tilespmem:v28+s0+$0x0] =	vst.idx.msk vm7, v18;
	vm7 =	vgt.s32 v19, $0x0;
	v18 =	vadd.s32 $0xFFFFFFFF, v21;
	v21 =	vadd.s32 v25, v33;
	v25 =	vld [tilespmem:s14+$0x10]  }
0x79: {  	[tilespmem:v31+s0+$0x0] =	vst.idx.msk vm8, v15;
	v15 =	vsub.f32 v5, v38;
	v31 =	vmul.f32 v23, v23;
	v27 =	vnsel vm7, $0x0, v19  }
0x7a: {  	vm7 =	vgt.s32 v18, $0x0;
	v28 =	vadd.s32 $0xFFFFFFFF, v21;
	v21 =	vsub.f32 v5, v34  }
0x7b: {  	v19 =	vsub.f32 v4, v26;
	v63 =	vmul.f32 v17, v17;
	vm15 =	vgt.s32 v28, $0x0  }
0x7c: {  	v30 =	vnsel vm7, $0x0, v18;
	v18 =	vsub.f32 v4, v36;
	v61 =	vmul.f32 v21, v21  }
0x7d: {  	v35 =	vmul.f32 v15, v15;
	v62 =	vmul.f32 v19, v19;
	v26 =	vsub.f32 v5, v25  }
0x7e: {  	v28 =	vnsel vm15, $0x0, v28;
	v34 =	vmul.f32 v18, v18;
	v36 =	vadd.f32 v61, v31  }
0x7f: {  	s16 =	simm.s32 $0x8;
	s15 =	simm.s32 $0x40;
	v33 =	vadd.f32 v63, v62;
	v31 =	vmul.f32 v16, v16;
	v25 =	vmovc v20;
	v32 =	vmul.f32 v26, v26  }
.LBB2_2:
0x80: {  	vm9 =	vle.f32 v36, v3;
	v34 =	vadd.f32 v35, v34  }
0x81: {  	s16 =	sadd.s32 $0x4, s16;
	v29 =	vmin.u32 v29, $0x7F;
	[tilespmem:v22+s0+$0x0] =	vst.idx.msk vm6, v6;
	v6 =	vmovc v7;
	v7 =	vmov v26;
	vm7 =	vmmov vm2  }
0x82: {  	p0 =	slt.u32 s16, $0x1FC;
	v22 =	vmpcnt.ones.xlane vm9;
	vm2 =	vle.f32 v33, v3;
	v26 =	vadd.f32 v32, v31  }
0x83: {  	v31 =	vsel vm9, $0x1, v1;
	v32 =	vmpcnt.ones.xlane vm2;
	vm6 =	vle.f32 v34, v3  }
0x84: {  	v33 =	vadd.s32 v20, v22;
	v20 =	vmpcnt.ones.xlane vm6;
	vm10 =	vle.f32 v26, v3;
	(xrf0) =	vadd.scan.msk.s32 $0xffff, v31  }
0x85: {  	v22 =	vsel vm2, $0x1, v1;
	v26 =	vadd.s32 v33, v32;
	v31 =	vmpcnt.ones.xlane vm10  }
0x86: {  	v32 =	vsel vm6, $0x1, v1;
	v35 =	vsel vm10, $0x1, v1;
	v34 =	vadd.s32 v26, v20;
	(xrf0) =	vadd.scan.msk.s32 $0xffff, v22  }
0x87: {  	v27 =	vmin.u32 v27, $0x7F;
	v30 =	vmin.u32 v30, $0x7F;
	v20 =	vadd.s32 v34, v31;
	(xrf0) =	vadd.scan.msk.s32 $0xffff, v32  }
0x88: {  	s13 =	sadd.s32 $0x40, s13;
	vm8 =	vmmov vm5;
	v22 =	vmin.u32 v28, $0x7F;
	(xrf0) =	vadd.scan.msk.s32 $0xffff, v35;
	[tilespmem:v29+s30+$0x0] =	vst.idx.msk vm4, v24  }
0x89: {  	s14 =	sadd.s32 $0x40, s14;
	vm5 =	vmmov vm6;
	vm6 =	vmmov vm3;
	vm3 =	vmmov vm10;
	v28 =	vld [tilespmem:s13+$0xFFFFFFE0];
	[tilespmem:v29+s31+$0x0] =	vst.idx.msk vm4, v13;
	v13 =	vmovc v23  }
0x8a: {  	s17 =	sadd.s32 $0x10, s12;
	v31 =	vld [tilespmem:s14+$0xFFFFFFE0];
	v23, _, _ =	vpop (xrf0);
	[tilespmem:v29+s0+$0x0] =	vst.idx.msk vm4, v11;
	v11 =	vmov v21;
	vm4 =	vmmov vm9  }
0x8b: {  	s12 =	sadd.s32 $0x40, s12;
	v32 =	vld [tilespmem:s13+$0xFFFFFFF0];
	v21 =	vadd.s32 v23, v25;
	v23 =	vor.u32 s17, v2;
	s17 =	sadd.s32 $0x20, s15;
	v25 =	vmov v20  }
0x8c: {  	v24 =	vor.u32 s12, v2;
	v35 =	vld [tilespmem:s14+$0xFFFFFFF0];
	v21 =	vadd.s32 $0xFFFFFFFF, v21;
	v29, _, _ =	vpop (xrf0);
	[tilespmem:v27+s30+$0x0] =	vst.idx.msk vm7, v23;
	v23 =	vor.u32 s17, v2;
	s17 =	sadd.s32 $0x30, s15;
	s15 =	smov.u32 s12  }
0x8d: {  	v36 =	vld [tilespmem:s13+$0x0];
	vm9 =	vgt.s32 v21, $0x0;
	v33 =	vadd.s32 v29, v33;
	v37, _, _ =	vpop (xrf0);
	[tilespmem:v27+s31+$0x0] =	vst.idx.msk vm7, v14;
	v38 =	vor.u32 s17, v2  }
0x8e: {  	v39 =	vld [tilespmem:s14+$0x0];
	v29 =	vnsel vm9, $0x0, v21;
	v21 =	vadd.s32 $0xFFFFFFFF, v33;
	v40 =	vadd.s32 v37, v26;
	v26, _, _ =	vpop (xrf0);
	[tilespmem:v27+s0+$0x0] =	vst.idx.msk vm7, v12  }
0x8f: {  	v14 =	vmovc v19;
	v33 =	vld [tilespmem:s13+$0x10];
	vm7 =	vgt.s32 v21, $0x0;
	v37 =	vadd.s32 $0xFFFFFFFF, v40;
	v40 =	vadd.s32 v26, v34;
	[tilespmem:v30+s30+$0x0] =	vst.idx.msk vm8, v23  }
0x90: {  	v12 =	vmovc v17;
	v26 =	vld [tilespmem:s14+$0x10];
	v27 =	vnsel vm7, $0x0, v21;
	vm7 =	vgt.s32 v37, $0x0;
	v34 =	vadd.s32 $0xFFFFFFFF, v40;
	[tilespmem:v30+s31+$0x0] =	vst.idx.msk vm8, v8;
	v8 =	vmovc v18  }
0x91: {  	v23 =	vsub.f32 v4, v28;
	v21 =	vsub.f32 v5, v31;
	vm9 =	vgt.s32 v34, $0x0;
	[tilespmem:v30+s0+$0x0] =	vst.idx.msk vm8, v10  }
0x92: {  	v19 =	vsub.f32 v4, v32;
	v17 =	vsub.f32 v5, v35;
	v30 =	vnsel vm7, $0x0, v37;
	[tilespmem:v22+s30+$0x0] =	vst.idx.msk vm6, v38  }
.Ltmp0:
0x93: {  	v18 =	vsub.f32 v4, v36;
	v28 =	vnsel vm9, $0x0, v34;
	v31 =	vsub.f32 v5, v39;
	[tilespmem:v22+s31+$0x0] =	vst.idx.msk vm6, v9;
	(pc) =	sbr.rel @p0 .LBB2_2-.Ltmp0, $4  }
0x94: {  	v10 =	vmovc v15;
	v32 =	vmul.f32 v21, v21;
	v39 =	vmul.f32 v23, v23;
	v37 =	vsub.f32 v4, v33  }
0x95: {  	v38 =	vmul.f32 v17, v17;
	v33 =	vmul.f32 v19, v19;
	v26 =	vsub.f32 v5, v26;
	v15 =	vmovc v31  }
0x96: {  	v9 =	vmovc v16;
	v34 =	vmul.f32 v18, v18;
	v36 =	vadd.f32 v32, v39;
	v35 =	vmul.f32 v31, v15  }
0x97: {  	v33 =	vadd.f32 v38, v33;
	v31 =	vmul.f32 v37, v37;
	v16 =	vmovc v37;
	v32 =	vmul.f32 v26, v26  }
0x98: {  	_ = 	snop  }
0x99: {  	vm7 =	vle.f32 v36, v3;
	v4 =	vmin.u32 v29, $0x7F  }
0x9a: {  	v5 =	vsel vm7, $0x1, v1  }
0x9b: {  	vm8 =	vmmov vm2;
	(xrf0) =	vadd.scan.msk.s32 $0xffff, v5  }
0x9c: {  	v27 =	vmin.u32 v27, $0x7F;
	vm2 =	vle.f32 v33, v3;
	v5 =	vadd.f32 v35, v34  }
0x9d: {  	[tilespmem:v22+s0+$0x0] =	vst.idx.msk vm6, v6;
	vm5 =	vmmov vm5;
	v29 =	vsel vm2, $0x1, v1  }
0x9e: {  	v22 =	vadd.f32 v32, v31;
	(xrf0) =	vadd.scan.msk.s32 $0xffff, v29;
	vm6 =	vle.f32 v5, v3;
	[tilespmem:v4+s30+$0x0] =	vst.idx.msk vm4, v24  }
0x9f: {  	s13 =	sadd.s32 $0x10, s12;
	v6 =	vmpcnt.ones.xlane vm7;
	v29 =	vmin.u32 v30, $0x7F;
	v24 =	vsel vm6, $0x1, v1;
	[tilespmem:v4+s31+$0x0] =	vst.idx.msk vm4, v13  }
0xa0: {  	(xrf0) =	vadd.scan.msk.s32 $0xffff, v24;
	[tilespmem:v4+s0+$0x0] =	vst.idx.msk vm4, v11;
	v4 =	vor.u32 s13, v2;
	vm4 =	vle.f32 v22, v3  }
0xa1: {  	vm3 =	vmmov vm3;
	vm7 =	vmmov vm7;
	v13, _, _ =	vpop (xrf0);
	[tilespmem:v27+s30+$0x0] =	vst.idx.msk vm8, v4;
	v4 =	vsel vm4, $0x1, v1  }
0xa2: {  	v6 =	vadd.s32 v20, v6;
	v5 =	vmpcnt.ones.xlane vm2;
	v11 =	vadd.s32 v13, v25  }
0xa3: {  	s16 =	sadd.s32 $0x20, s15;
	vm2 =	vmmov vm2;
	v13 =	vmin.u32 v28, $0x7F;
	[tilespmem:v27+s31+$0x0] =	vst.idx.msk vm8, v14;
	v11 =	vadd.s32 $0xFFFFFFFF, v11  }
0xa4: {  	(xrf0) =	vadd.scan.msk.s32 $0xffff, v4;
	v14 =	vor.u32 s16, v2;
	[tilespmem:v27+s0+$0x0] =	vst.idx.msk vm8, v12;
	v4, _, _ =	vpop (xrf0);
	vm9 =	vgt.s32 v11, $0x0  }
0xa5: {  	v5 =	vadd.s32 v6, v5;
	[tilespmem:v29+s30+$0x0] =	vst.idx.msk vm5, v14;
	v4 =	vadd.s32 v4, v6;
	v11 =	vnsel vm9, $0x0, v11  }
0xa6: {  	s17 =	sadd.s32 $0x30, s15;
	v12 =	vmpcnt.ones.xlane vm6;
	[tilespmem:v29+s31+$0x0] =	vst.idx.msk vm5, v8;
	v6, _, _ =	vpop (xrf0);
	v4 =	vadd.s32 $0xFFFFFFFF, v4;
	v8 =	vmin.u32 v11, $0x7F  }
0xa7: {  	[tilespmem:v29+s0+$0x0] =	vst.idx.msk vm5, v10;
	v11 =	vor.u32 s17, v2;
	v6 =	vadd.s32 v6, v5;
	vm8 =	vgt.s32 v4, $0x0  }
0xa8: {  	vm5 =	vmmov vm6;
	[tilespmem:v13+s30+$0x0] =	vst.idx.msk vm3, v11;
	v6 =	vadd.s32 $0xFFFFFFFF, v6;
	v4 =	vnsel vm8, $0x0, v4  }
0xa9: {  	s18 =	sadd.s32 $0x40, s12;
	v5 =	vadd.s32 v5, v12;
	[tilespmem:v13+s31+$0x0] =	vst.idx.msk vm3, v9;
	vm6 =	vgt.s32 v6, $0x0;
	v4 =	vmin.u32 v4, $0x7F  }
0xaa: {  	v9 =	vor.u32 s18, v2;
	v10, _, _ =	vpop (xrf0);
	[tilespmem:v13+s0+$0x0] =	vst.idx.msk vm3, v7;
	v6 =	vnsel vm6, $0x0, v6;
	vm3 =	vmmov vm5  }
0xab: {  	v5 =	vadd.s32 v10, v5;
	v6 =	vmin.u32 v6, $0x7F;
	[tilespmem:v8+s30+$0x0] =	vst.idx.msk vm7, v9  }
0xac: {  	s21 =	sadd.s32 $0x10, s18;
	v5 =	vadd.s32 $0xFFFFFFFF, v5;
	[tilespmem:v8+s31+$0x0] =	vst.idx.msk vm7, v23  }
0xad: {  	vm4 =	vmmov vm4;
	v7 =	vor.u32 s21, v2;
	vm5 =	vgt.s32 v5, $0x0;
	[tilespmem:v8+s0+$0x0] =	vst.idx.msk vm7, v21  }
0xae: {  	s22 =	sadd.s32 $0x20, s18;
	vm4 =	vmmov vm4;
	v5 =	vnsel vm5, $0x0, v5;
	[tilespmem:v4+s30+$0x0] =	vst.idx.msk vm2, v7  }
0xaf: {  	v5 =	vmin.u32 v5, $0x7F;
	v7 =	vor.u32 s22, v2;
	[tilespmem:v4+s31+$0x0] =	vst.idx.msk vm2, v19  }
0xb0: {  	[tilespmem:v6+s30+$0x0] =	vst.idx.msk vm3, v7  }
0xb1: {  	[tilespmem:v4+s0+$0x0] =	vst.idx.msk vm2, v17  }
0xb2: {  	s12 =	sadd.s32 $0x30, s18;
	[tilespmem:v6+s31+$0x0] =	vst.idx.msk vm3, v18  }
0xb3: {  	v4 =	vor.u32 s12, v2;
	[tilespmem:v6+s0+$0x0] =	vst.idx.msk vm3, v15  }
0xb4: {  	[tilespmem:v5+s30+$0x0] =	vst.idx.msk vm4, v4  }
0xb5: {  	[tilespmem:v5+s31+$0x0] =	vst.idx.msk vm4, v16  }
0xb6: {  	[tilespmem:v5+s0+$0x0] =	vst.idx.msk vm4, v26  }
0xb7: {  	s23 =	simm.s32 $0x0;
	s14 =	rddreg [dreg:$0xa]  }
0xb8: {  	[hbm4b:s14+s23] =	stream.linear.scatter [tilespmem:s31], [sflag:$0x5], $0x80, $0x38;
	[tilespmem:$0x1C380] =	vst v63  }
0xb9: {  	_ =	swait.ge [sflag:s24], $0x80  }
0xba: {  	[sflag:s24] =	ssyncset.done $0x0  }
0xbb: {  	s15 =	rddreg [dreg:$0xb];
	[sflag:s24] =	ssyncadd.s32 $0xFFFFFF80  }
0xbc: {  	[hbm4b:s15+s23] =	stream.linear.scatter [tilespmem:s0], [sflag:$0x5], $0x80, $0x38;
	[tilespmem:$0x1C380] =	vst v63  }
0xbd: {  	_ =	swait.ge [sflag:s24], $0x80  }
0xbe: {  	[sflag:s24] =	ssyncset.done $0x0  }
0xbf: {  	[sflag:s24] =	ssyncadd.s32 $0xFFFFFF80  }
0xc0: {  	v7 =	vimm.s32 $0x0;
	[tilespmem:s25], [sflag:$0x1] =	stream.indirect.gather [spmem:s2], $0x80, s30, s1, $0xb8;
	[tilespmem:$0x1C380] =	vst v63  }
0xc1: {  	[tilespmem:$0x4200] =	vst v7  }
0xc2: {  	[tilespmem:$0x4280] =	vst v0  }
0xc3: {  	[tilespmem:$0x4210] =	vst v7  }
0xc4: {  	[tilespmem:$0x4290] =	vst v0  }
0xc5: {  	[tilespmem:$0x4220] =	vst v7;
	v4 =	vld [tilespmem:$0x4000]  }
0xc6: {  	[tilespmem:$0x42A0] =	vst v0;
	v5 =	vld [tilespmem:$0x4080]  }
0xc7: {  	[tilespmem:$0x4230] =	vst v7  }
0xc8: {  	[tilespmem:$0x42B0] =	vst v0  }
0xc9: {  	[tilespmem:$0x4240] =	vst v7  }
0xca: {  	[tilespmem:$0x42C0] =	vst v0;
	v4 =	vsel vm1, $0x0, v4  }
0xcb: {  	[tilespmem:$0x4250] =	vst v7;
	(xrf2) =	vadd.scan.msk.f32 $0xffff, v4;
	v4 =	vsel vm1, $0x0, v5  }
0xcc: {  	[tilespmem:$0x42D0] =	vst v0;
	(xrf2) =	vadd.scan.msk.f32 $0xffff, v4  }
0xcd: {  	[tilespmem:$0x4260] =	vst v7  }
0xce: {  	[tilespmem:$0x42E0] =	vst v0  }
0xcf: {  	[tilespmem:$0x4270] =	vst v7  }
0xd0: {  	s16 =	simm.s32 $0x20;
	[tilespmem:$0x42F0] =	vst v0  }
0xd1: {  	s14 =	simm.s32 $0x2020;
	v6 =	vld [tilespmem:s16+$0xFFFFFFE0]  }
0xd2: {  	v8 =	vld [tilespmem:s14+$0xFFFFFFE0]  }
0xd3: {  	v9 =	vld [tilespmem:s16+$0xFFFFFFF0]  }
0xd4: {  	v10 =	vld [tilespmem:s14+$0xFFFFFFF0]  }
0xd5: {  	v11 =	vld [tilespmem:s16+$0x0];
	v4, _, _ =	vpop (xrf2)  }
0xd6: {  	v12 =	vld [tilespmem:s14+$0x0];
	v5, _, _ =	vpop (xrf2);
	v4 =	vbroadcast v4, $0xF  }
0xd7: {  	v14 =	vld [tilespmem:s14+$0x10];
	v5 =	vbroadcast v5, $0xF  }
0xd8: {  	v23 =	vsub.f32 v4, v6  }
0xd9: {  	v13 =	vld [tilespmem:s16+$0x10];
	v19 =	vsub.f32 v4, v9;
	v21 =	vsub.f32 v5, v8  }
0xda: {  	v17 =	vsub.f32 v4, v11;
	v18 =	vsub.f32 v5, v10  }
0xdb: {  	v15 =	vsub.f32 v5, v12;
	v8 =	vmul.f32 v23, v23;
	v9 =	vmul.f32 v21, v21  }
0xdc: {  	v6 =	vsub.f32 v5, v14;
	v10 =	vmul.f32 v19, v19;
	v11 =	vmul.f32 v18, v18  }
0xdd: {  	v12 =	vmul.f32 v15, v15;
	v8 =	vadd.f32 v9, v8;
	v9 =	vmul.f32 v17, v17  }
0xde: {  	v16 =	vsub.f32 v4, v13;
	v10 =	vadd.f32 v11, v10  }
0xdf: {  	v13 =	vmul.f32 v6, v6;
	vm4 =	vle.f32 v8, v3;
	v8 =	vadd.f32 v12, v9  }
0xe0: {  	v11 =	vmul.f32 v16, v16;
	vm2 =	vle.f32 v10, v3;
	v9 =	vsel vm4, $0x1, v1  }
0xe1: {  	vm5 =	vle.f32 v8, v3;
	(xrf0) =	vadd.scan.msk.s32 $0xffff, v9;
	v8 =	vsel vm2, $0x1, v1  }
0xe2: {  	v10 =	vadd.f32 v13, v11;
	(xrf0) =	vadd.scan.msk.s32 $0xffff, v8  }
0xe3: {  	v9 =	vsel vm5, $0x1, v1;
	v8 =	vmpcnt.ones.xlane vm4  }
0xe4: {  	s18 =	simm.s32 $0x2060;
	vm3 =	vle.f32 v10, v3;
	(xrf0) =	vadd.scan.msk.s32 $0xffff, v9;
	v9 =	vmpcnt.ones.xlane vm2  }
0xe5: {  	s17 =	simm.s32 $0x60;
	v25 =	vld [tilespmem:s18+$0x0];
	v10 =	vsel vm3, $0x1, v1;
	v11 =	vmpcnt.ones.xlane vm5;
	v8 =	vadd.s32 v7, v8  }
0xe6: {  	v12 =	vmpcnt.ones.xlane vm3;
	(xrf0) =	vadd.scan.msk.s32 $0xffff, v10;
	v10 =	vld [tilespmem:s17+$0xFFFFFFE0];
	v9 =	vadd.s32 v8, v9  }
0xe7: {  	v22 =	vld [tilespmem:s17+$0x0];
	v11 =	vadd.s32 v9, v11;
	v13, _, _ =	vpop (xrf0)  }
0xe8: {  	v24 =	vadd.s32 v11, v12;
	v12 =	vld [tilespmem:s18+$0xFFFFFFF0];
	v7 =	vadd.s32 v13, v7;
	v13, _, _ =	vpop (xrf0)  }
0xe9: {  	v14 =	vld [tilespmem:s18+$0xFFFFFFE0];
	v7 =	vadd.s32 $0xFFFFFFFF, v7;
	v8 =	vadd.s32 v13, v8  }
0xea: {  	v20 =	vld [tilespmem:s17+$0xFFFFFFF0];
	vm4 =	vmmov vm4;
	v13, _, _ =	vpop (xrf0);
	vm6 =	vgt.s32 v7, $0x0;
	v8 =	vadd.s32 $0xFFFFFFFF, v8  }
0xeb: {  	v27 =	vld [tilespmem:s17+$0x10];
	v9 =	vadd.s32 v13, v9;
	v13 =	vsub.f32 v4, v10;
	v10 =	vsub.f32 v5, v25  }
0xec: {  	v26 =	vnsel vm6, $0x0, v7;
	vm6 =	vgt.s32 v8, $0x0;
	v9 =	vadd.s32 $0xFFFFFFFF, v9  }
0xed: {  	v28 =	vld [tilespmem:s18+$0x10];
	v7, _, _ =	vpop (xrf0);
	v29 =	vnsel vm6, $0x0, v8;
	vm6 =	vgt.s32 v9, $0x0;
	v12 =	vsub.f32 v5, v12  }
0xee: {  	v8 =	vsub.f32 v4, v22;
	v7 =	vadd.s32 v7, v11;
	v11 =	vsub.f32 v5, v14  }
0xef: {  	v14 =	vsub.f32 v4, v20;
	v31 =	vnsel vm6, $0x0, v9;
	v20 =	vmul.f32 v13, v13  }
0xf0: {  	v9 =	vsub.f32 v4, v27;
	v30 =	vadd.s32 $0xFFFFFFFF, v7;
	v27 =	vmul.f32 v12, v12  }
0xf1: {  	vm7 =	vgt.s32 v30, $0x0;
	v22 =	vmul.f32 v11, v11;
	v25 =	vmul.f32 v14, v14  }
0xf2: {  	v7 =	vsub.f32 v5, v28;
	v28 =	vmul.f32 v10, v10;
	v30 =	vnsel vm7, $0x0, v30  }
0xf3: {  	v20 =	vadd.f32 v22, v20;
	v22 =	vmul.f32 v8, v8;
	v25 =	vadd.f32 v27, v25  }
0xf4: {  	v53 =	vmul.f32 v7, v7;
	vm7 =	vmmov vm2;
	v27 =	vmul.f32 v9, v9  }
0xf5: {  	vm13 =	vle.f32 v20, v3;
	v20 =	vadd.f32 v28, v22;
	vm2 =	vle.f32 v25, v3  }
0xf6: {  	v25 =	vadd.f32 v53, v27;
	v22 =	vmpcnt.ones.xlane vm13;
	v27 =	vsel vm13, $0x1, v1  }
0xf7: {  	vm5 =	vmmov vm5;
	v26 =	vmin.u32 v26, $0x7F;
	v28 =	vmpcnt.ones.xlane vm2;
	(xrf0) =	vadd.scan.msk.s32 $0xffff, v27  }
0xf8: {  	vm6 =	vle.f32 v20, v3;
	v54 =	vadd.s32 v24, v22;
	v22 =	vsel vm2, $0x1, v1  }
0xf9: {  	vm10 =	vle.f32 v25, v3;
	v25 =	vadd.s32 v54, v28;
	v28 =	vsel vm6, $0x1, v1;
	(xrf0) =	vadd.scan.msk.s32 $0xffff, v22  }
0xfa: {  	vm3 =	vmmov vm3;
	vm8 =	vmmov vm5;
	(xrf0) =	vadd.scan.msk.s32 $0xffff, v28;
	v28 =	vmin.u32 v29, $0x7F  }
0xfb: {  	v31 =	vmin.u32 v31, $0x7F;
	v20 =	vmpcnt.ones.xlane vm6;
	v29 =	vor.u32 s23, v2  }
0xfc: {  	s13 =	simm.s32 $0xA0;
	vm5 =	vmmov vm6;
	v22 =	vsel vm10, $0x1, v1;
	vm6 =	vmmov vm3;
	[tilespmem:v26+s26+$0x0] =	vst.idx.msk vm4, v29  }
0xfd: {  	s21 =	simm.s32 $0x10;
	v60 =	vld [tilespmem:s13+$0x10];
	v27 =	vmpcnt.ones.xlane vm10;
	(xrf0) =	vadd.scan.msk.s32 $0xffff, v22;
	v22 =	vmin.u32 v30, $0x7F;
	[tilespmem:v26+s31+$0x0] =	vst.idx.msk vm4, v23;
	v23, _, _ =	vpop (xrf0)  }
0xfe: {  	s14 =	simm.s32 $0x20A0;
	v30 =	vld [tilespmem:s13+$0xFFFFFFE0];
	[tilespmem:v26+s0+$0x0] =	vst.idx.msk vm4, v21;
	v21 =	vadd.s32 v23, v24;
	v23 =	vor.u32 s21, v2  }
0xff: {  	s22 =	simm.s32 $0x20;
	v57 =	vld [tilespmem:s14+$0xFFFFFFF0];
	v55 =	vadd.s32 v25, v20;
	[tilespmem:v28+s26+$0x0] =	vst.idx.msk vm7, v23  }
0x100: {  	vm3 =	vmmov vm10;
	s23 =	simm.s32 $0x30;
	v20 =	vadd.s32 v55, v27;
	v23 =	vor.u32 s22, v2;
	[tilespmem:v28+s31+$0x0] =	vst.idx.msk vm7, v19  }
0x101: {  	s12 =	simm.s32 $0x40;
	v38 =	vld [tilespmem:s14+$0x0];
	v37 =	vor.u32 s23, v2;
	vm4 =	vmmov vm13;
	v21 =	vadd.s32 $0xFFFFFFFF, v21;
	v27, _, _ =	vpop (xrf0);
	[tilespmem:v31+s26+$0x0] =	vst.idx.msk vm8, v23  }
0x102: {  	v56 =	vld [tilespmem:s14+$0xFFFFFFE0];
	v24 =	vor.u32 s12, v2;
	vm14 =	vgt.s32 v21, $0x0;
	v27 =	vadd.s32 v27, v54;
	v59, _, _ =	vpop (xrf0);
	[tilespmem:v22+s26+$0x0] =	vst.idx.msk vm6, v37  }
0x103: {  	v26 =	vld [tilespmem:s13+$0xFFFFFFF0];
	v23 =	vsub.f32 v4, v30;
	v29 =	vnsel vm14, $0x0, v21;
	v21 =	vadd.s32 v59, v25;
	[tilespmem:v31+s31+$0x0] =	vst.idx.msk vm8, v17  }
0x104: {  	v58 =	vld [tilespmem:s13+$0x0];
	v19 =	vadd.s32 $0xFFFFFFFF, v27;
	v25, _, _ =	vpop (xrf0);
	v17 =	vsub.f32 v5, v57;
	[tilespmem:v22+s31+$0x0] =	vst.idx.msk vm6, v16;
	v16 =	vsub.f32 v4, v60  }
0x105: {  	[tilespmem:v28+s0+$0x0] =	vst.idx.msk vm7, v18;
	vm7 =	vgt.s32 v19, $0x0;
	v18 =	vadd.s32 $0xFFFFFFFF, v21;
	v21 =	vadd.s32 v25, v55;
	v25 =	vld [tilespmem:s14+$0x10]  }
0x106: {  	[tilespmem:v31+s0+$0x0] =	vst.idx.msk vm8, v15;
	v15 =	vsub.f32 v5, v38;
	v31 =	vmul.f32 v23, v23;
	v27 =	vnsel vm7, $0x0, v19  }
0x107: {  	vm7 =	vgt.s32 v18, $0x0;
	v28 =	vadd.s32 $0xFFFFFFFF, v21;
	v21 =	vsub.f32 v5, v56  }
0x108: {  	v19 =	vsub.f32 v4, v26;
	v63 =	vmul.f32 v17, v17;
	vm15 =	vgt.s32 v28, $0x0  }
0x109: {  	v30 =	vnsel vm7, $0x0, v18;
	v18 =	vsub.f32 v4, v58;
	v61 =	vmul.f32 v21, v21  }
0x10a: {  	v35 =	vmul.f32 v15, v15;
	v62 =	vmul.f32 v19, v19;
	v26 =	vsub.f32 v5, v25  }
0x10b: {  	v28 =	vnsel vm15, $0x0, v28;
	v34 =	vmul.f32 v18, v18;
	v36 =	vadd.f32 v61, v31  }
0x10c: {  	s15 =	simm.s32 $0x40;
	s16 =	simm.s32 $0x8;
	v33 =	vadd.f32 v63, v62;
	v31 =	vmul.f32 v16, v16;
	v25 =	vmovc v20;
	v32 =	vmul.f32 v26, v26  }
.LBB2_4:
0x10d: {  	vm9 =	vle.f32 v36, v3;
	v34 =	vadd.f32 v35, v34  }
0x10e: {  	s16 =	sadd.s32 $0x4, s16;
	v29 =	vmin.u32 v29, $0x7F;
	[tilespmem:v22+s0+$0x0] =	vst.idx.msk vm6, v6;
	v6 =	vmovc v7;
	v7 =	vmov v26;
	vm7 =	vmmov vm2  }
0x10f: {  	p0 =	slt.u32 s16, $0x1FC;
	v22 =	vmpcnt.ones.xlane vm9;
	vm2 =	vle.f32 v33, v3;
	v26 =	vadd.f32 v32, v31  }
0x110: {  	v31 =	vsel vm9, $0x1, v1;
	v32 =	vmpcnt.ones.xlane vm2;
	vm6 =	vle.f32 v34, v3  }
0x111: {  	v33 =	vadd.s32 v20, v22;
	v20 =	vmpcnt.ones.xlane vm6;
	vm10 =	vle.f32 v26, v3;
	(xrf0) =	vadd.scan.msk.s32 $0xffff, v31  }
0x112: {  	v22 =	vsel vm2, $0x1, v1;
	v26 =	vadd.s32 v33, v32;
	v31 =	vmpcnt.ones.xlane vm10  }
0x113: {  	v32 =	vsel vm6, $0x1, v1;
	v35 =	vsel vm10, $0x1, v1;
	v34 =	vadd.s32 v26, v20;
	(xrf0) =	vadd.scan.msk.s32 $0xffff, v22  }
0x114: {  	v27 =	vmin.u32 v27, $0x7F;
	v30 =	vmin.u32 v30, $0x7F;
	v20 =	vadd.s32 v34, v31;
	(xrf0) =	vadd.scan.msk.s32 $0xffff, v32  }
0x115: {  	s13 =	sadd.s32 $0x40, s13;
	vm8 =	vmmov vm5;
	v22 =	vmin.u32 v28, $0x7F;
	(xrf0) =	vadd.scan.msk.s32 $0xffff, v35;
	[tilespmem:v29+s26+$0x0] =	vst.idx.msk vm4, v24  }
0x116: {  	s14 =	sadd.s32 $0x40, s14;
	vm5 =	vmmov vm6;
	vm6 =	vmmov vm3;
	vm3 =	vmmov vm10;
	v28 =	vld [tilespmem:s13+$0xFFFFFFE0];
	[tilespmem:v29+s31+$0x0] =	vst.idx.msk vm4, v13;
	v13 =	vmovc v23  }
0x117: {  	s17 =	sadd.s32 $0x10, s12;
	v31 =	vld [tilespmem:s14+$0xFFFFFFE0];
	v23, _, _ =	vpop (xrf0);
	[tilespmem:v29+s0+$0x0] =	vst.idx.msk vm4, v11;
	v11 =	vmov v21;
	vm4 =	vmmov vm9  }
0x118: {  	s12 =	sadd.s32 $0x40, s12;
	v32 =	vld [tilespmem:s13+$0xFFFFFFF0];
	v21 =	vadd.s32 v23, v25;
	v23 =	vor.u32 s17, v2;
	s17 =	sadd.s32 $0x20, s15;
	v25 =	vmov v20  }
0x119: {  	v24 =	vor.u32 s12, v2;
	v35 =	vld [tilespmem:s14+$0xFFFFFFF0];
	v21 =	vadd.s32 $0xFFFFFFFF, v21;
	v29, _, _ =	vpop (xrf0);
	[tilespmem:v27+s26+$0x0] =	vst.idx.msk vm7, v23;
	v23 =	vor.u32 s17, v2;
	s17 =	sadd.s32 $0x30, s15;
	s15 =	smov.u32 s12  }
0x11a: {  	v36 =	vld [tilespmem:s13+$0x0];
	vm9 =	vgt.s32 v21, $0x0;
	v33 =	vadd.s32 v29, v33;
	v37, _, _ =	vpop (xrf0);
	[tilespmem:v27+s31+$0x0] =	vst.idx.msk vm7, v14;
	v38 =	vor.u32 s17, v2  }
0x11b: {  	v39 =	vld [tilespmem:s14+$0x0];
	v29 =	vnsel vm9, $0x0, v21;
	v21 =	vadd.s32 $0xFFFFFFFF, v33;
	v40 =	vadd.s32 v37, v26;
	v26, _, _ =	vpop (xrf0);
	[tilespmem:v27+s0+$0x0] =	vst.idx.msk vm7, v12  }
0x11c: {  	v14 =	vmovc v19;
	v33 =	vld [tilespmem:s13+$0x10];
	vm7 =	vgt.s32 v21, $0x0;
	v37 =	vadd.s32 $0xFFFFFFFF, v40;
	v40 =	vadd.s32 v26, v34;
	[tilespmem:v30+s26+$0x0] =	vst.idx.msk vm8, v23  }
0x11d: {  	v12 =	vmovc v17;
	v26 =	vld [tilespmem:s14+$0x10];
	v27 =	vnsel vm7, $0x0, v21;
	vm7 =	vgt.s32 v37, $0x0;
	v34 =	vadd.s32 $0xFFFFFFFF, v40;
	[tilespmem:v30+s31+$0x0] =	vst.idx.msk vm8, v8;
	v8 =	vmovc v18  }
0x11e: {  	v23 =	vsub.f32 v4, v28;
	v21 =	vsub.f32 v5, v31;
	vm9 =	vgt.s32 v34, $0x0;
	[tilespmem:v30+s0+$0x0] =	vst.idx.msk vm8, v10  }
0x11f: {  	v19 =	vsub.f32 v4, v32;
	v17 =	vsub.f32 v5, v35;
	v30 =	vnsel vm7, $0x0, v37;
	[tilespmem:v22+s26+$0x0] =	vst.idx.msk vm6, v38  }
.Ltmp1:
0x120: {  	v18 =	vsub.f32 v4, v36;
	v28 =	vnsel vm9, $0x0, v34;
	v31 =	vsub.f32 v5, v39;
	[tilespmem:v22+s31+$0x0] =	vst.idx.msk vm6, v9;
	(pc) =	sbr.rel @p0 .LBB2_4-.Ltmp1, $4  }
0x121: {  	v10 =	vmovc v15;
	v32 =	vmul.f32 v21, v21;
	v39 =	vmul.f32 v23, v23;
	v37 =	vsub.f32 v4, v33  }
0x122: {  	v38 =	vmul.f32 v17, v17;
	v33 =	vmul.f32 v19, v19;
	v26 =	vsub.f32 v5, v26;
	v15 =	vmovc v31  }
0x123: {  	v9 =	vmovc v16;
	v34 =	vmul.f32 v18, v18;
	v36 =	vadd.f32 v32, v39;
	v35 =	vmul.f32 v31, v15  }
0x124: {  	v33 =	vadd.f32 v38, v33;
	v31 =	vmul.f32 v37, v37;
	v16 =	vmovc v37;
	v32 =	vmul.f32 v26, v26  }
0x125: {  	vm7 =	vle.f32 v36, v3;
	v4 =	vmin.u32 v29, $0x7F  }
0x126: {  	v5 =	vsel vm7, $0x1, v1  }
0x127: {  	vm8 =	vmmov vm2;
	v27 =	vmin.u32 v27, $0x7F;
	(xrf0) =	vadd.scan.msk.s32 $0xffff, v5  }
0x128: {  	vm5 =	vmmov vm5;
	vm2 =	vle.f32 v33, v3;
	v5 =	vadd.f32 v35, v34  }
0x129: {  	v51 =	vmin.u32 v30, $0x7F;
	vm3 =	vmmov vm3;
	v47 =	vsel vm2, $0x1, v1  }
0x12a: {  	v49 =	vadd.f32 v32, v31;
	(xrf0) =	vadd.scan.msk.s32 $0xffff, v47;
	vm14 =	vle.f32 v5, v3;
	[tilespmem:v4+s26+$0x0] =	vst.idx.msk vm4, v24  }
0x12b: {  	s13 =	sadd.s32 $0x10, s12;
	v54 =	vmin.u32 v28, $0x7F;
	v50 =	vsel vm14, $0x1, v1;
	[tilespmem:v4+s31+$0x0] =	vst.idx.msk vm4, v13  }
0x12c: {  	vm15 =	vle.f32 v49, v3;
	(xrf0) =	vadd.scan.msk.s32 $0xffff, v50;
	[tilespmem:v4+s0+$0x0] =	vst.idx.msk vm4, v11;
	v4 =	vor.u32 s13, v2  }
0x12d: {  	s14 =	sadd.s32 $0x20, s15;
	v48 =	vmpcnt.ones.xlane vm7;
	v52, _, _ =	vpop (xrf0);
	[tilespmem:v27+s26+$0x0] =	vst.idx.msk vm8, v4;
	v4 =	vsel vm15, $0x1, v1  }
0x12e: {  	[tilespmem:v22+s0+$0x0] =	vst.idx.msk vm6, v6;
	s16 =	sadd.s32 $0x30, s15;
	v55 =	vor.u32 s14, v2;
	vm7 =	vmmov vm7;
	v53 =	vadd.s32 v52, v25  }
0x12f: {  	v59 =	vor.u32 s16, v2;
	v6 =	vadd.s32 v20, v48;
	[tilespmem:v51+s26+$0x0] =	vst.idx.msk vm5, v55;
	v11 =	vadd.s32 $0xFFFFFFFF, v53  }
0x130: {  	s17 =	sadd.s32 $0x40, s12;
	v5 =	vmpcnt.ones.xlane vm2;
	[tilespmem:v54+s26+$0x0] =	vst.idx.msk vm3, v59;
	(xrf0) =	vadd.scan.msk.s32 $0xffff, v4;
	v4, _, _ =	vpop (xrf0);
	vm9 =	vgt.s32 v11, $0x0  }
0x131: {  	v60 =	vor.u32 s17, v2;
	[tilespmem:v51+s31+$0x0] =	vst.idx.msk vm5, v8;
	v4 =	vadd.s32 v4, v6;
	v11 =	vnsel vm9, $0x0, v11  }
0x132: {  	v5 =	vadd.s32 v6, v5;
	[tilespmem:v54+s31+$0x0] =	vst.idx.msk vm3, v9;
	v58, _, _ =	vpop (xrf0);
	v4 =	vadd.s32 $0xFFFFFFFF, v4;
	v57 =	vmin.u32 v11, $0x7F  }
0x133: {  	vm2 =	vmmov vm2;
	[tilespmem:v51+s0+$0x0] =	vst.idx.msk vm5, v10;
	v6 =	vadd.s32 v58, v5;
	vm12 =	vgt.s32 v4, $0x0  }
0x134: {  	v56 =	vmpcnt.ones.xlane vm14;
	[tilespmem:v54+s0+$0x0] =	vst.idx.msk vm3, v7;
	v6 =	vadd.s32 $0xFFFFFFFF, v6;
	v4 =	vnsel vm12, $0x0, v4  }
0x135: {  	vm13 =	vmmov vm14;
	[tilespmem:v27+s31+$0x0] =	vst.idx.msk vm8, v14;
	vm14 =	vgt.s32 v6, $0x0;
	v4 =	vmin.u32 v4, $0x7F  }
0x136: {  	vm3 =	vmmov vm13;
	[tilespmem:v27+s0+$0x0] =	vst.idx.msk vm8, v12;
	v5 =	vadd.s32 v5, v56;
	v61, _, _ =	vpop (xrf0);
	v6 =	vnsel vm14, $0x0, v6  }
0x137: {  	v5 =	vadd.s32 v61, v5;
	v6 =	vmin.u32 v6, $0x7F;
	[tilespmem:v57+s26+$0x0] =	vst.idx.msk vm7, v60  }
0x138: {  	s18 =	sadd.s32 $0x10, s17;
	v5 =	vadd.s32 $0xFFFFFFFF, v5;
	[tilespmem:v57+s31+$0x0] =	vst.idx.msk vm7, v23  }
0x139: {  	v62 =	vor.u32 s18, v2;
	vm4 =	vmmov vm15;
	vm15 =	vgt.s32 v5, $0x0;
	[tilespmem:v57+s0+$0x0] =	vst.idx.msk vm7, v21  }
0x13a: {  	s21 =	sadd.s32 $0x20, s17;
	vm4 =	vmmov vm4;
	v5 =	vnsel vm15, $0x0, v5;
	[tilespmem:v4+s26+$0x0] =	vst.idx.msk vm2, v62  }
0x13b: {  	v63 =	vor.u32 s21, v2;
	v5 =	vmin.u32 v5, $0x7F;
	[tilespmem:v4+s31+$0x0] =	vst.idx.msk vm2, v19  }
0x13c: {  	[tilespmem:v6+s26+$0x0] =	vst.idx.msk vm3, v63  }
0x13d: {  	[tilespmem:v4+s0+$0x0] =	vst.idx.msk vm2, v17  }
0x13e: {  	s12 =	sadd.s32 $0x30, s17;
	[tilespmem:v6+s31+$0x0] =	vst.idx.msk vm3, v18  }
0x13f: {  	v4 =	vor.u32 s12, v2;
	[tilespmem:v6+s0+$0x0] =	vst.idx.msk vm3, v15  }
0x140: {  	[tilespmem:v5+s26+$0x0] =	vst.idx.msk vm4, v4  }
0x141: {  	[tilespmem:v5+s31+$0x0] =	vst.idx.msk vm4, v16  }
0x142: {  	[tilespmem:v5+s0+$0x0] =	vst.idx.msk vm4, v26  }
0x143: {  	s22 =	rddreg [dreg:$0xc]  }
0x144: {  	[hbm4b:s22+s3] =	stream.linear.scatter [tilespmem:s31], [sflag:$0x5], $0x80, $0x38;
	[tilespmem:$0x1C380] =	vst v63  }
0x145: {  	_ =	swait.ge [sflag:s24], $0x80  }
0x146: {  	[sflag:s24] =	ssyncset.done $0x0  }
0x147: {  	s23 =	rddreg [dreg:$0xd];
	[sflag:s24] =	ssyncadd.s32 $0xFFFFFF80  }
0x148: {  	[hbm4b:s23+s3] =	stream.linear.scatter [tilespmem:s0], [sflag:$0x5], $0x80, $0x38;
	[tilespmem:$0x1C380] =	vst v63  }
0x149: {  	_ =	swait.ge [sflag:s24], $0x80  }
0x14a: {  	[sflag:s24] =	ssyncset.done $0x0  }
0x14b: {  	s12 =	simm.s32 $0x1;
	[sflag:s24] =	ssyncadd.s32 $0xFFFFFF80  }
0x14c: {  	[tilespmem:s28], [sflag:$0x2] =	stream.indirect.gather [spmem:s2], $0x80, s26, s1, $0xb8;
	[tilespmem:$0x1C380] =	vst v63  }
0x14d: {  	_ =	swait.ge [sflag:s12], $0x4000  }
0x14e: {  	[sflag:s12] =	ssyncset.done $0x0  }
0x14f: {  	[sflag:s12] =	ssyncadd.s32 $0xFFFFC000  }
0x150: {  	[hbm4b:s19+s3] =	stream.linear.scatter [tilespmem:s25], [sflag:$0x3], $0x4000, $0x38;
	[tilespmem:$0x1C380] =	vst v63  }
.LBB2_6:
0x151: {  	[tilespmem:$0x4280] =	vst v0  }
0x152: {  	[tilespmem:$0x4290] =	vst v0  }
0x153: {  	[tilespmem:$0x42A0] =	vst v0  }
0x154: {  	[tilespmem:$0x42B0] =	vst v0  }
0x155: {  	[tilespmem:$0x42C0] =	vst v0  }
0x156: {  	[tilespmem:$0x42D0] =	vst v0  }
0x157: {  	[tilespmem:$0x42E0] =	vst v0  }
0x158: {  	v7 =	vimm.s32 $0x0;
	[tilespmem:$0x42F0] =	vst v0  }
0x159: {  	[tilespmem:$0x4180] =	vst v7  }
0x15a: {  	[tilespmem:$0x4190] =	vst v7  }
0x15b: {  	[tilespmem:$0x41A0] =	vst v7  }
0x15c: {  	[tilespmem:$0x41B0] =	vst v7  }
0x15d: {  	[tilespmem:$0x41C0] =	vst v7  }
0x15e: {  	[tilespmem:$0x41D0] =	vst v7  }
0x15f: {  	s14 =	sshll.u32 s12, $0x1;
	[tilespmem:$0x41E0] =	vst v7  }
0x160: {  	[tilespmem:$0x41F0] =	vst v7;
	s15 =	sand.u32 $0x70, s14  }
0x161: {  	v4 =	vld [tilespmem:s15+$0x4000]  }
0x162: {  	v5 =	vld [tilespmem:s15+$0x4080]  }
0x163: {  	s13 =	sand.u32 $0xE, s14  }
0x164: {  	v6 =	vmov s13  }
0x165: {  	vm2 =	veq.s32 v6, v2  }
0x166: {  	v4 =	vnsel vm2, $0x0, v4  }
0x167: {  	(xrf2) =	vadd.scan.msk.f32 $0xffff, v4;
	v4 =	vnsel vm2, $0x0, v5  }
0x168: {  	(xrf2) =	vadd.scan.msk.f32 $0xffff, v4;
	_ =	sdelay $0x3  }
0x169: {  	s16 =	simm.s32 $0x2020  }
0x16a: {  	s23 =	simm.s32 $0x20;
	v8 =	vld [tilespmem:s16+$0xFFFFFFE0]  }
0x16b: {  	v9 =	vld [tilespmem:s23+$0xFFFFFFF0]  }
0x16c: {  	v6 =	vld [tilespmem:s23+$0xFFFFFFE0]  }
0x16d: {  	v10 =	vld [tilespmem:s16+$0xFFFFFFF0]  }
0x16e: {  	v11 =	vld [tilespmem:s23+$0x0];
	v4, _, _ =	vpop (xrf2)  }
0x16f: {  	v12 =	vld [tilespmem:s16+$0x0];
	v5, _, _ =	vpop (xrf2);
	v4 =	vbroadcast v4, $0xF  }
0x170: {  	v14 =	vld [tilespmem:s16+$0x10];
	v5 =	vbroadcast v5, $0xF  }
0x171: {  	v23 =	vsub.f32 v4, v6  }
0x172: {  	v13 =	vld [tilespmem:s23+$0x10];
	v19 =	vsub.f32 v4, v9;
	v21 =	vsub.f32 v5, v8  }
0x173: {  	v17 =	vsub.f32 v4, v11;
	v18 =	vsub.f32 v5, v10  }
0x174: {  	v16 =	vsub.f32 v5, v12;
	v8 =	vmul.f32 v23, v23;
	v9 =	vmul.f32 v21, v21  }
0x175: {  	v6 =	vsub.f32 v5, v14;
	v10 =	vmul.f32 v19, v19;
	v11 =	vmul.f32 v18, v18  }
0x176: {  	v12 =	vmul.f32 v16, v16;
	v8 =	vadd.f32 v9, v8;
	v9 =	vmul.f32 v17, v17  }
0x177: {  	v15 =	vsub.f32 v4, v13;
	v10 =	vadd.f32 v11, v10  }
0x178: {  	v13 =	vmul.f32 v6, v6;
	vm4 =	vle.f32 v8, v3;
	v8 =	vadd.f32 v12, v9  }
0x179: {  	v11 =	vmul.f32 v15, v15;
	vm2 =	vle.f32 v10, v3;
	v9 =	vsel vm4, $0x1, v1  }
0x17a: {  	vm5 =	vle.f32 v8, v3;
	(xrf0) =	vadd.scan.msk.s32 $0xffff, v9;
	v8 =	vsel vm2, $0x1, v1  }
0x17b: {  	v10 =	vadd.f32 v13, v11;
	(xrf0) =	vadd.scan.msk.s32 $0xffff, v8  }
0x17c: {  	v9 =	vsel vm5, $0x1, v1;
	v8 =	vmpcnt.ones.xlane vm4  }
0x17d: {  	s18 =	simm.s32 $0x2060;
	vm3 =	vle.f32 v10, v3;
	(xrf0) =	vadd.scan.msk.s32 $0xffff, v9;
	v9 =	vmpcnt.ones.xlane vm2  }
0x17e: {  	s17 =	simm.s32 $0x60;
	v25 =	vld [tilespmem:s18+$0x0];
	v10 =	vsel vm3, $0x1, v1;
	v11 =	vmpcnt.ones.xlane vm5;
	v8 =	vadd.s32 v7, v8  }
0x17f: {  	v12 =	vmpcnt.ones.xlane vm3;
	(xrf0) =	vadd.scan.msk.s32 $0xffff, v10;
	v10 =	vld [tilespmem:s17+$0xFFFFFFE0];
	v9 =	vadd.s32 v8, v9  }
0x180: {  	v22 =	vld [tilespmem:s17+$0x0];
	v11 =	vadd.s32 v9, v11;
	v13, _, _ =	vpop (xrf0)  }
0x181: {  	v24 =	vadd.s32 v11, v12;
	v12 =	vld [tilespmem:s18+$0xFFFFFFF0];
	v7 =	vadd.s32 v13, v7;
	v13, _, _ =	vpop (xrf0)  }
0x182: {  	v14 =	vld [tilespmem:s18+$0xFFFFFFE0];
	v7 =	vadd.s32 $0xFFFFFFFF, v7;
	v8 =	vadd.s32 v13, v8  }
0x183: {  	v20 =	vld [tilespmem:s17+$0xFFFFFFF0];
	vm4 =	vmmov vm4;
	v13, _, _ =	vpop (xrf0);
	vm6 =	vgt.s32 v7, $0x0;
	v8 =	vadd.s32 $0xFFFFFFFF, v8  }
0x184: {  	v27 =	vld [tilespmem:s17+$0x10];
	v9 =	vadd.s32 v13, v9;
	v13 =	vsub.f32 v4, v10;
	v10 =	vsub.f32 v5, v25  }
0x185: {  	v26 =	vnsel vm6, $0x0, v7;
	vm6 =	vgt.s32 v8, $0x0;
	v9 =	vadd.s32 $0xFFFFFFFF, v9  }
0x186: {  	v28 =	vld [tilespmem:s18+$0x10];
	v7, _, _ =	vpop (xrf0);
	v29 =	vnsel vm6, $0x0, v8;
	vm6 =	vgt.s32 v9, $0x0;
	v12 =	vsub.f32 v5, v12  }
0x187: {  	v8 =	vsub.f32 v4, v22;
	v7 =	vadd.s32 v7, v11;
	v11 =	vsub.f32 v5, v14  }
0x188: {  	v14 =	vsub.f32 v4, v20;
	v31 =	vnsel vm6, $0x0, v9;
	v20 =	vmul.f32 v13, v13  }
0x189: {  	v9 =	vsub.f32 v4, v27;
	v30 =	vadd.s32 $0xFFFFFFFF, v7;
	v27 =	vmul.f32 v12, v12  }
0x18a: {  	vm7 =	vgt.s32 v30, $0x0;
	v22 =	vmul.f32 v11, v11;
	v25 =	vmul.f32 v14, v14  }
0x18b: {  	v7 =	vsub.f32 v5, v28;
	v28 =	vmul.f32 v10, v10;
	v30 =	vnsel vm7, $0x0, v30  }
0x18c: {  	v20 =	vadd.f32 v22, v20;
	v22 =	vmul.f32 v8, v8;
	v25 =	vadd.f32 v27, v25  }
0x18d: {  	v32 =	vmul.f32 v7, v7;
	vm7 =	vmmov vm2;
	v27 =	vmul.f32 v9, v9  }
0x18e: {  	vm9 =	vle.f32 v20, v3;
	v20 =	vadd.f32 v28, v22;
	vm2 =	vle.f32 v25, v3  }
0x18f: {  	v25 =	vadd.f32 v32, v27;
	v22 =	vmpcnt.ones.xlane vm9;
	v27 =	vsel vm9, $0x1, v1  }
0x190: {  	vm5 =	vmmov vm5;
	v26 =	vmin.u32 v26, $0x7F;
	v28 =	vmpcnt.ones.xlane vm2;
	(xrf0) =	vadd.scan.msk.s32 $0xffff, v27  }
0x191: {  	vm6 =	vle.f32 v20, v3;
	v58 =	vadd.s32 v24, v22;
	v22 =	vsel vm2, $0x1, v1  }
0x192: {  	vm10 =	vle.f32 v25, v3;
	v25 =	vadd.s32 v58, v28;
	v28 =	vsel vm6, $0x1, v1;
	(xrf0) =	vadd.scan.msk.s32 $0xffff, v22  }
0x193: {  	s21 =	simm.s32 $0x0;
	vm3 =	vmmov vm3;
	vm8 =	vmmov vm5;
	(xrf0) =	vadd.scan.msk.s32 $0xffff, v28;
	v28 =	vmin.u32 v29, $0x7F  }
0x194: {  	v31 =	vmin.u32 v31, $0x7F;
	v20 =	vmpcnt.ones.xlane vm6;
	v29 =	vor.u32 s21, v2  }
0x195: {  	s16 =	simm.s32 $0xA0;
	vm5 =	vmmov vm6;
	v22 =	vsel vm10, $0x1, v1;
	vm6 =	vmmov vm3;
	[tilespmem:v26+s30+$0x0] =	vst.idx.msk vm4, v29  }
0x196: {  	s22 =	simm.s32 $0x10;
	v60 =	vld [tilespmem:s16+$0x10];
	v27 =	vmpcnt.ones.xlane vm10;
	(xrf0) =	vadd.scan.msk.s32 $0xffff, v22;
	v22 =	vmin.u32 v30, $0x7F;
	[tilespmem:v26+s31+$0x0] =	vst.idx.msk vm4, v23;
	v23, _, _ =	vpop (xrf0)  }
0x197: {  	s23 =	simm.s32 $0x30;
	s17 =	simm.s32 $0x20A0;
	v30 =	vld [tilespmem:s16+$0xFFFFFFE0];
	[tilespmem:v26+s0+$0x0] =	vst.idx.msk vm4, v21;
	v21 =	vadd.s32 v23, v24;
	v23 =	vor.u32 s22, v2  }
0x198: {  	v37 =	vor.u32 s23, v2;
	v35 =	vld [tilespmem:s17+$0xFFFFFFF0];
	s18 =	simm.s32 $0x20;
	[tilespmem:v28+s30+$0x0] =	vst.idx.msk vm7, v23  }
0x199: {  	vm3 =	vmmov vm10;
	v33 =	vadd.s32 v25, v20;
	v23 =	vor.u32 s18, v2;
	[tilespmem:v28+s31+$0x0] =	vst.idx.msk vm7, v19  }
0x19a: {  	s13 =	simm.s32 $0x40;
	v38 =	vld [tilespmem:s17+$0x0];
	v20 =	vadd.s32 v33, v27;
	vm4 =	vmmov vm9;
	v21 =	vadd.s32 $0xFFFFFFFF, v21;
	v27, _, _ =	vpop (xrf0);
	[tilespmem:v31+s30+$0x0] =	vst.idx.msk vm8, v23  }
0x19b: {  	v34 =	vld [tilespmem:s17+$0xFFFFFFE0];
	v24 =	vor.u32 s13, v2;
	vm14 =	vgt.s32 v21, $0x0;
	v27 =	vadd.s32 v27, v58;
	v59, _, _ =	vpop (xrf0);
	[tilespmem:v22+s30+$0x0] =	vst.idx.msk vm6, v37  }
0x19c: {  	v26 =	vld [tilespmem:s16+$0xFFFFFFF0];
	v23 =	vsub.f32 v4, v30;
	v29 =	vnsel vm14, $0x0, v21;
	v21 =	vadd.s32 v59, v25;
	[tilespmem:v31+s31+$0x0] =	vst.idx.msk vm8, v17  }
0x19d: {  	v36 =	vld [tilespmem:s16+$0x0];
	v19 =	vadd.s32 $0xFFFFFFFF, v27;
	v25, _, _ =	vpop (xrf0);
	v17 =	vsub.f32 v5, v35;
	[tilespmem:v22+s31+$0x0] =	vst.idx.msk vm6, v15;
	v15 =	vsub.f32 v4, v60  }
0x19e: {  	[tilespmem:v28+s0+$0x0] =	vst.idx.msk vm7, v18;
	vm7 =	vgt.s32 v19, $0x0;
	v18 =	vadd.s32 $0xFFFFFFFF, v21;
	v21 =	vadd.s32 v25, v33;
	v25 =	vld [tilespmem:s17+$0x10]  }
0x19f: {  	[tilespmem:v31+s0+$0x0] =	vst.idx.msk vm8, v16;
	v16 =	vsub.f32 v5, v38;
	v31 =	vmul.f32 v23, v23;
	v27 =	vnsel vm7, $0x0, v19  }
0x1a0: {  	vm7 =	vgt.s32 v18, $0x0;
	v28 =	vadd.s32 $0xFFFFFFFF, v21;
	v21 =	vsub.f32 v5, v34  }
0x1a1: {  	v19 =	vsub.f32 v4, v26;
	v63 =	vmul.f32 v17, v17;
	vm15 =	vgt.s32 v28, $0x0  }
0x1a2: {  	v30 =	vnsel vm7, $0x0, v18;
	v18 =	vsub.f32 v4, v36;
	v61 =	vmul.f32 v21, v21  }
0x1a3: {  	v35 =	vmul.f32 v16, v16;
	v62 =	vmul.f32 v19, v19;
	v26 =	vsub.f32 v5, v25  }
0x1a4: {  	v28 =	vnsel vm15, $0x0, v28;
	v34 =	vmul.f32 v18, v18;
	v36 =	vadd.f32 v61, v31  }
0x1a5: {  	s21 =	simm.s32 $0x8;
	s18 =	simm.s32 $0x40;
	v33 =	vadd.f32 v63, v62;
	v31 =	vmul.f32 v15, v15;
	v25 =	vmovc v20;
	v32 =	vmul.f32 v26, v26  }
.LBB2_7:
0x1a6: {  	vm9 =	vle.f32 v36, v3;
	v34 =	vadd.f32 v35, v34  }
0x1a7: {  	s21 =	sadd.s32 $0x4, s21;
	v29 =	vmin.u32 v29, $0x7F;
	[tilespmem:v22+s0+$0x0] =	vst.idx.msk vm6, v6;
	v6 =	vmovc v7;
	v7 =	vmov v26;
	vm7 =	vmmov vm2  }
0x1a8: {  	p0 =	slt.u32 s21, $0x1FC;
	v22 =	vmpcnt.ones.xlane vm9;
	vm2 =	vle.f32 v33, v3;
	v26 =	vadd.f32 v32, v31  }
0x1a9: {  	v31 =	vsel vm9, $0x1, v1;
	v32 =	vmpcnt.ones.xlane vm2;
	vm6 =	vle.f32 v34, v3  }
0x1aa: {  	v33 =	vadd.s32 v20, v22;
	v20 =	vmpcnt.ones.xlane vm6;
	vm10 =	vle.f32 v26, v3;
	(xrf0) =	vadd.scan.msk.s32 $0xffff, v31  }
0x1ab: {  	v22 =	vsel vm2, $0x1, v1;
	v26 =	vadd.s32 v33, v32;
	v31 =	vmpcnt.ones.xlane vm10  }
0x1ac: {  	v32 =	vsel vm6, $0x1, v1;
	v35 =	vsel vm10, $0x1, v1;
	v34 =	vadd.s32 v26, v20;
	(xrf0) =	vadd.scan.msk.s32 $0xffff, v22  }
0x1ad: {  	v27 =	vmin.u32 v27, $0x7F;
	v30 =	vmin.u32 v30, $0x7F;
	v20 =	vadd.s32 v34, v31;
	(xrf0) =	vadd.scan.msk.s32 $0xffff, v32  }
0x1ae: {  	s16 =	sadd.s32 $0x40, s16;
	vm8 =	vmmov vm5;
	v22 =	vmin.u32 v28, $0x7F;
	(xrf0) =	vadd.scan.msk.s32 $0xffff, v35;
	[tilespmem:v29+s30+$0x0] =	vst.idx.msk vm4, v24  }
0x1af: {  	s17 =	sadd.s32 $0x40, s17;
	vm5 =	vmmov vm6;
	vm6 =	vmmov vm3;
	vm3 =	vmmov vm10;
	v28 =	vld [tilespmem:s16+$0xFFFFFFE0];
	[tilespmem:v29+s31+$0x0] =	vst.idx.msk vm4, v13;
	v13 =	vmovc v23  }
0x1b0: {  	s22 =	sadd.s32 $0x10, s13;
	v31 =	vld [tilespmem:s17+$0xFFFFFFE0];
	v23, _, _ =	vpop (xrf0);
	[tilespmem:v29+s0+$0x0] =	vst.idx.msk vm4, v11;
	v11 =	vmov v21;
	vm4 =	vmmov vm9  }
0x1b1: {  	s13 =	sadd.s32 $0x40, s13;
	v32 =	vld [tilespmem:s16+$0xFFFFFFF0];
	v21 =	vadd.s32 v23, v25;
	v23 =	vor.u32 s22, v2;
	s22 =	sadd.s32 $0x20, s18;
	v25 =	vmov v20  }
0x1b2: {  	v24 =	vor.u32 s13, v2;
	v35 =	vld [tilespmem:s17+$0xFFFFFFF0];
	v21 =	vadd.s32 $0xFFFFFFFF, v21;
	v29, _, _ =	vpop (xrf0);
	[tilespmem:v27+s30+$0x0] =	vst.idx.msk vm7, v23;
	v23 =	vor.u32 s22, v2;
	s22 =	sadd.s32 $0x30, s18;
	s18 =	smov.u32 s13  }
0x1b3: {  	v36 =	vld [tilespmem:s16+$0x0];
	vm9 =	vgt.s32 v21, $0x0;
	v33 =	vadd.s32 v29, v33;
	v37, _, _ =	vpop (xrf0);
	[tilespmem:v27+s31+$0x0] =	vst.idx.msk vm7, v14;
	v38 =	vor.u32 s22, v2  }
0x1b4: {  	v39 =	vld [tilespmem:s17+$0x0];
	v29 =	vnsel vm9, $0x0, v21;
	v21 =	vadd.s32 $0xFFFFFFFF, v33;
	v40 =	vadd.s32 v37, v26;
	v26, _, _ =	vpop (xrf0);
	[tilespmem:v27+s0+$0x0] =	vst.idx.msk vm7, v12  }
0x1b5: {  	v14 =	vmovc v19;
	v33 =	vld [tilespmem:s16+$0x10];
	vm7 =	vgt.s32 v21, $0x0;
	v37 =	vadd.s32 $0xFFFFFFFF, v40;
	v40 =	vadd.s32 v26, v34;
	[tilespmem:v30+s30+$0x0] =	vst.idx.msk vm8, v23  }
0x1b6: {  	v12 =	vmovc v17;
	v26 =	vld [tilespmem:s17+$0x10];
	v27 =	vnsel vm7, $0x0, v21;
	vm7 =	vgt.s32 v37, $0x0;
	v34 =	vadd.s32 $0xFFFFFFFF, v40;
	[tilespmem:v30+s31+$0x0] =	vst.idx.msk vm8, v8;
	v8 =	vmovc v18  }
0x1b7: {  	v23 =	vsub.f32 v4, v28;
	v21 =	vsub.f32 v5, v31;
	vm9 =	vgt.s32 v34, $0x0;
	[tilespmem:v30+s0+$0x0] =	vst.idx.msk vm8, v10  }
0x1b8: {  	v19 =	vsub.f32 v4, v32;
	v17 =	vsub.f32 v5, v35;
	v30 =	vnsel vm7, $0x0, v37;
	[tilespmem:v22+s30+$0x0] =	vst.idx.msk vm6, v38  }
.Ltmp2:
0x1b9: {  	v18 =	vsub.f32 v4, v36;
	v28 =	vnsel vm9, $0x0, v34;
	v31 =	vsub.f32 v5, v39;
	[tilespmem:v22+s31+$0x0] =	vst.idx.msk vm6, v9;
	(pc) =	sbr.rel @p0 .LBB2_7-.Ltmp2, $4  }
0x1ba: {  	v10 =	vmovc v16;
	v32 =	vmul.f32 v21, v21;
	v39 =	vmul.f32 v23, v23;
	v37 =	vsub.f32 v4, v33  }
0x1bb: {  	v38 =	vmul.f32 v17, v17;
	v33 =	vmul.f32 v19, v19;
	v26 =	vsub.f32 v5, v26;
	v16 =	vmovc v31  }
0x1bc: {  	v9 =	vmovc v15;
	v34 =	vmul.f32 v18, v18;
	v36 =	vadd.f32 v32, v39;
	v35 =	vmul.f32 v31, v16  }
0x1bd: {  	v33 =	vadd.f32 v38, v33;
	v31 =	vmul.f32 v37, v37;
	v15 =	vmovc v37;
	v32 =	vmul.f32 v26, v26  }
0x1be: {  	_ = 	snop  }
0x1bf: {  	vm7 =	vle.f32 v36, v3;
	v4 =	vmin.u32 v29, $0x7F  }
0x1c0: {  	v5 =	vsel vm7, $0x1, v1  }
0x1c1: {  	vm8 =	vmmov vm2;
	(xrf0) =	vadd.scan.msk.s32 $0xffff, v5  }
0x1c2: {  	v27 =	vmin.u32 v27, $0x7F;
	vm2 =	vle.f32 v33, v3;
	v5 =	vadd.f32 v35, v34  }
0x1c3: {  	[tilespmem:v22+s0+$0x0] =	vst.idx.msk vm6, v6;
	vm5 =	vmmov vm5;
	v29 =	vsel vm2, $0x1, v1  }
0x1c4: {  	v22 =	vadd.f32 v32, v31;
	(xrf0) =	vadd.scan.msk.s32 $0xffff, v29;
	vm6 =	vle.f32 v5, v3;
	[tilespmem:v4+s30+$0x0] =	vst.idx.msk vm4, v24  }
0x1c5: {  	s16 =	sadd.s32 $0x10, s13;
	v6 =	vmpcnt.ones.xlane vm7;
	v29 =	vmin.u32 v30, $0x7F;
	v24 =	vsel vm6, $0x1, v1;
	[tilespmem:v4+s31+$0x0] =	vst.idx.msk vm4, v13  }
0x1c6: {  	(xrf0) =	vadd.scan.msk.s32 $0xffff, v24;
	[tilespmem:v4+s0+$0x0] =	vst.idx.msk vm4, v11;
	v4 =	vor.u32 s16, v2;
	vm4 =	vle.f32 v22, v3  }
0x1c7: {  	vm3 =	vmmov vm3;
	vm7 =	vmmov vm7;
	v13, _, _ =	vpop (xrf0);
	[tilespmem:v27+s30+$0x0] =	vst.idx.msk vm8, v4;
	v4 =	vsel vm4, $0x1, v1  }
0x1c8: {  	v6 =	vadd.s32 v20, v6;
	v5 =	vmpcnt.ones.xlane vm2;
	v11 =	vadd.s32 v13, v25  }
0x1c9: {  	s21 =	sadd.s32 $0x20, s18;
	vm2 =	vmmov vm2;
	v13 =	vmin.u32 v28, $0x7F;
	[tilespmem:v27+s31+$0x0] =	vst.idx.msk vm8, v14;
	v11 =	vadd.s32 $0xFFFFFFFF, v11  }
0x1ca: {  	(xrf0) =	vadd.scan.msk.s32 $0xffff, v4;
	v14 =	vor.u32 s21, v2;
	[tilespmem:v27+s0+$0x0] =	vst.idx.msk vm8, v12;
	v4, _, _ =	vpop (xrf0);
	vm9 =	vgt.s32 v11, $0x0  }
0x1cb: {  	v5 =	vadd.s32 v6, v5;
	[tilespmem:v29+s30+$0x0] =	vst.idx.msk vm5, v14;
	v4 =	vadd.s32 v4, v6;
	v11 =	vnsel vm9, $0x0, v11  }
0x1cc: {  	s22 =	sadd.s32 $0x30, s18;
	v12 =	vmpcnt.ones.xlane vm6;
	[tilespmem:v29+s31+$0x0] =	vst.idx.msk vm5, v8;
	v6, _, _ =	vpop (xrf0);
	v4 =	vadd.s32 $0xFFFFFFFF, v4;
	v8 =	vmin.u32 v11, $0x7F  }
0x1cd: {  	[tilespmem:v29+s0+$0x0] =	vst.idx.msk vm5, v10;
	v11 =	vor.u32 s22, v2;
	v6 =	vadd.s32 v6, v5;
	vm8 =	vgt.s32 v4, $0x0  }
0x1ce: {  	vm5 =	vmmov vm6;
	[tilespmem:v13+s30+$0x0] =	vst.idx.msk vm3, v11;
	v6 =	vadd.s32 $0xFFFFFFFF, v6;
	v4 =	vnsel vm8, $0x0, v4  }
0x1cf: {  	s23 =	sadd.s32 $0x40, s13;
	v5 =	vadd.s32 v5, v12;
	[tilespmem:v13+s31+$0x0] =	vst.idx.msk vm3, v9;
	vm6 =	vgt.s32 v6, $0x0;
	v4 =	vmin.u32 v4, $0x7F  }
0x1d0: {  	v9 =	vor.u32 s23, v2;
	v10, _, _ =	vpop (xrf0);
	[tilespmem:v13+s0+$0x0] =	vst.idx.msk vm3, v7;
	v6 =	vnsel vm6, $0x0, v6;
	vm3 =	vmmov vm5  }
0x1d1: {  	v5 =	vadd.s32 v10, v5;
	v6 =	vmin.u32 v6, $0x7F;
	[tilespmem:v8+s30+$0x0] =	vst.idx.msk vm7, v9  }
0x1d2: {  	s17 =	sadd.s32 $0x10, s23;
	v5 =	vadd.s32 $0xFFFFFFFF, v5;
	[tilespmem:v8+s31+$0x0] =	vst.idx.msk vm7, v23  }
0x1d3: {  	vm4 =	vmmov vm4;
	v7 =	vor.u32 s17, v2;
	vm5 =	vgt.s32 v5, $0x0;
	[tilespmem:v8+s0+$0x0] =	vst.idx.msk vm7, v21  }
0x1d4: {  	s18 =	sadd.s32 $0x20, s23;
	vm4 =	vmmov vm4;
	v5 =	vnsel vm5, $0x0, v5;
	[tilespmem:v4+s30+$0x0] =	vst.idx.msk vm2, v7  }
0x1d5: {  	v5 =	vmin.u32 v5, $0x7F;
	v7 =	vor.u32 s18, v2;
	[tilespmem:v4+s31+$0x0] =	vst.idx.msk vm2, v19  }
0x1d6: {  	[tilespmem:v6+s30+$0x0] =	vst.idx.msk vm3, v7  }
0x1d7: {  	[tilespmem:v4+s0+$0x0] =	vst.idx.msk vm2, v17  }
0x1d8: {  	s13 =	sor.u32 s5, s14;
	s21 =	sadd.s32 $0x30, s23;
	[tilespmem:v6+s31+$0x0] =	vst.idx.msk vm3, v18  }
0x1d9: {  	s22 =	sshll.u32 s13, $0x4;
	s17 =	sshll.u32 s12, $0x5;
	v4 =	vor.u32 s21, v2;
	[tilespmem:v6+s0+$0x0] =	vst.idx.msk vm3, v16  }
0x1da: {  	s16 =	sand.u32 $0xFF80, s22;
	s17 =	sand.u32 $0x60, s17;
	[tilespmem:v5+s30+$0x0] =	vst.idx.msk vm4, v4  }
0x1db: {  	s23 =	sor.u32 s17, s16;
	[tilespmem:v5+s31+$0x0] =	vst.idx.msk vm4, v15  }
0x1dc: {  	s17 =	simm.s32 $0x0;
	s21 =	sadd.s32 s8, s23;
	[tilespmem:v5+s0+$0x0] =	vst.idx.msk vm4, v26  }
0x1dd: {  	[hbm4b:s21+s17] =	stream.linear.scatter [tilespmem:s31], [sflag:$0x5], $0x80, $0x38;
	[tilespmem:$0x1C380] =	vst v63  }
0x1de: {  	_ =	swait.ge [sflag:s24], $0x80  }
0x1df: {  	[sflag:s24] =	ssyncset.done $0x0  }
0x1e0: {  	s18 =	sadd.s32 s9, s23;
	[sflag:s24] =	ssyncadd.s32 $0xFFFFFF80  }
0x1e1: {  	[hbm4b:s18+s17] =	stream.linear.scatter [tilespmem:s0], [sflag:$0x5], $0x80, $0x38;
	[tilespmem:$0x1C380] =	vst v63  }
0x1e2: {  	_ =	swait.ge [sflag:s24], $0x80  }
0x1e3: {  	[sflag:s24] =	ssyncset.done $0x0  }
0x1e4: {  	s22 =	sadd.s32 s14, s20;
	[sflag:s24] =	ssyncadd.s32 $0xFFFFFF80  }
0x1e5: {  	s18 =	sshll.u32 s22, $0xB;
	_ =	swait.ge [sflag:s29], $0x4000  }
0x1e6: {  	s18 =	sand.u32 $0x1FFFF800, s18;
	[sflag:s29] =	ssyncset.done $0x0  }
0x1e7: {  	s18 =	sadd.s32 s10, s18;
	[sflag:s29] =	ssyncadd.s32 $0xFFFFC000  }
0x1e8: {  	[hbm4b:s18+s17] =	stream.linear.scatter [tilespmem:s28], [sflag:$0x4], $0x4000, $0x38;
	[tilespmem:$0x1C380] =	vst v63  }
0x1e9: {  	_ =	swait.ge [sflag:s4], $0x4000  }
0x1ea: {  	[sflag:s4] =	ssyncset.done $0x0  }
0x1eb: {  	[sflag:s4] =	ssyncadd.s32 $0xFFFFC000  }
0x1ec: {  	v7 =	vimm.s32 $0x0;
	[tilespmem:s25], [sflag:$0x1] =	stream.indirect.gather [spmem:s2], $0x80, s30, s1, $0xb8;
	[tilespmem:$0x1C380] =	vst v63  }
0x1ed: {  	[tilespmem:$0x4200] =	vst v7  }
0x1ee: {  	[tilespmem:$0x4280] =	vst v0  }
0x1ef: {  	[tilespmem:$0x4210] =	vst v7  }
0x1f0: {  	[tilespmem:$0x4290] =	vst v0  }
0x1f1: {  	[tilespmem:$0x4220] =	vst v7  }
0x1f2: {  	[tilespmem:$0x42A0] =	vst v0  }
0x1f3: {  	[tilespmem:$0x4230] =	vst v7  }
0x1f4: {  	[tilespmem:$0x42B0] =	vst v0  }
0x1f5: {  	[tilespmem:$0x4240] =	vst v7  }
0x1f6: {  	[tilespmem:$0x42C0] =	vst v0  }
0x1f7: {  	[tilespmem:$0x4250] =	vst v7  }
0x1f8: {  	[tilespmem:$0x42D0] =	vst v0  }
0x1f9: {  	[tilespmem:$0x4260] =	vst v7  }
0x1fa: {  	[tilespmem:$0x42E0] =	vst v0  }
0x1fb: {  	[tilespmem:$0x4270] =	vst v7  }
0x1fc: {  	[tilespmem:$0x42F0] =	vst v0  }
0x1fd: {  	v4 =	vld [tilespmem:s15+$0x4000]  }
0x1fe: {  	s14 =	sor.u32 $0x1, s14;
	v5 =	vld [tilespmem:s15+$0x4080]  }
0x1ff: {  	s23 =	ssub.s32 s14, s15  }
0x200: {  	v6 =	vmov s23  }
0x201: {  	vm2 =	veq.s32 v6, v2  }
0x202: {  	v4 =	vnsel vm2, $0x0, v4  }
0x203: {  	(xrf2) =	vadd.scan.msk.f32 $0xffff, v4;
	v4 =	vnsel vm2, $0x0, v5  }
0x204: {  	(xrf2) =	vadd.scan.msk.f32 $0xffff, v4;
	_ =	sdelay $0x3  }
0x205: {  	s18 =	simm.s32 $0x20  }
0x206: {  	s21 =	simm.s32 $0x2020;
	v6 =	vld [tilespmem:s18+$0xFFFFFFE0]  }
0x207: {  	v8 =	vld [tilespmem:s21+$0xFFFFFFE0]  }
0x208: {  	v9 =	vld [tilespmem:s18+$0xFFFFFFF0]  }
0x209: {  	v10 =	vld [tilespmem:s21+$0xFFFFFFF0]  }
0x20a: {  	v11 =	vld [tilespmem:s18+$0x0];
	v4, _, _ =	vpop (xrf2)  }
0x20b: {  	v12 =	vld [tilespmem:s21+$0x0];
	v5, _, _ =	vpop (xrf2);
	v4 =	vbroadcast v4, $0xF  }
0x20c: {  	v14 =	vld [tilespmem:s21+$0x10];
	v5 =	vbroadcast v5, $0xF  }
0x20d: {  	v23 =	vsub.f32 v4, v6  }
0x20e: {  	v13 =	vld [tilespmem:s18+$0x10];
	v19 =	vsub.f32 v4, v9;
	v21 =	vsub.f32 v5, v8  }
0x20f: {  	v17 =	vsub.f32 v4, v11;
	v18 =	vsub.f32 v5, v10  }
0x210: {  	v15 =	vsub.f32 v5, v12;
	v8 =	vmul.f32 v23, v23;
	v9 =	vmul.f32 v21, v21  }
0x211: {  	v6 =	vsub.f32 v5, v14;
	v10 =	vmul.f32 v19, v19;
	v11 =	vmul.f32 v18, v18  }
0x212: {  	v12 =	vmul.f32 v15, v15;
	v8 =	vadd.f32 v9, v8;
	v9 =	vmul.f32 v17, v17  }
0x213: {  	v16 =	vsub.f32 v4, v13;
	v10 =	vadd.f32 v11, v10  }
0x214: {  	v13 =	vmul.f32 v6, v6;
	vm4 =	vle.f32 v8, v3;
	v8 =	vadd.f32 v12, v9  }
0x215: {  	v11 =	vmul.f32 v16, v16;
	vm2 =	vle.f32 v10, v3;
	v9 =	vsel vm4, $0x1, v1  }
0x216: {  	vm5 =	vle.f32 v8, v3;
	(xrf0) =	vadd.scan.msk.s32 $0xffff, v9;
	v8 =	vsel vm2, $0x1, v1  }
0x217: {  	v10 =	vadd.f32 v13, v11;
	(xrf0) =	vadd.scan.msk.s32 $0xffff, v8  }
0x218: {  	v9 =	vsel vm5, $0x1, v1;
	v8 =	vmpcnt.ones.xlane vm4  }
0x219: {  	s23 =	simm.s32 $0x2060;
	vm3 =	vle.f32 v10, v3;
	(xrf0) =	vadd.scan.msk.s32 $0xffff, v9;
	v9 =	vmpcnt.ones.xlane vm2  }
0x21a: {  	s22 =	simm.s32 $0x60;
	v25 =	vld [tilespmem:s23+$0x0];
	v10 =	vsel vm3, $0x1, v1;
	v11 =	vmpcnt.ones.xlane vm5;
	v8 =	vadd.s32 v7, v8  }
0x21b: {  	v12 =	vmpcnt.ones.xlane vm3;
	(xrf0) =	vadd.scan.msk.s32 $0xffff, v10;
	v10 =	vld [tilespmem:s22+$0xFFFFFFE0];
	v9 =	vadd.s32 v8, v9  }
0x21c: {  	v22 =	vld [tilespmem:s22+$0x0];
	v11 =	vadd.s32 v9, v11;
	v13, _, _ =	vpop (xrf0)  }
0x21d: {  	v24 =	vadd.s32 v11, v12;
	v12 =	vld [tilespmem:s23+$0xFFFFFFF0];
	v7 =	vadd.s32 v13, v7;
	v13, _, _ =	vpop (xrf0)  }
0x21e: {  	v14 =	vld [tilespmem:s23+$0xFFFFFFE0];
	v7 =	vadd.s32 $0xFFFFFFFF, v7;
	v8 =	vadd.s32 v13, v8  }
0x21f: {  	v20 =	vld [tilespmem:s22+$0xFFFFFFF0];
	vm4 =	vmmov vm4;
	v13, _, _ =	vpop (xrf0);
	vm6 =	vgt.s32 v7, $0x0;
	v8 =	vadd.s32 $0xFFFFFFFF, v8  }
0x220: {  	v27 =	vld [tilespmem:s22+$0x10];
	v9 =	vadd.s32 v13, v9;
	v13 =	vsub.f32 v4, v10;
	v10 =	vsub.f32 v5, v25  }
0x221: {  	v26 =	vnsel vm6, $0x0, v7;
	vm6 =	vgt.s32 v8, $0x0;
	v9 =	vadd.s32 $0xFFFFFFFF, v9  }
0x222: {  	v28 =	vld [tilespmem:s23+$0x10];
	v7, _, _ =	vpop (xrf0);
	v29 =	vnsel vm6, $0x0, v8;
	vm6 =	vgt.s32 v9, $0x0;
	v12 =	vsub.f32 v5, v12  }
0x223: {  	v8 =	vsub.f32 v4, v22;
	v7 =	vadd.s32 v7, v11;
	v11 =	vsub.f32 v5, v14  }
0x224: {  	v14 =	vsub.f32 v4, v20;
	v31 =	vnsel vm6, $0x0, v9;
	v20 =	vmul.f32 v13, v13  }
0x225: {  	v9 =	vsub.f32 v4, v27;
	v30 =	vadd.s32 $0xFFFFFFFF, v7;
	v27 =	vmul.f32 v12, v12  }
0x226: {  	vm7 =	vgt.s32 v30, $0x0;
	v22 =	vmul.f32 v11, v11;
	v25 =	vmul.f32 v14, v14  }
0x227: {  	v7 =	vsub.f32 v5, v28;
	v28 =	vmul.f32 v10, v10;
	v30 =	vnsel vm7, $0x0, v30  }
0x228: {  	v20 =	vadd.f32 v22, v20;
	v22 =	vmul.f32 v8, v8;
	v25 =	vadd.f32 v27, v25  }
0x229: {  	v53 =	vmul.f32 v7, v7;
	vm7 =	vmmov vm2;
	v27 =	vmul.f32 v9, v9  }
0x22a: {  	vm13 =	vle.f32 v20, v3;
	v20 =	vadd.f32 v28, v22;
	vm2 =	vle.f32 v25, v3  }
0x22b: {  	v25 =	vadd.f32 v53, v27;
	v22 =	vmpcnt.ones.xlane vm13;
	v27 =	vsel vm13, $0x1, v1  }
0x22c: {  	vm5 =	vmmov vm5;
	v26 =	vmin.u32 v26, $0x7F;
	v28 =	vmpcnt.ones.xlane vm2;
	(xrf0) =	vadd.scan.msk.s32 $0xffff, v27  }
0x22d: {  	vm6 =	vle.f32 v20, v3;
	v54 =	vadd.s32 v24, v22;
	v22 =	vsel vm2, $0x1, v1  }
0x22e: {  	vm10 =	vle.f32 v25, v3;
	v25 =	vadd.s32 v54, v28;
	v28 =	vsel vm6, $0x1, v1;
	(xrf0) =	vadd.scan.msk.s32 $0xffff, v22  }
0x22f: {  	vm3 =	vmmov vm3;
	vm8 =	vmmov vm5;
	(xrf0) =	vadd.scan.msk.s32 $0xffff, v28;
	v28 =	vmin.u32 v29, $0x7F  }
0x230: {  	v31 =	vmin.u32 v31, $0x7F;
	v20 =	vmpcnt.ones.xlane vm6;
	v29 =	vor.u32 s17, v2  }
0x231: {  	s18 =	simm.s32 $0x20A0;
	vm5 =	vmmov vm6;
	v22 =	vsel vm10, $0x1, v1;
	vm6 =	vmmov vm3;
	[tilespmem:v26+s26+$0x0] =	vst.idx.msk vm4, v29  }
0x232: {  	s21 =	simm.s32 $0x10;
	v57 =	vld [tilespmem:s18+$0xFFFFFFF0];
	v27 =	vmpcnt.ones.xlane vm10;
	s17 =	simm.s32 $0xA0;
	(xrf0) =	vadd.scan.msk.s32 $0xffff, v22;
	v22 =	vmin.u32 v30, $0x7F;
	[tilespmem:v26+s31+$0x0] =	vst.idx.msk vm4, v23;
	v23, _, _ =	vpop (xrf0)  }
0x233: {  	s23 =	simm.s32 $0x30;
	v30 =	vld [tilespmem:s17+$0xFFFFFFE0];
	[tilespmem:v26+s0+$0x0] =	vst.idx.msk vm4, v21;
	v21 =	vadd.s32 v23, v24;
	v23 =	vor.u32 s21, v2  }
0x234: {  	s22 =	simm.s32 $0x20;
	v37 =	vor.u32 s23, v2;
	v60 =	vld [tilespmem:s17+$0x10];
	[tilespmem:v28+s26+$0x0] =	vst.idx.msk vm7, v23  }
0x235: {  	vm3 =	vmmov vm10;
	v55 =	vadd.s32 v25, v20;
	v23 =	vor.u32 s22, v2;
	[tilespmem:v28+s31+$0x0] =	vst.idx.msk vm7, v19  }
0x236: {  	s15 =	simm.s32 $0x40;
	v38 =	vld [tilespmem:s18+$0x0];
	v20 =	vadd.s32 v55, v27;
	vm4 =	vmmov vm13;
	v21 =	vadd.s32 $0xFFFFFFFF, v21;
	v27, _, _ =	vpop (xrf0);
	[tilespmem:v31+s26+$0x0] =	vst.idx.msk vm8, v23  }
0x237: {  	v56 =	vld [tilespmem:s18+$0xFFFFFFE0];
	v24 =	vor.u32 s15, v2;
	vm14 =	vgt.s32 v21, $0x0;
	v27 =	vadd.s32 v27, v54;
	v59, _, _ =	vpop (xrf0);
	[tilespmem:v22+s26+$0x0] =	vst.idx.msk vm6, v37  }
0x238: {  	v26 =	vld [tilespmem:s17+$0xFFFFFFF0];
	v23 =	vsub.f32 v4, v30;
	v29 =	vnsel vm14, $0x0, v21;
	v21 =	vadd.s32 v59, v25;
	[tilespmem:v31+s31+$0x0] =	vst.idx.msk vm8, v17  }
0x239: {  	v58 =	vld [tilespmem:s17+$0x0];
	v19 =	vadd.s32 $0xFFFFFFFF, v27;
	v25, _, _ =	vpop (xrf0);
	v17 =	vsub.f32 v5, v57;
	[tilespmem:v22+s31+$0x0] =	vst.idx.msk vm6, v16;
	v16 =	vsub.f32 v4, v60  }
0x23a: {  	[tilespmem:v28+s0+$0x0] =	vst.idx.msk vm7, v18;
	vm7 =	vgt.s32 v19, $0x0;
	v18 =	vadd.s32 $0xFFFFFFFF, v21;
	v21 =	vadd.s32 v25, v55;
	v25 =	vld [tilespmem:s18+$0x10]  }
0x23b: {  	[tilespmem:v31+s0+$0x0] =	vst.idx.msk vm8, v15;
	v15 =	vsub.f32 v5, v38;
	v31 =	vmul.f32 v23, v23;
	v27 =	vnsel vm7, $0x0, v19  }
0x23c: {  	vm7 =	vgt.s32 v18, $0x0;
	v28 =	vadd.s32 $0xFFFFFFFF, v21;
	v21 =	vsub.f32 v5, v56  }
0x23d: {  	v19 =	vsub.f32 v4, v26;
	v63 =	vmul.f32 v17, v17;
	vm15 =	vgt.s32 v28, $0x0  }
0x23e: {  	v30 =	vnsel vm7, $0x0, v18;
	v18 =	vsub.f32 v4, v58;
	v61 =	vmul.f32 v21, v21  }
0x23f: {  	v35 =	vmul.f32 v15, v15;
	v62 =	vmul.f32 v19, v19;
	v26 =	vsub.f32 v5, v25  }
0x240: {  	v28 =	vnsel vm15, $0x0, v28;
	v34 =	vmul.f32 v18, v18;
	v36 =	vadd.f32 v61, v31  }
0x241: {  	s21 =	simm.s32 $0x40;
	s22 =	simm.s32 $0x8;
	v33 =	vadd.f32 v63, v62;
	v31 =	vmul.f32 v16, v16;
	v25 =	vmovc v20;
	v32 =	vmul.f32 v26, v26  }
.LBB2_9:
0x242: {  	vm9 =	vle.f32 v36, v3;
	v34 =	vadd.f32 v35, v34  }
0x243: {  	s22 =	sadd.s32 $0x4, s22;
	v29 =	vmin.u32 v29, $0x7F;
	[tilespmem:v22+s0+$0x0] =	vst.idx.msk vm6, v6;
	v6 =	vmovc v7;
	v7 =	vmov v26;
	vm7 =	vmmov vm2  }
0x244: {  	p0 =	slt.u32 s22, $0x1FC;
	v22 =	vmpcnt.ones.xlane vm9;
	vm2 =	vle.f32 v33, v3;
	v26 =	vadd.f32 v32, v31  }
0x245: {  	v31 =	vsel vm9, $0x1, v1;
	v32 =	vmpcnt.ones.xlane vm2;
	vm6 =	vle.f32 v34, v3  }
0x246: {  	v33 =	vadd.s32 v20, v22;
	v20 =	vmpcnt.ones.xlane vm6;
	vm10 =	vle.f32 v26, v3;
	(xrf0) =	vadd.scan.msk.s32 $0xffff, v31  }
0x247: {  	v22 =	vsel vm2, $0x1, v1;
	v26 =	vadd.s32 v33, v32;
	v31 =	vmpcnt.ones.xlane vm10  }
0x248: {  	v32 =	vsel vm6, $0x1, v1;
	v35 =	vsel vm10, $0x1, v1;
	v34 =	vadd.s32 v26, v20;
	(xrf0) =	vadd.scan.msk.s32 $0xffff, v22  }
0x249: {  	v27 =	vmin.u32 v27, $0x7F;
	v30 =	vmin.u32 v30, $0x7F;
	v20 =	vadd.s32 v34, v31;
	(xrf0) =	vadd.scan.msk.s32 $0xffff, v32  }
0x24a: {  	s17 =	sadd.s32 $0x40, s17;
	vm8 =	vmmov vm5;
	v22 =	vmin.u32 v28, $0x7F;
	(xrf0) =	vadd.scan.msk.s32 $0xffff, v35;
	[tilespmem:v29+s26+$0x0] =	vst.idx.msk vm4, v24  }
0x24b: {  	s18 =	sadd.s32 $0x40, s18;
	vm5 =	vmmov vm6;
	vm6 =	vmmov vm3;
	vm3 =	vmmov vm10;
	v28 =	vld [tilespmem:s17+$0xFFFFFFE0];
	[tilespmem:v29+s31+$0x0] =	vst.idx.msk vm4, v13;
	v13 =	vmovc v23  }
0x24c: {  	s23 =	sadd.s32 $0x10, s15;
	v31 =	vld [tilespmem:s18+$0xFFFFFFE0];
	v23, _, _ =	vpop (xrf0);
	[tilespmem:v29+s0+$0x0] =	vst.idx.msk vm4, v11;
	v11 =	vmov v21;
	vm4 =	vmmov vm9  }
0x24d: {  	s15 =	sadd.s32 $0x40, s15;
	v32 =	vld [tilespmem:s17+$0xFFFFFFF0];
	v21 =	vadd.s32 v23, v25;
	v23 =	vor.u32 s23, v2;
	s23 =	sadd.s32 $0x20, s21;
	v25 =	vmov v20  }
0x24e: {  	v24 =	vor.u32 s15, v2;
	v35 =	vld [tilespmem:s18+$0xFFFFFFF0];
	v21 =	vadd.s32 $0xFFFFFFFF, v21;
	v29, _, _ =	vpop (xrf0);
	[tilespmem:v27+s26+$0x0] =	vst.idx.msk vm7, v23;
	v23 =	vor.u32 s23, v2;
	s23 =	sadd.s32 $0x30, s21;
	s21 =	smov.u32 s15  }
0x24f: {  	v36 =	vld [tilespmem:s17+$0x0];
	vm9 =	vgt.s32 v21, $0x0;
	v33 =	vadd.s32 v29, v33;
	v37, _, _ =	vpop (xrf0);
	[tilespmem:v27+s31+$0x0] =	vst.idx.msk vm7, v14;
	v38 =	vor.u32 s23, v2  }
0x250: {  	v39 =	vld [tilespmem:s18+$0x0];
	v29 =	vnsel vm9, $0x0, v21;
	v21 =	vadd.s32 $0xFFFFFFFF, v33;
	v40 =	vadd.s32 v37, v26;
	v26, _, _ =	vpop (xrf0);
	[tilespmem:v27+s0+$0x0] =	vst.idx.msk vm7, v12  }
0x251: {  	v14 =	vmovc v19;
	v33 =	vld [tilespmem:s17+$0x10];
	vm7 =	vgt.s32 v21, $0x0;
	v37 =	vadd.s32 $0xFFFFFFFF, v40;
	v40 =	vadd.s32 v26, v34;
	[tilespmem:v30+s26+$0x0] =	vst.idx.msk vm8, v23  }
0x252: {  	v12 =	vmovc v17;
	v26 =	vld [tilespmem:s18+$0x10];
	v27 =	vnsel vm7, $0x0, v21;
	vm7 =	vgt.s32 v37, $0x0;
	v34 =	vadd.s32 $0xFFFFFFFF, v40;
	[tilespmem:v30+s31+$0x0] =	vst.idx.msk vm8, v8;
	v8 =	vmovc v18  }
0x253: {  	v23 =	vsub.f32 v4, v28;
	v21 =	vsub.f32 v5, v31;
	vm9 =	vgt.s32 v34, $0x0;
	[tilespmem:v30+s0+$0x0] =	vst.idx.msk vm8, v10  }
0x254: {  	v19 =	vsub.f32 v4, v32;
	v17 =	vsub.f32 v5, v35;
	v30 =	vnsel vm7, $0x0, v37;
	[tilespmem:v22+s26+$0x0] =	vst.idx.msk vm6, v38  }
.Ltmp3:
0x255: {  	v18 =	vsub.f32 v4, v36;
	v28 =	vnsel vm9, $0x0, v34;
	v31 =	vsub.f32 v5, v39;
	[tilespmem:v22+s31+$0x0] =	vst.idx.msk vm6, v9;
	(pc) =	sbr.rel @p0 .LBB2_9-.Ltmp3, $4  }
0x256: {  	v10 =	vmovc v15;
	v32 =	vmul.f32 v21, v21;
	v39 =	vmul.f32 v23, v23;
	v37 =	vsub.f32 v4, v33  }
0x257: {  	v38 =	vmul.f32 v17, v17;
	v33 =	vmul.f32 v19, v19;
	v26 =	vsub.f32 v5, v26;
	v15 =	vmovc v31  }
0x258: {  	v9 =	vmovc v16;
	v34 =	vmul.f32 v18, v18;
	v36 =	vadd.f32 v32, v39;
	v35 =	vmul.f32 v31, v15  }
0x259: {  	v33 =	vadd.f32 v38, v33;
	v31 =	vmul.f32 v37, v37;
	v16 =	vmovc v37;
	v32 =	vmul.f32 v26, v26  }
0x25a: {  	vm7 =	vle.f32 v36, v3;
	v4 =	vmin.u32 v29, $0x7F  }
0x25b: {  	v5 =	vsel vm7, $0x1, v1  }
0x25c: {  	vm8 =	vmmov vm2;
	v27 =	vmin.u32 v27, $0x7F;
	(xrf0) =	vadd.scan.msk.s32 $0xffff, v5  }
0x25d: {  	vm5 =	vmmov vm5;
	vm2 =	vle.f32 v33, v3;
	v5 =	vadd.f32 v35, v34  }
0x25e: {  	v51 =	vmin.u32 v30, $0x7F;
	vm3 =	vmmov vm3;
	v47 =	vsel vm2, $0x1, v1  }
0x25f: {  	v49 =	vadd.f32 v32, v31;
	(xrf0) =	vadd.scan.msk.s32 $0xffff, v47;
	vm14 =	vle.f32 v5, v3;
	[tilespmem:v4+s26+$0x0] =	vst.idx.msk vm4, v24  }
0x260: {  	s17 =	sadd.s32 $0x10, s15;
	v54 =	vmin.u32 v28, $0x7F;
	v50 =	vsel vm14, $0x1, v1;
	[tilespmem:v4+s31+$0x0] =	vst.idx.msk vm4, v13  }
0x261: {  	vm15 =	vle.f32 v49, v3;
	(xrf0) =	vadd.scan.msk.s32 $0xffff, v50;
	[tilespmem:v4+s0+$0x0] =	vst.idx.msk vm4, v11;
	v4 =	vor.u32 s17, v2  }
0x262: {  	s22 =	sadd.s32 $0x20, s21;
	v48 =	vmpcnt.ones.xlane vm7;
	v52, _, _ =	vpop (xrf0);
	[tilespmem:v27+s26+$0x0] =	vst.idx.msk vm8, v4;
	v4 =	vsel vm15, $0x1, v1  }
0x263: {  	[tilespmem:v22+s0+$0x0] =	vst.idx.msk vm6, v6;
	s23 =	sadd.s32 $0x30, s21;
	v55 =	vor.u32 s22, v2;
	vm7 =	vmmov vm7;
	v53 =	vadd.s32 v52, v25  }
0x264: {  	v59 =	vor.u32 s23, v2;
	v6 =	vadd.s32 v20, v48;
	[tilespmem:v51+s26+$0x0] =	vst.idx.msk vm5, v55;
	v11 =	vadd.s32 $0xFFFFFFFF, v53  }
0x265: {  	s18 =	sadd.s32 $0x40, s15;
	v5 =	vmpcnt.ones.xlane vm2;
	[tilespmem:v54+s26+$0x0] =	vst.idx.msk vm3, v59;
	(xrf0) =	vadd.scan.msk.s32 $0xffff, v4;
	v4, _, _ =	vpop (xrf0);
	vm9 =	vgt.s32 v11, $0x0  }
0x266: {  	v60 =	vor.u32 s18, v2;
	[tilespmem:v51+s31+$0x0] =	vst.idx.msk vm5, v8;
	v4 =	vadd.s32 v4, v6;
	v11 =	vnsel vm9, $0x0, v11  }
0x267: {  	v5 =	vadd.s32 v6, v5;
	[tilespmem:v54+s31+$0x0] =	vst.idx.msk vm3, v9;
	v58, _, _ =	vpop (xrf0);
	v4 =	vadd.s32 $0xFFFFFFFF, v4;
	v57 =	vmin.u32 v11, $0x7F  }
0x268: {  	vm2 =	vmmov vm2;
	[tilespmem:v51+s0+$0x0] =	vst.idx.msk vm5, v10;
	v6 =	vadd.s32 v58, v5;
	vm12 =	vgt.s32 v4, $0x0  }
0x269: {  	v56 =	vmpcnt.ones.xlane vm14;
	[tilespmem:v54+s0+$0x0] =	vst.idx.msk vm3, v7;
	v6 =	vadd.s32 $0xFFFFFFFF, v6;
	v4 =	vnsel vm12, $0x0, v4  }
0x26a: {  	vm13 =	vmmov vm14;
	[tilespmem:v27+s31+$0x0] =	vst.idx.msk vm8, v14;
	vm14 =	vgt.s32 v6, $0x0;
	v4 =	vmin.u32 v4, $0x7F  }
0x26b: {  	vm3 =	vmmov vm13;
	[tilespmem:v27+s0+$0x0] =	vst.idx.msk vm8, v12;
	v5 =	vadd.s32 v5, v56;
	v61, _, _ =	vpop (xrf0);
	v6 =	vnsel vm14, $0x0, v6  }
0x26c: {  	v5 =	vadd.s32 v61, v5;
	v6 =	vmin.u32 v6, $0x7F;
	[tilespmem:v57+s26+$0x0] =	vst.idx.msk vm7, v60  }
0x26d: {  	s21 =	sadd.s32 $0x10, s18;
	v5 =	vadd.s32 $0xFFFFFFFF, v5;
	[tilespmem:v57+s31+$0x0] =	vst.idx.msk vm7, v23  }
0x26e: {  	v62 =	vor.u32 s21, v2;
	vm4 =	vmmov vm15;
	vm15 =	vgt.s32 v5, $0x0;
	[tilespmem:v57+s0+$0x0] =	vst.idx.msk vm7, v21  }
0x26f: {  	s22 =	sadd.s32 $0x20, s18;
	vm4 =	vmmov vm4;
	v5 =	vnsel vm15, $0x0, v5;
	[tilespmem:v4+s26+$0x0] =	vst.idx.msk vm2, v62  }
0x270: {  	v63 =	vor.u32 s22, v2;
	v5 =	vmin.u32 v5, $0x7F;
	[tilespmem:v4+s31+$0x0] =	vst.idx.msk vm2, v19  }
0x271: {  	[tilespmem:v6+s26+$0x0] =	vst.idx.msk vm3, v63  }
0x272: {  	[tilespmem:v4+s0+$0x0] =	vst.idx.msk vm2, v17  }
0x273: {  	s15 =	sadd.s32 $0x30, s18;
	[tilespmem:v6+s31+$0x0] =	vst.idx.msk vm3, v18  }
0x274: {  	s14 =	sshll.u32 s14, $0x4;
	v4 =	vor.u32 s15, v2;
	[tilespmem:v6+s0+$0x0] =	vst.idx.msk vm3, v15  }
0x275: {  	s14 =	sand.u32 $0x70, s14;
	[tilespmem:v5+s26+$0x0] =	vst.idx.msk vm4, v4  }
0x276: {  	s14 =	sor.u32 s14, s16;
	[tilespmem:v5+s31+$0x0] =	vst.idx.msk vm4, v16  }
0x277: {  	s23 =	sadd.s32 s8, s14;
	[tilespmem:v5+s0+$0x0] =	vst.idx.msk vm4, v26  }
0x278: {  	[hbm4b:s23+s3] =	stream.linear.scatter [tilespmem:s31], [sflag:$0x5], $0x80, $0x38;
	[tilespmem:$0x1C380] =	vst v63  }
0x279: {  	_ =	swait.ge [sflag:s24], $0x80  }
0x27a: {  	[sflag:s24] =	ssyncset.done $0x0  }
0x27b: {  	s14 =	sadd.s32 s9, s14;
	[sflag:s24] =	ssyncadd.s32 $0xFFFFFF80  }
0x27c: {  	[hbm4b:s14+s3] =	stream.linear.scatter [tilespmem:s0], [sflag:$0x5], $0x80, $0x38;
	[tilespmem:$0x1C380] =	vst v63  }
0x27d: {  	_ =	swait.ge [sflag:s24], $0x80  }
0x27e: {  	[sflag:s24] =	ssyncset.done $0x0  }
0x27f: {  	[sflag:s24] =	ssyncadd.s32 $0xFFFFFF80  }
0x280: {  	_ =	swait.ge [sflag:s6], $0x4000  }
0x281: {  	s13 =	sshll.u32 s13, $0xB;
	s12 =	sadd.s32 $0x1, s12;
	[sflag:s6] =	ssyncset.done $0x0  }
0x282: {  	s13 =	sadd.s32 s10, s13;
	p0 =	sne.s32 s12, $0x40;
	[sflag:s6] =	ssyncadd.s32 $0xFFFFC000  }
0x283: {  	[hbm4b:s13+s3] =	stream.linear.scatter [tilespmem:s25], [sflag:$0x3], $0x4000, $0x38;
	[tilespmem:$0x1C380] =	vst v63  }
.Ltmp4:
0x284: {  	_ = 	snop;
	(pc) =	sbr.rel @p0 .LBB2_6-.Ltmp4, $4  }
0x285: {  	_ =	swait.ge [sflag:s7], $0x4000  }
0x286: {  	[sflag:s7] =	ssyncset.done $0x0  }
0x287: {  	[sflag:s7] =	ssyncadd.s32 $0xFFFFC000  }
0x288: {  	[tilespmem:s28], [sflag:$0x2] =	stream.indirect.gather [spmem:s2], $0x80, s26, s1, $0xb8;
	[tilespmem:$0x1C380] =	vst v63  }
0x289: {  	_ =	swait.ge [sflag:s29], $0x4000  }
0x28a: {  	[sflag:s29] =	ssyncset.done $0x0  }
0x28b: {  	s12 =	rddreg [dreg:$0xe];
	[sflag:s29] =	ssyncadd.s32 $0xFFFFC000  }
0x28c: {  	[hbm4b:s12+s3] =	stream.linear.scatter [tilespmem:s28], [sflag:$0x4], $0x4000, $0x38;
	[tilespmem:$0x1C380] =	vst v63  }
0x28d: {  	_ =	swait.ge [sflag:s4], $0x4000  }
0x28e: {  	[sflag:s4] =	ssyncset.done $0x0  }
0x28f: {  	[sflag:s4] =	ssyncadd.s32 $0xFFFFC000  }
0x290: {  	_ =	swait.ge [sflag:s7], $0x4000  }
0x291: {  	s11 =	sadd.s32 $0x1, s11;
	s23 =	rddreg [dreg:$0xf]  }
0x292: {  	p0 =	sne.s32 s11, s23  }
.Ltmp5:
0x293: {  	_ = 	snop;
	(pc) =	sbr.rel @p0 .LBB2_1-.Ltmp5, $3  }
0x294: {  	_ =	sdelay $0x1  }
0x295: {  	[sflag:s7] =	ssyncset.done $0x0  }
0x296: {  	[sflag:s7] =	ssyncadd.s32 $0xFFFFC000  }
0x297: {  	_ =	sfence.sel $0x180000  }
0x298: {  	[bflag:$0x0] =	sbarrier.arrive $0xFFFF  }
0x299: {  	_ =	strace $0x90000047  }
0x29a: {  	s0 =	stileid.u32;
	[bflag:$0x2] =	sbarrier.arrive $0xFFFF  }
0x29b: {  	p0 =	sne.s32 s0, $0x0;
	s0 =	rddreg [dreg:$0x2]  }
0x29c: {  	s0 =	sadd.s32 @!p0 $0x100000, s0  }
0x29d: {  	[sflag:s0] =	ssyncadd.tile.s32 @!p0 $0x1;
	_ =	shalt  }
.Lfunc_end2:
_tile_overlayer_lowered:
.L_overlay_start_2:
0x29e: {  	(tag) =	ssettag $0x2  }
0x29f: {  	s0 =	rddreg [dreg:$0x0];
	s2 =	stileid.u32  }
0x2a0: {  	s1 =	rddreg [dreg:$0x1];
	p0 =	sne.s32 s2, $0x0  }
0x2a1: {  	s3 =	rddreg [dreg:$0x2];
	[bflag:$0x3] =	sbarrier.arrive $0xFFFF;
	s2 =	simm.s32 @!p0 $0x1C05  }
0x2a2: {  	[timem:s3], [sflag:s2] =	dma.local @!p0 [hbm:s0], s1  }
0x2a3: {  	s0 =	simm.s32 @!p0 $0x5  }
0x2a4: {  	_ =	swait.ge @!p0 [sflag:s0], s1  }
0x2a5: {  	s1 =	ssub.s32 @!p0 $0x0, s1;
	[sflag:s0] =	ssyncset.done @!p0 $0x0  }
0x2a6: {  	[sflag:s0] =	ssyncadd.s32 @!p0 s1  }
0x2a7: {  	[bflag:$0x3] =	sbarrier.arrive $0xFFFF  }
0x2a8: {  	_ =	shalt  }

</sc_bundles>
